<compile_context>
chip_gen: v7x
topology: tpu7x:2x2x1
jax: 0.10.2.dev20260603
libtpu: 0.0.44.dev20260713+nightly
codegen_flags: <defaults>
</compile_context>

<pallas_src>
import functools

import jax
import jax.numpy as jnp
from jax import lax
from jax.experimental import pallas as pl
from jax.experimental.pallas import tpu as pltpu
from jax.experimental.pallas import tpu_sc as plsc

_R = 64
_K = 128
_C = _R + _R * _K
_B = 4096

_NW = 32
_BW = _B // _NW
_LN2 = 0.6931471805599453


def _vlog(s):
    bits = plsc.bitcast(s, jnp.int32)
    e = (bits >> 23) - 127
    f = plsc.bitcast((bits & 0x007FFFFF) | 0x3F800000, jnp.float32)
    z = (f - 1.0) / (f + 1.0)
    z2 = z * z
    p = z * (2.0 + z2 * (2.0 / 3.0 + z2 * (2.0 / 5.0 + z2 * (2.0 / 7.0))))
    return e.astype(jnp.float32) * _LN2 + p


def _sc_body(x_hbm, t_hbm, la_hbm, ela_hbm, clone_hbm, loss_hbm,
             xb, tb, cb, pxb, ptb, epob, cpb, lab, elab, spb, lossb):
    wid = lax.axis_index("s") * 2 + lax.axis_index("c")
    col0 = wid * _BW

    pltpu.sync_copy(x_hbm.at[pl.ds(0, _R), pl.ds(col0, _BW)], pxb)
    pltpu.sync_copy(t_hbm.at[pl.ds(0, _R), pl.ds(col0, _BW)], ptb)
    pltpu.sync_copy(la_hbm.at[pl.ds(0, _R), :], lab.at[pl.ds(0, _R), :])

    for j in range(_BW // 16):
        js = pl.ds(j * 16, 16)

        def par_row(r, carry):
            s, sa, dot, tg = carry
            v = pxb[r, js]
            e = jnp.exp(v)
            la_r = lab[r]
            ea = e * jnp.exp(la_r)
            epob[r, js] = e
            tv = ptb[r, js]
            return (s + e, sa + ea, dot + (v + la_r) * tv, tg + tv)

        z = jnp.zeros((16,), jnp.float32)
        s, sa, dot, tg = lax.fori_loop(0, _R, par_row, (z, z, z, z))
        spb[js] = s
        lossb[js] = dot - _vlog(sa) * tg

        def par_clone(r, c):
            cpb[r, js] = epob[r, js] / s
            return c

        lax.fori_loop(0, _R, par_clone, 0)

    pltpu.sync_copy(cpb, clone_hbm.at[pl.ds(0, _R), pl.ds(col0, _BW)])

    def group(g, carry):
        base = _R + g * _K
        pltpu.sync_copy(x_hbm.at[pl.ds(base, _K), pl.ds(col0, _BW)], xb)
        pltpu.sync_copy(t_hbm.at[pl.ds(base, _K), pl.ds(col0, _BW)], tb)
        pltpu.sync_copy(la_hbm.at[pl.ds(base, _K), :], lab)
        pltpu.sync_copy(ela_hbm.at[pl.ds(base, _K), :], elab)

        for j in range(_BW // 16):
            js = pl.ds(j * 16, 16)

            def child_row(r, carry):
                s, sa, dot, tg = carry
                v = xb[r, js]
                e = jnp.exp(v)
                ea = e * elab[r]
                cb[r, js] = e
                tv = tb[r, js]
                return (s + e, sa + ea, dot + (v + lab[r]) * tv, tg + tv)

            z = jnp.zeros((16,), jnp.float32)
            s, sa, dot, tg = lax.fori_loop(0, _K, child_row, (z, z, z, z))
            lossb[js] = lossb[js] + dot - _vlog(sa) * tg
            scale = epob[g, js] / (spb[js] * s)

            def child_scale(r, c):
                cb[r, js] = cb[r, js] * scale
                return c

            lax.fori_loop(0, _K, child_scale, 0)

        pltpu.sync_copy(cb, clone_hbm.at[pl.ds(base, _K), pl.ds(col0, _BW)])
        return carry

    lax.fori_loop(0, _R, group, 0)

    acc = jnp.zeros((16,), jnp.float32)
    for j in range(_BW // 16):
        acc = acc + lossb[pl.ds(j * 16, 16)]
    lossb[pl.ds(0, 16)] = acc
    pltpu.sync_copy(lossb.at[pl.ds(0, 16)], loss_hbm.at[pl.ds(wid * 16, 16)])


@functools.partial(jax.jit, static_argnames=("interpret",))
def kernel(pred, target, logit_adjustment, interpret=False):
    xT = pred.T
    tT = target.T
    la = jnp.broadcast_to(logit_adjustment[:, None], (_C, 16))
    ela = jnp.exp(la)
    mesh = plsc.VectorSubcoreMesh(core_axis_name="c", subcore_axis_name="s")
    f = pl.kernel(
        _sc_body,
        out_type=[
            jax.ShapeDtypeStruct((_C, _B), jnp.float32),
            jax.ShapeDtypeStruct((_NW * 16,), jnp.float32),
        ],
        mesh=mesh,
        scratch_types=[
            pltpu.VMEM((_K, _BW), jnp.float32),
            pltpu.VMEM((_K, _BW), jnp.float32),
            pltpu.VMEM((_K, _BW), jnp.float32),
            pltpu.VMEM((_R, _BW), jnp.float32),
            pltpu.VMEM((_R, _BW), jnp.float32),
            pltpu.VMEM((_R, _BW), jnp.float32),
            pltpu.VMEM((_R, _BW), jnp.float32),
            pltpu.VMEM((_K, 16), jnp.float32),
            pltpu.VMEM((_K, 16), jnp.float32),
            pltpu.VMEM((_BW,), jnp.float32),
            pltpu.VMEM((_BW,), jnp.float32),
        ],
        compiler_params=pltpu.CompilerParams(use_tc_tiling_on_sc=True, needs_layout_passes=False),
        interpret=interpret,
    )
    cloneT, lossp = f(xT, tT, la, ela)
    loss = -jnp.sum(lossp) / _B
    return (loss, cloneT.T)

# --- scband reference (transcript-rebuilt; emitter-appended) ---
"""Pipeline reference for scband-conditional-softmax-with-logit-adjustment-83726092468745 (READ-ONLY COPY).

The authoritative reference and input builder live on the scoring server;
editing this copy changes nothing except your own understanding.
"""

import jax, jax.numpy as jnp
import numpy as np

R = 64   # number of level-1 parent classes (indices 0..R-1)
K = 128  # children per parent
C = R + R * K  # 8256 total classes
B = 4096

# Sibling groups: group 0 = root's children (the R parents), then one group of K children per parent
GROUPS = [np.arange(R)] + [R + i * K + np.arange(K) for i in range(R)]


def setup_inputs(seed: int = 0) -> dict:
    key = jax.random.key(seed)
    k1, k2, k3 = jax.random.split(key, 3)
    pred = jax.random.normal(k1, (B, C), dtype=jnp.float32)
    target = jax.random.uniform(k2, (B, C), dtype=jnp.float32)
    # probs is a class-prior vector; logit_adjustment = tau * log(probs), tau = 1.0
    probs = jax.random.uniform(k3, (C,), minval=1e-3, maxval=1.0, dtype=jnp.float32)
    logit_adjustment = 1.0 * jnp.log(probs)
    return {"pred": pred, "target": target, "logit_adjustment": logit_adjustment}


def reference(pred, target, logit_adjustment):
    # pred_old = pred.clone(); pred = pred + logit_adjustment
    pred_adj = pred + logit_adjustment[None, :]
    p = pred_adj
    po = pred
    # conditional (per sibling group) log-softmax; groups are disjoint so scatter order is irrelevant
    for g in GROUPS:
        p = p.at[:, g].set(jax.nn.log_softmax(p[:, g], axis=1))
        po = po.at[:, g].set(jax.nn.log_softmax(po[:, g], axis=1))
    # mode='train' != 'TRAIN' -> inference branch runs: propagate parent log-probs to children
    clone = po
    for i in range(R):
        g = GROUPS[i + 1]
        clone = clone.at[:, g].set(po[:, g] + clone[:, i:i + 1])
    clone = jnp.exp(clone)
    # loss = -(pred * target).sum(dim=1).mean() on the logit-adjusted log-probs
    loss = -(p * target)
    loss = loss.sum(axis=1).mean()
    return (loss, clone)

if __name__ == "__main__":
    import jax
    _d = setup_inputs()
    print(jax.jit(kernel)(*tuple(_d.values())))

</pallas_src>

<mosaic_0001>
#map = affine_map<(d0, d1) -> (0, 0)>
#map1 = affine_map<(d0, d1) -> (0)>
module attributes {stable_mosaic.version = 14 : i64} {
  func.func @_sc_body(%arg0: i32, %arg1: i32, %arg2: memref<8256x4096xf32, #tpu.memory_space<hbm>>, %arg3: memref<8256x4096xf32, #tpu.memory_space<hbm>>, %arg4: memref<8256x16xf32, #tpu.memory_space<hbm>>, %arg5: memref<8256x16xf32, #tpu.memory_space<hbm>>, %arg6: memref<8256x4096xf32, #tpu.memory_space<hbm>>, %arg7: memref<512xf32, #tpu.memory_space<hbm>>, %arg8: memref<128x128xf32, #tpu.memory_space<vmem>>, %arg9: memref<128x128xf32, #tpu.memory_space<vmem>>, %arg10: memref<128x128xf32, #tpu.memory_space<vmem>>, %arg11: memref<64x128xf32, #tpu.memory_space<vmem>>, %arg12: memref<64x128xf32, #tpu.memory_space<vmem>>, %arg13: memref<64x128xf32, #tpu.memory_space<vmem>>, %arg14: memref<64x128xf32, #tpu.memory_space<vmem>>, %arg15: memref<128x16xf32, #tpu.memory_space<vmem>>, %arg16: memref<128x16xf32, #tpu.memory_space<vmem>>, %arg17: memref<128xf32, #tpu.memory_space<vmem>>, %arg18: memref<128xf32, #tpu.memory_space<vmem>>) attributes {dimension_semantics = [#tpu.dimension_semantics<core_parallel>, #tpu.dimension_semantics<subcore_parallel>], iteration_bounds = array<i64: 2, 16>, scalar_prefetch = 0 : i64, scratch_operands = 11 : i64, tpu.core_type = #tpu.core_type<sc_vector_subcore>, window_params = [{transform_indices = #map}, {transform_indices = #map}, {transform_indices = #map}, {transform_indices = #map}, {transform_indices = #map}, {transform_indices = #map1}]} {
    %mul3A = arith.constant 2 : i32
    %mul3A_0 = arith.muli %arg1, %mul3A : i32
    %add3A = arith.addi %mul3A_0, %arg0 : i32
    %mul3A_1 = arith.constant 128 : i32
    %mul3A_2 = arith.muli %add3A, %mul3A_1 : i32
    "tpu.region"() ({
      %run_scoped3A = tpu.sem_alloc : memref<!tpu.dma_semaphore, #tpu.memory_space<semaphore_mem>>
      %dma_start3A = arith.constant 0 : i32
      %dma_start3A_524 = tpu.memref_slice %arg2[%dma_start3A, %mul3A_2] : memref<8256x4096xf32, #tpu.memory_space<hbm>> -> memref<64x128xf32, #tpu.memory_space<hbm>>
      %dma_start3A_525 = arith.constant 0 : i32
      %dma_start3A_526 = tpu.memref_slice %arg2[%dma_start3A_525, %mul3A_2] : memref<8256x4096xf32, #tpu.memory_space<hbm>> -> memref<64x128xf32, #tpu.memory_space<hbm>>
      tpu.enqueue_dma source(%dma_start3A_526 : memref<64x128xf32, #tpu.memory_space<hbm>>) target(%arg11 : memref<64x128xf32, #tpu.memory_space<vmem>>) target_semaphore(%run_scoped3A : memref<!tpu.dma_semaphore, #tpu.memory_space<semaphore_mem>>)
      %dma_wait3A = arith.constant 0 : i32
      %dma_wait3A_527 = tpu.memref_slice %arg2[%dma_wait3A, %mul3A_2] : memref<8256x4096xf32, #tpu.memory_space<hbm>> -> memref<64x128xf32, #tpu.memory_space<hbm>>
      %dma_wait3A_528 = arith.constant 0 : i32
      %dma_wait3A_529 = tpu.memref_slice %arg2[%dma_wait3A_528, %mul3A_2] : memref<8256x4096xf32, #tpu.memory_space<hbm>> -> memref<64x128xf32, #tpu.memory_space<hbm>>
      tpu.wait_dma2 semaphore(%run_scoped3A : memref<!tpu.dma_semaphore, #tpu.memory_space<semaphore_mem>>) src(%dma_wait3A_529 : memref<64x128xf32, #tpu.memory_space<hbm>>) dst(%arg11 : memref<64x128xf32, #tpu.memory_space<vmem>>)
      tpu.yield
    }) : () -> ()
    "tpu.region"() ({
      %run_scoped3A = tpu.sem_alloc : memref<!tpu.dma_semaphore, #tpu.memory_space<semaphore_mem>>
      %dma_start3A = arith.constant 0 : i32
      %dma_start3A_524 = tpu.memref_slice %arg3[%dma_start3A, %mul3A_2] : memref<8256x4096xf32, #tpu.memory_space<hbm>> -> memref<64x128xf32, #tpu.memory_space<hbm>>
      %dma_start3A_525 = arith.constant 0 : i32
      %dma_start3A_526 = tpu.memref_slice %arg3[%dma_start3A_525, %mul3A_2] : memref<8256x4096xf32, #tpu.memory_space<hbm>> -> memref<64x128xf32, #tpu.memory_space<hbm>>
      tpu.enqueue_dma source(%dma_start3A_526 : memref<64x128xf32, #tpu.memory_space<hbm>>) target(%arg12 : memref<64x128xf32, #tpu.memory_space<vmem>>) target_semaphore(%run_scoped3A : memref<!tpu.dma_semaphore, #tpu.memory_space<semaphore_mem>>)
      %dma_wait3A = arith.constant 0 : i32
      %dma_wait3A_527 = tpu.memref_slice %arg3[%dma_wait3A, %mul3A_2] : memref<8256x4096xf32, #tpu.memory_space<hbm>> -> memref<64x128xf32, #tpu.memory_space<hbm>>
      %dma_wait3A_528 = arith.constant 0 : i32
      %dma_wait3A_529 = tpu.memref_slice %arg3[%dma_wait3A_528, %mul3A_2] : memref<8256x4096xf32, #tpu.memory_space<hbm>> -> memref<64x128xf32, #tpu.memory_space<hbm>>
      tpu.wait_dma2 semaphore(%run_scoped3A : memref<!tpu.dma_semaphore, #tpu.memory_space<semaphore_mem>>) src(%dma_wait3A_529 : memref<64x128xf32, #tpu.memory_space<hbm>>) dst(%arg12 : memref<64x128xf32, #tpu.memory_space<vmem>>)
      tpu.yield
    }) : () -> ()
    "tpu.region"() ({
      %run_scoped3A = tpu.sem_alloc : memref<!tpu.dma_semaphore, #tpu.memory_space<semaphore_mem>>
      %dma_start3A = arith.constant 0 : i32
      %dma_start3A_524 = arith.constant 0 : i32
      %dma_start3A_525 = tpu.memref_slice %arg15[%dma_start3A, %dma_start3A_524] : memref<128x16xf32, #tpu.memory_space<vmem>> -> memref<64x16xf32, #tpu.memory_space<vmem>>
      %dma_start3A_526 = arith.constant 0 : i32
      %dma_start3A_527 = arith.constant 0 : i32
      %dma_start3A_528 = tpu.memref_slice %arg4[%dma_start3A_526, %dma_start3A_527] : memref<8256x16xf32, #tpu.memory_space<hbm>> -> memref<64x16xf32, #tpu.memory_space<hbm>>
      %dma_start3A_529 = arith.constant 0 : i32
      %dma_start3A_530 = arith.constant 0 : i32
      %dma_start3A_531 = tpu.memref_slice %arg15[%dma_start3A_529, %dma_start3A_530] : memref<128x16xf32, #tpu.memory_space<vmem>> -> memref<64x16xf32, #tpu.memory_space<vmem>>
      %dma_start3A_532 = arith.constant 0 : i32
      %dma_start3A_533 = arith.constant 0 : i32
      %dma_start3A_534 = tpu.memref_slice %arg4[%dma_start3A_532, %dma_start3A_533] : memref<8256x16xf32, #tpu.memory_space<hbm>> -> memref<64x16xf32, #tpu.memory_space<hbm>>
      tpu.enqueue_dma source(%dma_start3A_534 : memref<64x16xf32, #tpu.memory_space<hbm>>) target(%dma_start3A_531 : memref<64x16xf32, #tpu.memory_space<vmem>>) target_semaphore(%run_scoped3A : memref<!tpu.dma_semaphore, #tpu.memory_space<semaphore_mem>>)
      %dma_wait3A = arith.constant 0 : i32
      %dma_wait3A_535 = arith.constant 0 : i32
      %dma_wait3A_536 = tpu.memref_slice %arg15[%dma_wait3A, %dma_wait3A_535] : memref<128x16xf32, #tpu.memory_space<vmem>> -> memref<64x16xf32, #tpu.memory_space<vmem>>
      %dma_wait3A_537 = arith.constant 0 : i32
      %dma_wait3A_538 = arith.constant 0 : i32
      %dma_wait3A_539 = tpu.memref_slice %arg4[%dma_wait3A_537, %dma_wait3A_538] : memref<8256x16xf32, #tpu.memory_space<hbm>> -> memref<64x16xf32, #tpu.memory_space<hbm>>
      %dma_wait3A_540 = arith.constant 0 : i32
      %dma_wait3A_541 = arith.constant 0 : i32
      %dma_wait3A_542 = tpu.memref_slice %arg15[%dma_wait3A_540, %dma_wait3A_541] : memref<128x16xf32, #tpu.memory_space<vmem>> -> memref<64x16xf32, #tpu.memory_space<vmem>>
      %dma_wait3A_543 = arith.constant 0 : i32
      %dma_wait3A_544 = arith.constant 0 : i32
      %dma_wait3A_545 = tpu.memref_slice %arg4[%dma_wait3A_543, %dma_wait3A_544] : memref<8256x16xf32, #tpu.memory_space<hbm>> -> memref<64x16xf32, #tpu.memory_space<hbm>>
      tpu.wait_dma2 semaphore(%run_scoped3A : memref<!tpu.dma_semaphore, #tpu.memory_space<semaphore_mem>>) src(%dma_wait3A_545 : memref<64x16xf32, #tpu.memory_space<hbm>>) dst(%dma_wait3A_542 : memref<64x16xf32, #tpu.memory_space<vmem>>)
      tpu.yield
    }) : () -> ()
    %broadcast_in_dim3A = arith.constant 0.000000e+00 : f32
    %broadcast_in_dim3A_3 = vector.broadcast %broadcast_in_dim3A : f32 to vector<16xf32>
    %scan3A = arith.constant 0 : i32
    %scan3A_4 = arith.constant 64 : i32
    %scan3A_5 = arith.addi %scan3A, %scan3A_4 : i32
    %scan3A_6 = arith.constant 1 : i32
    %scan3A_7:4 = scf.for %scan3A_524 = %scan3A to %scan3A_5 step %scan3A_6 iter_args(%scan3A_525 = %broadcast_in_dim3A_3, %scan3A_526 = %broadcast_in_dim3A_3, %scan3A_527 = %broadcast_in_dim3A_3, %scan3A_528 = %broadcast_in_dim3A_3) -> (vector<16xf32>, vector<16xf32>, vector<16xf32>, vector<16xf32>)  : i32 {
      %get3A_529 = arith.index_cast %scan3A_524 : i32 to index
      %get3A_530 = arith.constant 0 : index
      %get3A_531 = tpu.vector_load %arg11[%get3A_529, %get3A_530] {strides = array<i32>} : memref<64x128xf32, #tpu.memory_space<vmem>>, vector<16xf32>,
      %exp3A = math.exp %get3A_531 : vector<16xf32>
      %get3A_532 = arith.index_cast %scan3A_524 : i32 to index
      %get3A_533 = arith.constant 0 : index
      %get3A_534 = tpu.vector_load %arg15[%get3A_532, %get3A_533] {strides = array<i32>} : memref<128x16xf32, #tpu.memory_space<vmem>>, vector<16xf32>,
      %exp3A_535 = math.exp %get3A_534 : vector<16xf32>
      %mul3A_536 = arith.mulf %exp3A, %exp3A_535 : vector<16xf32>
      %swap3A_537 = arith.index_cast %scan3A_524 : i32 to index
      %swap3A_538 = arith.constant 0 : index
      %swap3A_539 = tpu.vector_load %arg13[%swap3A_537, %swap3A_538] {strides = array<i32>} : memref<64x128xf32, #tpu.memory_space<vmem>>, vector<16xf32>,
      tpu.vector_store %arg13[%swap3A_537, %swap3A_538], %exp3A {strides = array<i32>} : memref<64x128xf32, #tpu.memory_space<vmem>>, vector<16xf32>,
      %get3A_540 = arith.index_cast %scan3A_524 : i32 to index
      %get3A_541 = arith.constant 0 : index
      %get3A_542 = tpu.vector_load %arg12[%get3A_540, %get3A_541] {strides = array<i32>} : memref<64x128xf32, #tpu.memory_space<vmem>>, vector<16xf32>,
      %add3A_543 = arith.addf %scan3A_525, %exp3A : vector<16xf32>
      %add3A_544 = arith.addf %scan3A_526, %mul3A_536 : vector<16xf32>
      %add3A_545 = arith.addf %get3A_531, %get3A_534 : vector<16xf32>
      %mul3A_546 = arith.mulf %add3A_545, %get3A_542 : vector<16xf32>
      %add3A_547 = arith.addf %scan3A_527, %mul3A_546 : vector<16xf32>
      %add3A_548 = arith.addf %scan3A_528, %get3A_542 : vector<16xf32>
      scf.yield %add3A_543, %add3A_544, %add3A_547, %add3A_548 : vector<16xf32>, vector<16xf32>, vector<16xf32>, vector<16xf32>
    }
    %scan3A_8 = arith.constant 64 : i32
    %swap3A = arith.constant 0 : index
    %swap3A_9 = tpu.vector_load %arg17[%swap3A] {strides = array<i32>} : memref<128xf32, #tpu.memory_space<vmem>>, vector<16xf32>,
    tpu.vector_store %arg17[%swap3A], %scan3A_7#0 {strides = array<i32>} : memref<128xf32, #tpu.memory_space<vmem>>, vector<16xf32>,
    %bitcast3A = vector.bitcast %scan3A_7#1 : vector<16xf32> to vector<16xi32>
    %shift_right_arithmetic3A = arith.constant 23 : i32
    %shift_right_arithmetic3A_10 = vector.broadcast %shift_right_arithmetic3A : i32 to vector<16xi32>
    %shift_right_arithmetic3A_11 = arith.shrsi %bitcast3A, %shift_right_arithmetic3A_10 : vector<16xi32>
    %sub3A = arith.constant 127 : i32
    %sub3A_12 = vector.broadcast %sub3A : i32 to vector<16xi32>
    %sub3A_13 = arith.subi %shift_right_arithmetic3A_11, %sub3A_12 : vector<16xi32>
    %and3A = arith.constant 8388607 : i32
    %and3A_14 = vector.broadcast %and3A : i32 to vector<16xi32>
    %and3A_15 = arith.andi %bitcast3A, %and3A_14 : vector<16xi32>
    %or3A = arith.constant 1065353216 : i32
    %or3A_16 = vector.broadcast %or3A : i32 to vector<16xi32>
    %or3A_17 = arith.ori %and3A_15, %or3A_16 : vector<16xi32>
    %bitcast3A_18 = vector.bitcast %or3A_17 : vector<16xi32> to vector<16xf32>
    %sub3A_19 = arith.constant 1.000000e+00 : f32
    %sub3A_20 = vector.broadcast %sub3A_19 : f32 to vector<16xf32>
    %sub3A_21 = arith.subf %bitcast3A_18, %sub3A_20 : vector<16xf32>
    %add3A_22 = arith.constant 1.000000e+00 : f32
    %add3A_23 = vector.broadcast %add3A_22 : f32 to vector<16xf32>
    %add3A_24 = arith.addf %bitcast3A_18, %add3A_23 : vector<16xf32>
    %div3A = arith.divf %sub3A_21, %add3A_24 : vector<16xf32>
    %mul3A_25 = arith.mulf %div3A, %div3A : vector<16xf32>
    %mul3A_26 = arith.constant 0.285714298 : f32
    %mul3A_27 = vector.broadcast %mul3A_26 : f32 to vector<16xf32>
    %mul3A_28 = arith.mulf %mul3A_25, %mul3A_27 : vector<16xf32>
    %add3A_29 = arith.constant 4.000000e-01 : f32
    %add3A_30 = vector.broadcast %add3A_29 : f32 to vector<16xf32>
    %add3A_31 = arith.addf %add3A_30, %mul3A_28 : vector<16xf32>
    %mul3A_32 = arith.mulf %mul3A_25, %add3A_31 : vector<16xf32>
    %add3A_33 = arith.constant 0.666666686 : f32
    %add3A_34 = vector.broadcast %add3A_33 : f32 to vector<16xf32>
    %add3A_35 = arith.addf %add3A_34, %mul3A_32 : vector<16xf32>
    %mul3A_36 = arith.mulf %mul3A_25, %add3A_35 : vector<16xf32>
    %add3A_37 = arith.constant 2.000000e+00 : f32
    %add3A_38 = vector.broadcast %add3A_37 : f32 to vector<16xf32>
    %add3A_39 = arith.addf %add3A_38, %mul3A_36 : vector<16xf32>
    %mul3A_40 = arith.mulf %div3A, %add3A_39 : vector<16xf32>
    %convert_element_type3A = arith.sitofp %sub3A_13 : vector<16xi32> to vector<16xf32>
    %mul3A_41 = arith.constant 0.693147182 : f32
    %mul3A_42 = vector.broadcast %mul3A_41 : f32 to vector<16xf32>
    %mul3A_43 = arith.mulf %convert_element_type3A, %mul3A_42 : vector<16xf32>
    %add3A_44 = arith.addf %mul3A_43, %mul3A_40 : vector<16xf32>
    %mul3A_45 = arith.mulf %add3A_44, %scan3A_7#3 : vector<16xf32>
    %sub3A_46 = arith.subf %scan3A_7#2, %mul3A_45 : vector<16xf32>
    %swap3A_47 = arith.constant 0 : index
    %swap3A_48 = tpu.vector_load %arg18[%swap3A_47] {strides = array<i32>} : memref<128xf32, #tpu.memory_space<vmem>>, vector<16xf32>,
    tpu.vector_store %arg18[%swap3A_47], %sub3A_46 {strides = array<i32>} : memref<128xf32, #tpu.memory_space<vmem>>, vector<16xf32>,
    %scan3A_49 = arith.constant 0 : i32
    %scan3A_50 = arith.constant 0 : i32
    %scan3A_51 = arith.constant 64 : i32
    %scan3A_52 = arith.addi %scan3A_50, %scan3A_51 : i32
    %scan3A_53 = arith.constant 1 : i32
    scf.for %scan3A_524 = %scan3A_50 to %scan3A_52 step %scan3A_53  : i32 {
      %get3A_525 = arith.index_cast %scan3A_524 : i32 to index
      %get3A_526 = arith.constant 0 : index
      %get3A_527 = tpu.vector_load %arg13[%get3A_525, %get3A_526] {strides = array<i32>} : memref<64x128xf32, #tpu.memory_space<vmem>>, vector<16xf32>,
      %div3A_528 = arith.divf %get3A_527, %scan3A_7#0 : vector<16xf32>
      %swap3A_529 = arith.index_cast %scan3A_524 : i32 to index
      %swap3A_530 = arith.constant 0 : index
      %swap3A_531 = tpu.vector_load %arg14[%swap3A_529, %swap3A_530] {strides = array<i32>} : memref<64x128xf32, #tpu.memory_space<vmem>>, vector<16xf32>,
      tpu.vector_store %arg14[%swap3A_529, %swap3A_530], %div3A_528 {strides = array<i32>} : memref<64x128xf32, #tpu.memory_space<vmem>>, vector<16xf32>,
    }
    %scan3A_54 = arith.constant 64 : i32
    %broadcast_in_dim3A_55 = arith.constant 0.000000e+00 : f32
    %broadcast_in_dim3A_56 = vector.broadcast %broadcast_in_dim3A_55 : f32 to vector<16xf32>
    %scan3A_57 = arith.constant 0 : i32
    %scan3A_58 = arith.constant 64 : i32
    %scan3A_59 = arith.addi %scan3A_57, %scan3A_58 : i32
    %scan3A_60 = arith.constant 1 : i32
    %scan3A_61:4 = scf.for %scan3A_524 = %scan3A_57 to %scan3A_59 step %scan3A_60 iter_args(%scan3A_525 = %broadcast_in_dim3A_56, %scan3A_526 = %broadcast_in_dim3A_56, %scan3A_527 = %broadcast_in_dim3A_56, %scan3A_528 = %broadcast_in_dim3A_56) -> (vector<16xf32>, vector<16xf32>, vector<16xf32>, vector<16xf32>)  : i32 {
      %get3A_529 = arith.index_cast %scan3A_524 : i32 to index
      %get3A_530 = arith.constant 16 : index
      %get3A_531 = tpu.vector_load %arg11[%get3A_529, %get3A_530] {strides = array<i32>} : memref<64x128xf32, #tpu.memory_space<vmem>>, vector<16xf32>,
      %exp3A = math.exp %get3A_531 : vector<16xf32>
      %get3A_532 = arith.index_cast %scan3A_524 : i32 to index
      %get3A_533 = arith.constant 0 : index
      %get3A_534 = tpu.vector_load %arg15[%get3A_532, %get3A_533] {strides = array<i32>} : memref<128x16xf32, #tpu.memory_space<vmem>>, vector<16xf32>,
      %exp3A_535 = math.exp %get3A_534 : vector<16xf32>
      %mul3A_536 = arith.mulf %exp3A, %exp3A_535 : vector<16xf32>
      %swap3A_537 = arith.index_cast %scan3A_524 : i32 to index
      %swap3A_538 = arith.constant 16 : index
      %swap3A_539 = tpu.vector_load %arg13[%swap3A_537, %swap3A_538] {strides = array<i32>} : memref<64x128xf32, #tpu.memory_space<vmem>>, vector<16xf32>,
      tpu.vector_store %arg13[%swap3A_537, %swap3A_538], %exp3A {strides = array<i32>} : memref<64x128xf32, #tpu.memory_space<vmem>>, vector<16xf32>,
      %get3A_540 = arith.index_cast %scan3A_524 : i32 to index
      %get3A_541 = arith.constant 16 : index
      %get3A_542 = tpu.vector_load %arg12[%get3A_540, %get3A_541] {strides = array<i32>} : memref<64x128xf32, #tpu.memory_space<vmem>>, vector<16xf32>,
      %add3A_543 = arith.addf %scan3A_525, %exp3A : vector<16xf32>
      %add3A_544 = arith.addf %scan3A_526, %mul3A_536 : vector<16xf32>
      %add3A_545 = arith.addf %get3A_531, %get3A_534 : vector<16xf32>
      %mul3A_546 = arith.mulf %add3A_545, %get3A_542 : vector<16xf32>
      %add3A_547 = arith.addf %scan3A_527, %mul3A_546 : vector<16xf32>
      %add3A_548 = arith.addf %scan3A_528, %get3A_542 : vector<16xf32>
      scf.yield %add3A_543, %add3A_544, %add3A_547, %add3A_548 : vector<16xf32>, vector<16xf32>, vector<16xf32>, vector<16xf32>
    }
    %scan3A_62 = arith.constant 64 : i32
    %swap3A_63 = arith.constant 16 : index
    %swap3A_64 = tpu.vector_load %arg17[%swap3A_63] {strides = array<i32>} : memref<128xf32, #tpu.memory_space<vmem>>, vector<16xf32>,
    tpu.vector_store %arg17[%swap3A_63], %scan3A_61#0 {strides = array<i32>} : memref<128xf32, #tpu.memory_space<vmem>>, vector<16xf32>,
    %bitcast3A_65 = vector.bitcast %scan3A_61#1 : vector<16xf32> to vector<16xi32>
    %shift_right_arithmetic3A_66 = arith.constant 23 : i32
    %shift_right_arithmetic3A_67 = vector.broadcast %shift_right_arithmetic3A_66 : i32 to vector<16xi32>
    %shift_right_arithmetic3A_68 = arith.shrsi %bitcast3A_65, %shift_right_arithmetic3A_67 : vector<16xi32>
    %sub3A_69 = arith.constant 127 : i32
    %sub3A_70 = vector.broadcast %sub3A_69 : i32 to vector<16xi32>
    %sub3A_71 = arith.subi %shift_right_arithmetic3A_68, %sub3A_70 : vector<16xi32>
    %and3A_72 = arith.constant 8388607 : i32
    %and3A_73 = vector.broadcast %and3A_72 : i32 to vector<16xi32>
    %and3A_74 = arith.andi %bitcast3A_65, %and3A_73 : vector<16xi32>
    %or3A_75 = arith.constant 1065353216 : i32
    %or3A_76 = vector.broadcast %or3A_75 : i32 to vector<16xi32>
    %or3A_77 = arith.ori %and3A_74, %or3A_76 : vector<16xi32>
    %bitcast3A_78 = vector.bitcast %or3A_77 : vector<16xi32> to vector<16xf32>
    %sub3A_79 = arith.constant 1.000000e+00 : f32
    %sub3A_80 = vector.broadcast %sub3A_79 : f32 to vector<16xf32>
    %sub3A_81 = arith.subf %bitcast3A_78, %sub3A_80 : vector<16xf32>
    %add3A_82 = arith.constant 1.000000e+00 : f32
    %add3A_83 = vector.broadcast %add3A_82 : f32 to vector<16xf32>
    %add3A_84 = arith.addf %bitcast3A_78, %add3A_83 : vector<16xf32>
    %div3A_85 = arith.divf %sub3A_81, %add3A_84 : vector<16xf32>
    %mul3A_86 = arith.mulf %div3A_85, %div3A_85 : vector<16xf32>
    %mul3A_87 = arith.constant 0.285714298 : f32
    %mul3A_88 = vector.broadcast %mul3A_87 : f32 to vector<16xf32>
    %mul3A_89 = arith.mulf %mul3A_86, %mul3A_88 : vector<16xf32>
    %add3A_90 = arith.constant 4.000000e-01 : f32
    %add3A_91 = vector.broadcast %add3A_90 : f32 to vector<16xf32>
    %add3A_92 = arith.addf %add3A_91, %mul3A_89 : vector<16xf32>
    %mul3A_93 = arith.mulf %mul3A_86, %add3A_92 : vector<16xf32>
    %add3A_94 = arith.constant 0.666666686 : f32
    %add3A_95 = vector.broadcast %add3A_94 : f32 to vector<16xf32>
    %add3A_96 = arith.addf %add3A_95, %mul3A_93 : vector<16xf32>
    %mul3A_97 = arith.mulf %mul3A_86, %add3A_96 : vector<16xf32>
    %add3A_98 = arith.constant 2.000000e+00 : f32
    %add3A_99 = vector.broadcast %add3A_98 : f32 to vector<16xf32>
    %add3A_100 = arith.addf %add3A_99, %mul3A_97 : vector<16xf32>
    %mul3A_101 = arith.mulf %div3A_85, %add3A_100 : vector<16xf32>
    %convert_element_type3A_102 = arith.sitofp %sub3A_71 : vector<16xi32> to vector<16xf32>
    %mul3A_103 = arith.constant 0.693147182 : f32
    %mul3A_104 = vector.broadcast %mul3A_103 : f32 to vector<16xf32>
    %mul3A_105 = arith.mulf %convert_element_type3A_102, %mul3A_104 : vector<16xf32>
    %add3A_106 = arith.addf %mul3A_105, %mul3A_101 : vector<16xf32>
    %mul3A_107 = arith.mulf %add3A_106, %scan3A_61#3 : vector<16xf32>
    %sub3A_108 = arith.subf %scan3A_61#2, %mul3A_107 : vector<16xf32>
    %swap3A_109 = arith.constant 16 : index
    %swap3A_110 = tpu.vector_load %arg18[%swap3A_109] {strides = array<i32>} : memref<128xf32, #tpu.memory_space<vmem>>, vector<16xf32>,
    tpu.vector_store %arg18[%swap3A_109], %sub3A_108 {strides = array<i32>} : memref<128xf32, #tpu.memory_space<vmem>>, vector<16xf32>,
    %scan3A_111 = arith.constant 0 : i32
    %scan3A_112 = arith.constant 0 : i32
    %scan3A_113 = arith.constant 64 : i32
    %scan3A_114 = arith.addi %scan3A_112, %scan3A_113 : i32
    %scan3A_115 = arith.constant 1 : i32
    scf.for %scan3A_524 = %scan3A_112 to %scan3A_114 step %scan3A_115  : i32 {
      %get3A_525 = arith.index_cast %scan3A_524 : i32 to index
      %get3A_526 = arith.constant 16 : index
      %get3A_527 = tpu.vector_load %arg13[%get3A_525, %get3A_526] {strides = array<i32>} : memref<64x128xf32, #tpu.memory_space<vmem>>, vector<16xf32>,
      %div3A_528 = arith.divf %get3A_527, %scan3A_61#0 : vector<16xf32>
      %swap3A_529 = arith.index_cast %scan3A_524 : i32 to index
      %swap3A_530 = arith.constant 16 : index
      %swap3A_531 = tpu.vector_load %arg14[%swap3A_529, %swap3A_530] {strides = array<i32>} : memref<64x128xf32, #tpu.memory_space<vmem>>, vector<16xf32>,
      tpu.vector_store %arg14[%swap3A_529, %swap3A_530], %div3A_528 {strides = array<i32>} : memref<64x128xf32, #tpu.memory_space<vmem>>, vector<16xf32>,
    }
    %scan3A_116 = arith.constant 64 : i32
    %broadcast_in_dim3A_117 = arith.constant 0.000000e+00 : f32
    %broadcast_in_dim3A_118 = vector.broadcast %broadcast_in_dim3A_117 : f32 to vector<16xf32>
    %scan3A_119 = arith.constant 0 : i32
    %scan3A_120 = arith.constant 64 : i32
    %scan3A_121 = arith.addi %scan3A_119, %scan3A_120 : i32
    %scan3A_122 = arith.constant 1 : i32
    %scan3A_123:4 = scf.for %scan3A_524 = %scan3A_119 to %scan3A_121 step %scan3A_122 iter_args(%scan3A_525 = %broadcast_in_dim3A_118, %scan3A_526 = %broadcast_in_dim3A_118, %scan3A_527 = %broadcast_in_dim3A_118, %scan3A_528 = %broadcast_in_dim3A_118) -> (vector<16xf32>, vector<16xf32>, vector<16xf32>, vector<16xf32>)  : i32 {
      %get3A_529 = arith.index_cast %scan3A_524 : i32 to index
      %get3A_530 = arith.constant 32 : index
      %get3A_531 = tpu.vector_load %arg11[%get3A_529, %get3A_530] {strides = array<i32>} : memref<64x128xf32, #tpu.memory_space<vmem>>, vector<16xf32>,
      %exp3A = math.exp %get3A_531 : vector<16xf32>
      %get3A_532 = arith.index_cast %scan3A_524 : i32 to index
      %get3A_533 = arith.constant 0 : index
      %get3A_534 = tpu.vector_load %arg15[%get3A_532, %get3A_533] {strides = array<i32>} : memref<128x16xf32, #tpu.memory_space<vmem>>, vector<16xf32>,
      %exp3A_535 = math.exp %get3A_534 : vector<16xf32>
      %mul3A_536 = arith.mulf %exp3A, %exp3A_535 : vector<16xf32>
      %swap3A_537 = arith.index_cast %scan3A_524 : i32 to index
      %swap3A_538 = arith.constant 32 : index
      %swap3A_539 = tpu.vector_load %arg13[%swap3A_537, %swap3A_538] {strides = array<i32>} : memref<64x128xf32, #tpu.memory_space<vmem>>, vector<16xf32>,
      tpu.vector_store %arg13[%swap3A_537, %swap3A_538], %exp3A {strides = array<i32>} : memref<64x128xf32, #tpu.memory_space<vmem>>, vector<16xf32>,
      %get3A_540 = arith.index_cast %scan3A_524 : i32 to index
      %get3A_541 = arith.constant 32 : index
      %get3A_542 = tpu.vector_load %arg12[%get3A_540, %get3A_541] {strides = array<i32>} : memref<64x128xf32, #tpu.memory_space<vmem>>, vector<16xf32>,
      %add3A_543 = arith.addf %scan3A_525, %exp3A : vector<16xf32>
      %add3A_544 = arith.addf %scan3A_526, %mul3A_536 : vector<16xf32>
      %add3A_545 = arith.addf %get3A_531, %get3A_534 : vector<16xf32>
      %mul3A_546 = arith.mulf %add3A_545, %get3A_542 : vector<16xf32>
      %add3A_547 = arith.addf %scan3A_527, %mul3A_546 : vector<16xf32>
      %add3A_548 = arith.addf %scan3A_528, %get3A_542 : vector<16xf32>
      scf.yield %add3A_543, %add3A_544, %add3A_547, %add3A_548 : vector<16xf32>, vector<16xf32>, vector<16xf32>, vector<16xf32>
    }
    %scan3A_124 = arith.constant 64 : i32
    %swap3A_125 = arith.constant 32 : index
    %swap3A_126 = tpu.vector_load %arg17[%swap3A_125] {strides = array<i32>} : memref<128xf32, #tpu.memory_space<vmem>>, vector<16xf32>,
    tpu.vector_store %arg17[%swap3A_125], %scan3A_123#0 {strides = array<i32>} : memref<128xf32, #tpu.memory_space<vmem>>, vector<16xf32>,
    %bitcast3A_127 = vector.bitcast %scan3A_123#1 : vector<16xf32> to vector<16xi32>
    %shift_right_arithmetic3A_128 = arith.constant 23 : i32
    %shift_right_arithmetic3A_129 = vector.broadcast %shift_right_arithmetic3A_128 : i32 to vector<16xi32>
    %shift_right_arithmetic3A_130 = arith.shrsi %bitcast3A_127, %shift_right_arithmetic3A_129 : vector<16xi32>
    %sub3A_131 = arith.constant 127 : i32
    %sub3A_132 = vector.broadcast %sub3A_131 : i32 to vector<16xi32>
    %sub3A_133 = arith.subi %shift_right_arithmetic3A_130, %sub3A_132 : vector<16xi32>
    %and3A_134 = arith.constant 8388607 : i32
    %and3A_135 = vector.broadcast %and3A_134 : i32 to vector<16xi32>
    %and3A_136 = arith.andi %bitcast3A_127, %and3A_135 : vector<16xi32>
    %or3A_137 = arith.constant 1065353216 : i32
    %or3A_138 = vector.broadcast %or3A_137 : i32 to vector<16xi32>
    %or3A_139 = arith.ori %and3A_136, %or3A_138 : vector<16xi32>
    %bitcast3A_140 = vector.bitcast %or3A_139 : vector<16xi32> to vector<16xf32>
    %sub3A_141 = arith.constant 1.000000e+00 : f32
    %sub3A_142 = vector.broadcast %sub3A_141 : f32 to vector<16xf32>
    %sub3A_143 = arith.subf %bitcast3A_140, %sub3A_142 : vector<16xf32>
    %add3A_144 = arith.constant 1.000000e+00 : f32
    %add3A_145 = vector.broadcast %add3A_144 : f32 to vector<16xf32>
    %add3A_146 = arith.addf %bitcast3A_140, %add3A_145 : vector<16xf32>
    %div3A_147 = arith.divf %sub3A_143, %add3A_146 : vector<16xf32>
    %mul3A_148 = arith.mulf %div3A_147, %div3A_147 : vector<16xf32>
    %mul3A_149 = arith.constant 0.285714298 : f32
    %mul3A_150 = vector.broadcast %mul3A_149 : f32 to vector<16xf32>
    %mul3A_151 = arith.mulf %mul3A_148, %mul3A_150 : vector<16xf32>
    %add3A_152 = arith.constant 4.000000e-01 : f32
    %add3A_153 = vector.broadcast %add3A_152 : f32 to vector<16xf32>
    %add3A_154 = arith.addf %add3A_153, %mul3A_151 : vector<16xf32>
    %mul3A_155 = arith.mulf %mul3A_148, %add3A_154 : vector<16xf32>
    %add3A_156 = arith.constant 0.666666686 : f32
    %add3A_157 = vector.broadcast %add3A_156 : f32 to vector<16xf32>
    %add3A_158 = arith.addf %add3A_157, %mul3A_155 : vector<16xf32>
    %mul3A_159 = arith.mulf %mul3A_148, %add3A_158 : vector<16xf32>
    %add3A_160 = arith.constant 2.000000e+00 : f32
    %add3A_161 = vector.broadcast %add3A_160 : f32 to vector<16xf32>
    %add3A_162 = arith.addf %add3A_161, %mul3A_159 : vector<16xf32>
    %mul3A_163 = arith.mulf %div3A_147, %add3A_162 : vector<16xf32>
    %convert_element_type3A_164 = arith.sitofp %sub3A_133 : vector<16xi32> to vector<16xf32>
    %mul3A_165 = arith.constant 0.693147182 : f32
    %mul3A_166 = vector.broadcast %mul3A_165 : f32 to vector<16xf32>
    %mul3A_167 = arith.mulf %convert_element_type3A_164, %mul3A_166 : vector<16xf32>
    %add3A_168 = arith.addf %mul3A_167, %mul3A_163 : vector<16xf32>
    %mul3A_169 = arith.mulf %add3A_168, %scan3A_123#3 : vector<16xf32>
    %sub3A_170 = arith.subf %scan3A_123#2, %mul3A_169 : vector<16xf32>
    %swap3A_171 = arith.constant 32 : index
    %swap3A_172 = tpu.vector_load %arg18[%swap3A_171] {strides = array<i32>} : memref<128xf32, #tpu.memory_space<vmem>>, vector<16xf32>,
    tpu.vector_store %arg18[%swap3A_171], %sub3A_170 {strides = array<i32>} : memref<128xf32, #tpu.memory_space<vmem>>, vector<16xf32>,
    %scan3A_173 = arith.constant 0 : i32
    %scan3A_174 = arith.constant 0 : i32
    %scan3A_175 = arith.constant 64 : i32
    %scan3A_176 = arith.addi %scan3A_174, %scan3A_175 : i32
    %scan3A_177 = arith.constant 1 : i32
    scf.for %scan3A_524 = %scan3A_174 to %scan3A_176 step %scan3A_177  : i32 {
      %get3A_525 = arith.index_cast %scan3A_524 : i32 to index
      %get3A_526 = arith.constant 32 : index
      %get3A_527 = tpu.vector_load %arg13[%get3A_525, %get3A_526] {strides = array<i32>} : memref<64x128xf32, #tpu.memory_space<vmem>>, vector<16xf32>,
      %div3A_528 = arith.divf %get3A_527, %scan3A_123#0 : vector<16xf32>
      %swap3A_529 = arith.index_cast %scan3A_524 : i32 to index
      %swap3A_530 = arith.constant 32 : index
      %swap3A_531 = tpu.vector_load %arg14[%swap3A_529, %swap3A_530] {strides = array<i32>} : memref<64x128xf32, #tpu.memory_space<vmem>>, vector<16xf32>,
      tpu.vector_store %arg14[%swap3A_529, %swap3A_530], %div3A_528 {strides = array<i32>} : memref<64x128xf32, #tpu.memory_space<vmem>>, vector<16xf32>,
    }
    %scan3A_178 = arith.constant 64 : i32
    %broadcast_in_dim3A_179 = arith.constant 0.000000e+00 : f32
    %broadcast_in_dim3A_180 = vector.broadcast %broadcast_in_dim3A_179 : f32 to vector<16xf32>
    %scan3A_181 = arith.constant 0 : i32
    %scan3A_182 = arith.constant 64 : i32
    %scan3A_183 = arith.addi %scan3A_181, %scan3A_182 : i32
    %scan3A_184 = arith.constant 1 : i32
    %scan3A_185:4 = scf.for %scan3A_524 = %scan3A_181 to %scan3A_183 step %scan3A_184 iter_args(%scan3A_525 = %broadcast_in_dim3A_180, %scan3A_526 = %broadcast_in_dim3A_180, %scan3A_527 = %broadcast_in_dim3A_180, %scan3A_528 = %broadcast_in_dim3A_180) -> (vector<16xf32>, vector<16xf32>, vector<16xf32>, vector<16xf32>)  : i32 {
      %get3A_529 = arith.index_cast %scan3A_524 : i32 to index
      %get3A_530 = arith.constant 48 : index
      %get3A_531 = tpu.vector_load %arg11[%get3A_529, %get3A_530] {strides = array<i32>} : memref<64x128xf32, #tpu.memory_space<vmem>>, vector<16xf32>,
      %exp3A = math.exp %get3A_531 : vector<16xf32>
      %get3A_532 = arith.index_cast %scan3A_524 : i32 to index
      %get3A_533 = arith.constant 0 : index
      %get3A_534 = tpu.vector_load %arg15[%get3A_532, %get3A_533] {strides = array<i32>} : memref<128x16xf32, #tpu.memory_space<vmem>>, vector<16xf32>,
      %exp3A_535 = math.exp %get3A_534 : vector<16xf32>
      %mul3A_536 = arith.mulf %exp3A, %exp3A_535 : vector<16xf32>
      %swap3A_537 = arith.index_cast %scan3A_524 : i32 to index
      %swap3A_538 = arith.constant 48 : index
      %swap3A_539 = tpu.vector_load %arg13[%swap3A_537, %swap3A_538] {strides = array<i32>} : memref<64x128xf32, #tpu.memory_space<vmem>>, vector<16xf32>,
      tpu.vector_store %arg13[%swap3A_537, %swap3A_538], %exp3A {strides = array<i32>} : memref<64x128xf32, #tpu.memory_space<vmem>>, vector<16xf32>,
      %get3A_540 = arith.index_cast %scan3A_524 : i32 to index
      %get3A_541 = arith.constant 48 : index
      %get3A_542 = tpu.vector_load %arg12[%get3A_540, %get3A_541] {strides = array<i32>} : memref<64x128xf32, #tpu.memory_space<vmem>>, vector<16xf32>,
      %add3A_543 = arith.addf %scan3A_525, %exp3A : vector<16xf32>
      %add3A_544 = arith.addf %scan3A_526, %mul3A_536 : vector<16xf32>
      %add3A_545 = arith.addf %get3A_531, %get3A_534 : vector<16xf32>
      %mul3A_546 = arith.mulf %add3A_545, %get3A_542 : vector<16xf32>
      %add3A_547 = arith.addf %scan3A_527, %mul3A_546 : vector<16xf32>
      %add3A_548 = arith.addf %scan3A_528, %get3A_542 : vector<16xf32>
      scf.yield %add3A_543, %add3A_544, %add3A_547, %add3A_548 : vector<16xf32>, vector<16xf32>, vector<16xf32>, vector<16xf32>
    }
    %scan3A_186 = arith.constant 64 : i32
    %swap3A_187 = arith.constant 48 : index
    %swap3A_188 = tpu.vector_load %arg17[%swap3A_187] {strides = array<i32>} : memref<128xf32, #tpu.memory_space<vmem>>, vector<16xf32>,
    tpu.vector_store %arg17[%swap3A_187], %scan3A_185#0 {strides = array<i32>} : memref<128xf32, #tpu.memory_space<vmem>>, vector<16xf32>,
    %bitcast3A_189 = vector.bitcast %scan3A_185#1 : vector<16xf32> to vector<16xi32>
    %shift_right_arithmetic3A_190 = arith.constant 23 : i32
    %shift_right_arithmetic3A_191 = vector.broadcast %shift_right_arithmetic3A_190 : i32 to vector<16xi32>
    %shift_right_arithmetic3A_192 = arith.shrsi %bitcast3A_189, %shift_right_arithmetic3A_191 : vector<16xi32>
    %sub3A_193 = arith.constant 127 : i32
    %sub3A_194 = vector.broadcast %sub3A_193 : i32 to vector<16xi32>
    %sub3A_195 = arith.subi %shift_right_arithmetic3A_192, %sub3A_194 : vector<16xi32>
    %and3A_196 = arith.constant 8388607 : i32
    %and3A_197 = vector.broadcast %and3A_196 : i32 to vector<16xi32>
    %and3A_198 = arith.andi %bitcast3A_189, %and3A_197 : vector<16xi32>
    %or3A_199 = arith.constant 1065353216 : i32
    %or3A_200 = vector.broadcast %or3A_199 : i32 to vector<16xi32>
    %or3A_201 = arith.ori %and3A_198, %or3A_200 : vector<16xi32>
    %bitcast3A_202 = vector.bitcast %or3A_201 : vector<16xi32> to vector<16xf32>
    %sub3A_203 = arith.constant 1.000000e+00 : f32
    %sub3A_204 = vector.broadcast %sub3A_203 : f32 to vector<16xf32>
    %sub3A_205 = arith.subf %bitcast3A_202, %sub3A_204 : vector<16xf32>
    %add3A_206 = arith.constant 1.000000e+00 : f32
    %add3A_207 = vector.broadcast %add3A_206 : f32 to vector<16xf32>
    %add3A_208 = arith.addf %bitcast3A_202, %add3A_207 : vector<16xf32>
    %div3A_209 = arith.divf %sub3A_205, %add3A_208 : vector<16xf32>
    %mul3A_210 = arith.mulf %div3A_209, %div3A_209 : vector<16xf32>
    %mul3A_211 = arith.constant 0.285714298 : f32
    %mul3A_212 = vector.broadcast %mul3A_211 : f32 to vector<16xf32>
    %mul3A_213 = arith.mulf %mul3A_210, %mul3A_212 : vector<16xf32>
    %add3A_214 = arith.constant 4.000000e-01 : f32
    %add3A_215 = vector.broadcast %add3A_214 : f32 to vector<16xf32>
    %add3A_216 = arith.addf %add3A_215, %mul3A_213 : vector<16xf32>
    %mul3A_217 = arith.mulf %mul3A_210, %add3A_216 : vector<16xf32>
    %add3A_218 = arith.constant 0.666666686 : f32
    %add3A_219 = vector.broadcast %add3A_218 : f32 to vector<16xf32>
    %add3A_220 = arith.addf %add3A_219, %mul3A_217 : vector<16xf32>
    %mul3A_221 = arith.mulf %mul3A_210, %add3A_220 : vector<16xf32>
    %add3A_222 = arith.constant 2.000000e+00 : f32
    %add3A_223 = vector.broadcast %add3A_222 : f32 to vector<16xf32>
    %add3A_224 = arith.addf %add3A_223, %mul3A_221 : vector<16xf32>
    %mul3A_225 = arith.mulf %div3A_209, %add3A_224 : vector<16xf32>
    %convert_element_type3A_226 = arith.sitofp %sub3A_195 : vector<16xi32> to vector<16xf32>
    %mul3A_227 = arith.constant 0.693147182 : f32
    %mul3A_228 = vector.broadcast %mul3A_227 : f32 to vector<16xf32>
    %mul3A_229 = arith.mulf %convert_element_type3A_226, %mul3A_228 : vector<16xf32>
    %add3A_230 = arith.addf %mul3A_229, %mul3A_225 : vector<16xf32>
    %mul3A_231 = arith.mulf %add3A_230, %scan3A_185#3 : vector<16xf32>
    %sub3A_232 = arith.subf %scan3A_185#2, %mul3A_231 : vector<16xf32>
    %swap3A_233 = arith.constant 48 : index
    %swap3A_234 = tpu.vector_load %arg18[%swap3A_233] {strides = array<i32>} : memref<128xf32, #tpu.memory_space<vmem>>, vector<16xf32>,
    tpu.vector_store %arg18[%swap3A_233], %sub3A_232 {strides = array<i32>} : memref<128xf32, #tpu.memory_space<vmem>>, vector<16xf32>,
    %scan3A_235 = arith.constant 0 : i32
    %scan3A_236 = arith.constant 0 : i32
    %scan3A_237 = arith.constant 64 : i32
    %scan3A_238 = arith.addi %scan3A_236, %scan3A_237 : i32
    %scan3A_239 = arith.constant 1 : i32
    scf.for %scan3A_524 = %scan3A_236 to %scan3A_238 step %scan3A_239  : i32 {
      %get3A_525 = arith.index_cast %scan3A_524 : i32 to index
      %get3A_526 = arith.constant 48 : index
      %get3A_527 = tpu.vector_load %arg13[%get3A_525, %get3A_526] {strides = array<i32>} : memref<64x128xf32, #tpu.memory_space<vmem>>, vector<16xf32>,
      %div3A_528 = arith.divf %get3A_527, %scan3A_185#0 : vector<16xf32>
      %swap3A_529 = arith.index_cast %scan3A_524 : i32 to index
      %swap3A_530 = arith.constant 48 : index
      %swap3A_531 = tpu.vector_load %arg14[%swap3A_529, %swap3A_530] {strides = array<i32>} : memref<64x128xf32, #tpu.memory_space<vmem>>, vector<16xf32>,
      tpu.vector_store %arg14[%swap3A_529, %swap3A_530], %div3A_528 {strides = array<i32>} : memref<64x128xf32, #tpu.memory_space<vmem>>, vector<16xf32>,
    }
    %scan3A_240 = arith.constant 64 : i32
    %broadcast_in_dim3A_241 = arith.constant 0.000000e+00 : f32
    %broadcast_in_dim3A_242 = vector.broadcast %broadcast_in_dim3A_241 : f32 to vector<16xf32>
    %scan3A_243 = arith.constant 0 : i32
    %scan3A_244 = arith.constant 64 : i32
    %scan3A_245 = arith.addi %scan3A_243, %scan3A_244 : i32
    %scan3A_246 = arith.constant 1 : i32
    %scan3A_247:4 = scf.for %scan3A_524 = %scan3A_243 to %scan3A_245 step %scan3A_246 iter_args(%scan3A_525 = %broadcast_in_dim3A_242, %scan3A_526 = %broadcast_in_dim3A_242, %scan3A_527 = %broadcast_in_dim3A_242, %scan3A_528 = %broadcast_in_dim3A_242) -> (vector<16xf32>, vector<16xf32>, vector<16xf32>, vector<16xf32>)  : i32 {
      %get3A_529 = arith.index_cast %scan3A_524 : i32 to index
      %get3A_530 = arith.constant 64 : index
      %get3A_531 = tpu.vector_load %arg11[%get3A_529, %get3A_530] {strides = array<i32>} : memref<64x128xf32, #tpu.memory_space<vmem>>, vector<16xf32>,
      %exp3A = math.exp %get3A_531 : vector<16xf32>
      %get3A_532 = arith.index_cast %scan3A_524 : i32 to index
      %get3A_533 = arith.constant 0 : index
      %get3A_534 = tpu.vector_load %arg15[%get3A_532, %get3A_533] {strides = array<i32>} : memref<128x16xf32, #tpu.memory_space<vmem>>, vector<16xf32>,
      %exp3A_535 = math.exp %get3A_534 : vector<16xf32>
      %mul3A_536 = arith.mulf %exp3A, %exp3A_535 : vector<16xf32>
      %swap3A_537 = arith.index_cast %scan3A_524 : i32 to index
      %swap3A_538 = arith.constant 64 : index
      %swap3A_539 = tpu.vector_load %arg13[%swap3A_537, %swap3A_538] {strides = array<i32>} : memref<64x128xf32, #tpu.memory_space<vmem>>, vector<16xf32>,
      tpu.vector_store %arg13[%swap3A_537, %swap3A_538], %exp3A {strides = array<i32>} : memref<64x128xf32, #tpu.memory_space<vmem>>, vector<16xf32>,
      %get3A_540 = arith.index_cast %scan3A_524 : i32 to index
      %get3A_541 = arith.constant 64 : index
      %get3A_542 = tpu.vector_load %arg12[%get3A_540, %get3A_541] {strides = array<i32>} : memref<64x128xf32, #tpu.memory_space<vmem>>, vector<16xf32>,
      %add3A_543 = arith.addf %scan3A_525, %exp3A : vector<16xf32>
      %add3A_544 = arith.addf %scan3A_526, %mul3A_536 : vector<16xf32>
      %add3A_545 = arith.addf %get3A_531, %get3A_534 : vector<16xf32>
      %mul3A_546 = arith.mulf %add3A_545, %get3A_542 : vector<16xf32>
      %add3A_547 = arith.addf %scan3A_527, %mul3A_546 : vector<16xf32>
      %add3A_548 = arith.addf %scan3A_528, %get3A_542 : vector<16xf32>
      scf.yield %add3A_543, %add3A_544, %add3A_547, %add3A_548 : vector<16xf32>, vector<16xf32>, vector<16xf32>, vector<16xf32>
    }
    %scan3A_248 = arith.constant 64 : i32
    %swap3A_249 = arith.constant 64 : index
    %swap3A_250 = tpu.vector_load %arg17[%swap3A_249] {strides = array<i32>} : memref<128xf32, #tpu.memory_space<vmem>>, vector<16xf32>,
    tpu.vector_store %arg17[%swap3A_249], %scan3A_247#0 {strides = array<i32>} : memref<128xf32, #tpu.memory_space<vmem>>, vector<16xf32>,
    %bitcast3A_251 = vector.bitcast %scan3A_247#1 : vector<16xf32> to vector<16xi32>
    %shift_right_arithmetic3A_252 = arith.constant 23 : i32
    %shift_right_arithmetic3A_253 = vector.broadcast %shift_right_arithmetic3A_252 : i32 to vector<16xi32>
    %shift_right_arithmetic3A_254 = arith.shrsi %bitcast3A_251, %shift_right_arithmetic3A_253 : vector<16xi32>
    %sub3A_255 = arith.constant 127 : i32
    %sub3A_256 = vector.broadcast %sub3A_255 : i32 to vector<16xi32>
    %sub3A_257 = arith.subi %shift_right_arithmetic3A_254, %sub3A_256 : vector<16xi32>
    %and3A_258 = arith.constant 8388607 : i32
    %and3A_259 = vector.broadcast %and3A_258 : i32 to vector<16xi32>
    %and3A_260 = arith.andi %bitcast3A_251, %and3A_259 : vector<16xi32>
    %or3A_261 = arith.constant 1065353216 : i32
    %or3A_262 = vector.broadcast %or3A_261 : i32 to vector<16xi32>
    %or3A_263 = arith.ori %and3A_260, %or3A_262 : vector<16xi32>
    %bitcast3A_264 = vector.bitcast %or3A_263 : vector<16xi32> to vector<16xf32>
    %sub3A_265 = arith.constant 1.000000e+00 : f32
    %sub3A_266 = vector.broadcast %sub3A_265 : f32 to vector<16xf32>
    %sub3A_267 = arith.subf %bitcast3A_264, %sub3A_266 : vector<16xf32>
    %add3A_268 = arith.constant 1.000000e+00 : f32
    %add3A_269 = vector.broadcast %add3A_268 : f32 to vector<16xf32>
    %add3A_270 = arith.addf %bitcast3A_264, %add3A_269 : vector<16xf32>
    %div3A_271 = arith.divf %sub3A_267, %add3A_270 : vector<16xf32>
    %mul3A_272 = arith.mulf %div3A_271, %div3A_271 : vector<16xf32>
    %mul3A_273 = arith.constant 0.285714298 : f32
    %mul3A_274 = vector.broadcast %mul3A_273 : f32 to vector<16xf32>
    %mul3A_275 = arith.mulf %mul3A_272, %mul3A_274 : vector<16xf32>
    %add3A_276 = arith.constant 4.000000e-01 : f32
    %add3A_277 = vector.broadcast %add3A_276 : f32 to vector<16xf32>
    %add3A_278 = arith.addf %add3A_277, %mul3A_275 : vector<16xf32>
    %mul3A_279 = arith.mulf %mul3A_272, %add3A_278 : vector<16xf32>
    %add3A_280 = arith.constant 0.666666686 : f32
    %add3A_281 = vector.broadcast %add3A_280 : f32 to vector<16xf32>
    %add3A_282 = arith.addf %add3A_281, %mul3A_279 : vector<16xf32>
    %mul3A_283 = arith.mulf %mul3A_272, %add3A_282 : vector<16xf32>
    %add3A_284 = arith.constant 2.000000e+00 : f32
    %add3A_285 = vector.broadcast %add3A_284 : f32 to vector<16xf32>
    %add3A_286 = arith.addf %add3A_285, %mul3A_283 : vector<16xf32>
    %mul3A_287 = arith.mulf %div3A_271, %add3A_286 : vector<16xf32>
    %convert_element_type3A_288 = arith.sitofp %sub3A_257 : vector<16xi32> to vector<16xf32>
    %mul3A_289 = arith.constant 0.693147182 : f32
    %mul3A_290 = vector.broadcast %mul3A_289 : f32 to vector<16xf32>
    %mul3A_291 = arith.mulf %convert_element_type3A_288, %mul3A_290 : vector<16xf32>
    %add3A_292 = arith.addf %mul3A_291, %mul3A_287 : vector<16xf32>
    %mul3A_293 = arith.mulf %add3A_292, %scan3A_247#3 : vector<16xf32>
    %sub3A_294 = arith.subf %scan3A_247#2, %mul3A_293 : vector<16xf32>
    %swap3A_295 = arith.constant 64 : index
    %swap3A_296 = tpu.vector_load %arg18[%swap3A_295] {strides = array<i32>} : memref<128xf32, #tpu.memory_space<vmem>>, vector<16xf32>,
    tpu.vector_store %arg18[%swap3A_295], %sub3A_294 {strides = array<i32>} : memref<128xf32, #tpu.memory_space<vmem>>, vector<16xf32>,
    %scan3A_297 = arith.constant 0 : i32
    %scan3A_298 = arith.constant 0 : i32
    %scan3A_299 = arith.constant 64 : i32
    %scan3A_300 = arith.addi %scan3A_298, %scan3A_299 : i32
    %scan3A_301 = arith.constant 1 : i32
    scf.for %scan3A_524 = %scan3A_298 to %scan3A_300 step %scan3A_301  : i32 {
      %get3A_525 = arith.index_cast %scan3A_524 : i32 to index
      %get3A_526 = arith.constant 64 : index
      %get3A_527 = tpu.vector_load %arg13[%get3A_525, %get3A_526] {strides = array<i32>} : memref<64x128xf32, #tpu.memory_space<vmem>>, vector<16xf32>,
      %div3A_528 = arith.divf %get3A_527, %scan3A_247#0 : vector<16xf32>
      %swap3A_529 = arith.index_cast %scan3A_524 : i32 to index
      %swap3A_530 = arith.constant 64 : index
      %swap3A_531 = tpu.vector_load %arg14[%swap3A_529, %swap3A_530] {strides = array<i32>} : memref<64x128xf32, #tpu.memory_space<vmem>>, vector<16xf32>,
      tpu.vector_store %arg14[%swap3A_529, %swap3A_530], %div3A_528 {strides = array<i32>} : memref<64x128xf32, #tpu.memory_space<vmem>>, vector<16xf32>,
    }
    %scan3A_302 = arith.constant 64 : i32
    %broadcast_in_dim3A_303 = arith.constant 0.000000e+00 : f32
    %broadcast_in_dim3A_304 = vector.broadcast %broadcast_in_dim3A_303 : f32 to vector<16xf32>
    %scan3A_305 = arith.constant 0 : i32
    %scan3A_306 = arith.constant 64 : i32
    %scan3A_307 = arith.addi %scan3A_305, %scan3A_306 : i32
    %scan3A_308 = arith.constant 1 : i32
    %scan3A_309:4 = scf.for %scan3A_524 = %scan3A_305 to %scan3A_307 step %scan3A_308 iter_args(%scan3A_525 = %broadcast_in_dim3A_304, %scan3A_526 = %broadcast_in_dim3A_304, %scan3A_527 = %broadcast_in_dim3A_304, %scan3A_528 = %broadcast_in_dim3A_304) -> (vector<16xf32>, vector<16xf32>, vector<16xf32>, vector<16xf32>)  : i32 {
      %get3A_529 = arith.index_cast %scan3A_524 : i32 to index
      %get3A_530 = arith.constant 80 : index
      %get3A_531 = tpu.vector_load %arg11[%get3A_529, %get3A_530] {strides = array<i32>} : memref<64x128xf32, #tpu.memory_space<vmem>>, vector<16xf32>,
      %exp3A = math.exp %get3A_531 : vector<16xf32>
      %get3A_532 = arith.index_cast %scan3A_524 : i32 to index
      %get3A_533 = arith.constant 0 : index
      %get3A_534 = tpu.vector_load %arg15[%get3A_532, %get3A_533] {strides = array<i32>} : memref<128x16xf32, #tpu.memory_space<vmem>>, vector<16xf32>,
      %exp3A_535 = math.exp %get3A_534 : vector<16xf32>
      %mul3A_536 = arith.mulf %exp3A, %exp3A_535 : vector<16xf32>
      %swap3A_537 = arith.index_cast %scan3A_524 : i32 to index
      %swap3A_538 = arith.constant 80 : index
      %swap3A_539 = tpu.vector_load %arg13[%swap3A_537, %swap3A_538] {strides = array<i32>} : memref<64x128xf32, #tpu.memory_space<vmem>>, vector<16xf32>,
      tpu.vector_store %arg13[%swap3A_537, %swap3A_538], %exp3A {strides = array<i32>} : memref<64x128xf32, #tpu.memory_space<vmem>>, vector<16xf32>,
      %get3A_540 = arith.index_cast %scan3A_524 : i32 to index
      %get3A_541 = arith.constant 80 : index
      %get3A_542 = tpu.vector_load %arg12[%get3A_540, %get3A_541] {strides = array<i32>} : memref<64x128xf32, #tpu.memory_space<vmem>>, vector<16xf32>,
      %add3A_543 = arith.addf %scan3A_525, %exp3A : vector<16xf32>
      %add3A_544 = arith.addf %scan3A_526, %mul3A_536 : vector<16xf32>
      %add3A_545 = arith.addf %get3A_531, %get3A_534 : vector<16xf32>
      %mul3A_546 = arith.mulf %add3A_545, %get3A_542 : vector<16xf32>
      %add3A_547 = arith.addf %scan3A_527, %mul3A_546 : vector<16xf32>
      %add3A_548 = arith.addf %scan3A_528, %get3A_542 : vector<16xf32>
      scf.yield %add3A_543, %add3A_544, %add3A_547, %add3A_548 : vector<16xf32>, vector<16xf32>, vector<16xf32>, vector<16xf32>
    }
    %scan3A_310 = arith.constant 64 : i32
    %swap3A_311 = arith.constant 80 : index
    %swap3A_312 = tpu.vector_load %arg17[%swap3A_311] {strides = array<i32>} : memref<128xf32, #tpu.memory_space<vmem>>, vector<16xf32>,
    tpu.vector_store %arg17[%swap3A_311], %scan3A_309#0 {strides = array<i32>} : memref<128xf32, #tpu.memory_space<vmem>>, vector<16xf32>,
    %bitcast3A_313 = vector.bitcast %scan3A_309#1 : vector<16xf32> to vector<16xi32>
    %shift_right_arithmetic3A_314 = arith.constant 23 : i32
    %shift_right_arithmetic3A_315 = vector.broadcast %shift_right_arithmetic3A_314 : i32 to vector<16xi32>
    %shift_right_arithmetic3A_316 = arith.shrsi %bitcast3A_313, %shift_right_arithmetic3A_315 : vector<16xi32>
    %sub3A_317 = arith.constant 127 : i32
    %sub3A_318 = vector.broadcast %sub3A_317 : i32 to vector<16xi32>
    %sub3A_319 = arith.subi %shift_right_arithmetic3A_316, %sub3A_318 : vector<16xi32>
    %and3A_320 = arith.constant 8388607 : i32
    %and3A_321 = vector.broadcast %and3A_320 : i32 to vector<16xi32>
    %and3A_322 = arith.andi %bitcast3A_313, %and3A_321 : vector<16xi32>
    %or3A_323 = arith.constant 1065353216 : i32
    %or3A_324 = vector.broadcast %or3A_323 : i32 to vector<16xi32>
    %or3A_325 = arith.ori %and3A_322, %or3A_324 : vector<16xi32>
    %bitcast3A_326 = vector.bitcast %or3A_325 : vector<16xi32> to vector<16xf32>
    %sub3A_327 = arith.constant 1.000000e+00 : f32
    %sub3A_328 = vector.broadcast %sub3A_327 : f32 to vector<16xf32>
    %sub3A_329 = arith.subf %bitcast3A_326, %sub3A_328 : vector<16xf32>
    %add3A_330 = arith.constant 1.000000e+00 : f32
    %add3A_331 = vector.broadcast %add3A_330 : f32 to vector<16xf32>
    %add3A_332 = arith.addf %bitcast3A_326, %add3A_331 : vector<16xf32>
    %div3A_333 = arith.divf %sub3A_329, %add3A_332 : vector<16xf32>
    %mul3A_334 = arith.mulf %div3A_333, %div3A_333 : vector<16xf32>
    %mul3A_335 = arith.constant 0.285714298 : f32
    %mul3A_336 = vector.broadcast %mul3A_335 : f32 to vector<16xf32>
    %mul3A_337 = arith.mulf %mul3A_334, %mul3A_336 : vector<16xf32>
    %add3A_338 = arith.constant 4.000000e-01 : f32
    %add3A_339 = vector.broadcast %add3A_338 : f32 to vector<16xf32>
    %add3A_340 = arith.addf %add3A_339, %mul3A_337 : vector<16xf32>
    %mul3A_341 = arith.mulf %mul3A_334, %add3A_340 : vector<16xf32>
    %add3A_342 = arith.constant 0.666666686 : f32
    %add3A_343 = vector.broadcast %add3A_342 : f32 to vector<16xf32>
    %add3A_344 = arith.addf %add3A_343, %mul3A_341 : vector<16xf32>
    %mul3A_345 = arith.mulf %mul3A_334, %add3A_344 : vector<16xf32>
    %add3A_346 = arith.constant 2.000000e+00 : f32
    %add3A_347 = vector.broadcast %add3A_346 : f32 to vector<16xf32>
    %add3A_348 = arith.addf %add3A_347, %mul3A_345 : vector<16xf32>
    %mul3A_349 = arith.mulf %div3A_333, %add3A_348 : vector<16xf32>
    %convert_element_type3A_350 = arith.sitofp %sub3A_319 : vector<16xi32> to vector<16xf32>
    %mul3A_351 = arith.constant 0.693147182 : f32
    %mul3A_352 = vector.broadcast %mul3A_351 : f32 to vector<16xf32>
    %mul3A_353 = arith.mulf %convert_element_type3A_350, %mul3A_352 : vector<16xf32>
    %add3A_354 = arith.addf %mul3A_353, %mul3A_349 : vector<16xf32>
    %mul3A_355 = arith.mulf %add3A_354, %scan3A_309#3 : vector<16xf32>
    %sub3A_356 = arith.subf %scan3A_309#2, %mul3A_355 : vector<16xf32>
    %swap3A_357 = arith.constant 80 : index
    %swap3A_358 = tpu.vector_load %arg18[%swap3A_357] {strides = array<i32>} : memref<128xf32, #tpu.memory_space<vmem>>, vector<16xf32>,
    tpu.vector_store %arg18[%swap3A_357], %sub3A_356 {strides = array<i32>} : memref<128xf32, #tpu.memory_space<vmem>>, vector<16xf32>,
    %scan3A_359 = arith.constant 0 : i32
    %scan3A_360 = arith.constant 0 : i32
    %scan3A_361 = arith.constant 64 : i32
    %scan3A_362 = arith.addi %scan3A_360, %scan3A_361 : i32
    %scan3A_363 = arith.constant 1 : i32
    scf.for %scan3A_524 = %scan3A_360 to %scan3A_362 step %scan3A_363  : i32 {
      %get3A_525 = arith.index_cast %scan3A_524 : i32 to index
      %get3A_526 = arith.constant 80 : index
      %get3A_527 = tpu.vector_load %arg13[%get3A_525, %get3A_526] {strides = array<i32>} : memref<64x128xf32, #tpu.memory_space<vmem>>, vector<16xf32>,
      %div3A_528 = arith.divf %get3A_527, %scan3A_309#0 : vector<16xf32>
      %swap3A_529 = arith.index_cast %scan3A_524 : i32 to index
      %swap3A_530 = arith.constant 80 : index
      %swap3A_531 = tpu.vector_load %arg14[%swap3A_529, %swap3A_530] {strides = array<i32>} : memref<64x128xf32, #tpu.memory_space<vmem>>, vector<16xf32>,
      tpu.vector_store %arg14[%swap3A_529, %swap3A_530], %div3A_528 {strides = array<i32>} : memref<64x128xf32, #tpu.memory_space<vmem>>, vector<16xf32>,
    }
    %scan3A_364 = arith.constant 64 : i32
    %broadcast_in_dim3A_365 = arith.constant 0.000000e+00 : f32
    %broadcast_in_dim3A_366 = vector.broadcast %broadcast_in_dim3A_365 : f32 to vector<16xf32>
    %scan3A_367 = arith.constant 0 : i32
    %scan3A_368 = arith.constant 64 : i32
    %scan3A_369 = arith.addi %scan3A_367, %scan3A_368 : i32
    %scan3A_370 = arith.constant 1 : i32
    %scan3A_371:4 = scf.for %scan3A_524 = %scan3A_367 to %scan3A_369 step %scan3A_370 iter_args(%scan3A_525 = %broadcast_in_dim3A_366, %scan3A_526 = %broadcast_in_dim3A_366, %scan3A_527 = %broadcast_in_dim3A_366, %scan3A_528 = %broadcast_in_dim3A_366) -> (vector<16xf32>, vector<16xf32>, vector<16xf32>, vector<16xf32>)  : i32 {
      %get3A_529 = arith.index_cast %scan3A_524 : i32 to index
      %get3A_530 = arith.constant 96 : index
      %get3A_531 = tpu.vector_load %arg11[%get3A_529, %get3A_530] {strides = array<i32>} : memref<64x128xf32, #tpu.memory_space<vmem>>, vector<16xf32>,
      %exp3A = math.exp %get3A_531 : vector<16xf32>
      %get3A_532 = arith.index_cast %scan3A_524 : i32 to index
      %get3A_533 = arith.constant 0 : index
      %get3A_534 = tpu.vector_load %arg15[%get3A_532, %get3A_533] {strides = array<i32>} : memref<128x16xf32, #tpu.memory_space<vmem>>, vector<16xf32>,
      %exp3A_535 = math.exp %get3A_534 : vector<16xf32>
      %mul3A_536 = arith.mulf %exp3A, %exp3A_535 : vector<16xf32>
      %swap3A_537 = arith.index_cast %scan3A_524 : i32 to index
      %swap3A_538 = arith.constant 96 : index
      %swap3A_539 = tpu.vector_load %arg13[%swap3A_537, %swap3A_538] {strides = array<i32>} : memref<64x128xf32, #tpu.memory_space<vmem>>, vector<16xf32>,
      tpu.vector_store %arg13[%swap3A_537, %swap3A_538], %exp3A {strides = array<i32>} : memref<64x128xf32, #tpu.memory_space<vmem>>, vector<16xf32>,
      %get3A_540 = arith.index_cast %scan3A_524 : i32 to index
      %get3A_541 = arith.constant 96 : index
      %get3A_542 = tpu.vector_load %arg12[%get3A_540, %get3A_541] {strides = array<i32>} : memref<64x128xf32, #tpu.memory_space<vmem>>, vector<16xf32>,
      %add3A_543 = arith.addf %scan3A_525, %exp3A : vector<16xf32>
      %add3A_544 = arith.addf %scan3A_526, %mul3A_536 : vector<16xf32>
      %add3A_545 = arith.addf %get3A_531, %get3A_534 : vector<16xf32>
      %mul3A_546 = arith.mulf %add3A_545, %get3A_542 : vector<16xf32>
      %add3A_547 = arith.addf %scan3A_527, %mul3A_546 : vector<16xf32>
      %add3A_548 = arith.addf %scan3A_528, %get3A_542 : vector<16xf32>
      scf.yield %add3A_543, %add3A_544, %add3A_547, %add3A_548 : vector<16xf32>, vector<16xf32>, vector<16xf32>, vector<16xf32>
    }
    %scan3A_372 = arith.constant 64 : i32
    %swap3A_373 = arith.constant 96 : index
    %swap3A_374 = tpu.vector_load %arg17[%swap3A_373] {strides = array<i32>} : memref<128xf32, #tpu.memory_space<vmem>>, vector<16xf32>,
    tpu.vector_store %arg17[%swap3A_373], %scan3A_371#0 {strides = array<i32>} : memref<128xf32, #tpu.memory_space<vmem>>, vector<16xf32>,
    %bitcast3A_375 = vector.bitcast %scan3A_371#1 : vector<16xf32> to vector<16xi32>
    %shift_right_arithmetic3A_376 = arith.constant 23 : i32
    %shift_right_arithmetic3A_377 = vector.broadcast %shift_right_arithmetic3A_376 : i32 to vector<16xi32>
    %shift_right_arithmetic3A_378 = arith.shrsi %bitcast3A_375, %shift_right_arithmetic3A_377 : vector<16xi32>
    %sub3A_379 = arith.constant 127 : i32
    %sub3A_380 = vector.broadcast %sub3A_379 : i32 to vector<16xi32>
    %sub3A_381 = arith.subi %shift_right_arithmetic3A_378, %sub3A_380 : vector<16xi32>
    %and3A_382 = arith.constant 8388607 : i32
    %and3A_383 = vector.broadcast %and3A_382 : i32 to vector<16xi32>
    %and3A_384 = arith.andi %bitcast3A_375, %and3A_383 : vector<16xi32>
    %or3A_385 = arith.constant 1065353216 : i32
    %or3A_386 = vector.broadcast %or3A_385 : i32 to vector<16xi32>
    %or3A_387 = arith.ori %and3A_384, %or3A_386 : vector<16xi32>
    %bitcast3A_388 = vector.bitcast %or3A_387 : vector<16xi32> to vector<16xf32>
    %sub3A_389 = arith.constant 1.000000e+00 : f32
    %sub3A_390 = vector.broadcast %sub3A_389 : f32 to vector<16xf32>
    %sub3A_391 = arith.subf %bitcast3A_388, %sub3A_390 : vector<16xf32>
    %add3A_392 = arith.constant 1.000000e+00 : f32
    %add3A_393 = vector.broadcast %add3A_392 : f32 to vector<16xf32>
    %add3A_394 = arith.addf %bitcast3A_388, %add3A_393 : vector<16xf32>
    %div3A_395 = arith.divf %sub3A_391, %add3A_394 : vector<16xf32>
    %mul3A_396 = arith.mulf %div3A_395, %div3A_395 : vector<16xf32>
    %mul3A_397 = arith.constant 0.285714298 : f32
    %mul3A_398 = vector.broadcast %mul3A_397 : f32 to vector<16xf32>
    %mul3A_399 = arith.mulf %mul3A_396, %mul3A_398 : vector<16xf32>
    %add3A_400 = arith.constant 4.000000e-01 : f32
    %add3A_401 = vector.broadcast %add3A_400 : f32 to vector<16xf32>
    %add3A_402 = arith.addf %add3A_401, %mul3A_399 : vector<16xf32>
    %mul3A_403 = arith.mulf %mul3A_396, %add3A_402 : vector<16xf32>
    %add3A_404 = arith.constant 0.666666686 : f32
    %add3A_405 = vector.broadcast %add3A_404 : f32 to vector<16xf32>
    %add3A_406 = arith.addf %add3A_405, %mul3A_403 : vector<16xf32>
    %mul3A_407 = arith.mulf %mul3A_396, %add3A_406 : vector<16xf32>
    %add3A_408 = arith.constant 2.000000e+00 : f32
    %add3A_409 = vector.broadcast %add3A_408 : f32 to vector<16xf32>
    %add3A_410 = arith.addf %add3A_409, %mul3A_407 : vector<16xf32>
    %mul3A_411 = arith.mulf %div3A_395, %add3A_410 : vector<16xf32>
    %convert_element_type3A_412 = arith.sitofp %sub3A_381 : vector<16xi32> to vector<16xf32>
    %mul3A_413 = arith.constant 0.693147182 : f32
    %mul3A_414 = vector.broadcast %mul3A_413 : f32 to vector<16xf32>
    %mul3A_415 = arith.mulf %convert_element_type3A_412, %mul3A_414 : vector<16xf32>
    %add3A_416 = arith.addf %mul3A_415, %mul3A_411 : vector<16xf32>
    %mul3A_417 = arith.mulf %add3A_416, %scan3A_371#3 : vector<16xf32>
    %sub3A_418 = arith.subf %scan3A_371#2, %mul3A_417 : vector<16xf32>
    %swap3A_419 = arith.constant 96 : index
    %swap3A_420 = tpu.vector_load %arg18[%swap3A_419] {strides = array<i32>} : memref<128xf32, #tpu.memory_space<vmem>>, vector<16xf32>,
    tpu.vector_store %arg18[%swap3A_419], %sub3A_418 {strides = array<i32>} : memref<128xf32, #tpu.memory_space<vmem>>, vector<16xf32>,
    %scan3A_421 = arith.constant 0 : i32
    %scan3A_422 = arith.constant 0 : i32
    %scan3A_423 = arith.constant 64 : i32
    %scan3A_424 = arith.addi %scan3A_422, %scan3A_423 : i32
    %scan3A_425 = arith.constant 1 : i32
    scf.for %scan3A_524 = %scan3A_422 to %scan3A_424 step %scan3A_425  : i32 {
      %get3A_525 = arith.index_cast %scan3A_524 : i32 to index
      %get3A_526 = arith.constant 96 : index
      %get3A_527 = tpu.vector_load %arg13[%get3A_525, %get3A_526] {strides = array<i32>} : memref<64x128xf32, #tpu.memory_space<vmem>>, vector<16xf32>,
      %div3A_528 = arith.divf %get3A_527, %scan3A_371#0 : vector<16xf32>
      %swap3A_529 = arith.index_cast %scan3A_524 : i32 to index
      %swap3A_530 = arith.constant 96 : index
      %swap3A_531 = tpu.vector_load %arg14[%swap3A_529, %swap3A_530] {strides = array<i32>} : memref<64x128xf32, #tpu.memory_space<vmem>>, vector<16xf32>,
      tpu.vector_store %arg14[%swap3A_529, %swap3A_530], %div3A_528 {strides = array<i32>} : memref<64x128xf32, #tpu.memory_space<vmem>>, vector<16xf32>,
    }
    %scan3A_426 = arith.constant 64 : i32
    %broadcast_in_dim3A_427 = arith.constant 0.000000e+00 : f32
    %broadcast_in_dim3A_428 = vector.broadcast %broadcast_in_dim3A_427 : f32 to vector<16xf32>
    %scan3A_429 = arith.constant 0 : i32
    %scan3A_430 = arith.constant 64 : i32
    %scan3A_431 = arith.addi %scan3A_429, %scan3A_430 : i32
    %scan3A_432 = arith.constant 1 : i32
    %scan3A_433:4 = scf.for %scan3A_524 = %scan3A_429 to %scan3A_431 step %scan3A_432 iter_args(%scan3A_525 = %broadcast_in_dim3A_428, %scan3A_526 = %broadcast_in_dim3A_428, %scan3A_527 = %broadcast_in_dim3A_428, %scan3A_528 = %broadcast_in_dim3A_428) -> (vector<16xf32>, vector<16xf32>, vector<16xf32>, vector<16xf32>)  : i32 {
      %get3A_529 = arith.index_cast %scan3A_524 : i32 to index
      %get3A_530 = arith.constant 112 : index
      %get3A_531 = tpu.vector_load %arg11[%get3A_529, %get3A_530] {strides = array<i32>} : memref<64x128xf32, #tpu.memory_space<vmem>>, vector<16xf32>,
      %exp3A = math.exp %get3A_531 : vector<16xf32>
      %get3A_532 = arith.index_cast %scan3A_524 : i32 to index
      %get3A_533 = arith.constant 0 : index
      %get3A_534 = tpu.vector_load %arg15[%get3A_532, %get3A_533] {strides = array<i32>} : memref<128x16xf32, #tpu.memory_space<vmem>>, vector<16xf32>,
      %exp3A_535 = math.exp %get3A_534 : vector<16xf32>
      %mul3A_536 = arith.mulf %exp3A, %exp3A_535 : vector<16xf32>
      %swap3A_537 = arith.index_cast %scan3A_524 : i32 to index
      %swap3A_538 = arith.constant 112 : index
      %swap3A_539 = tpu.vector_load %arg13[%swap3A_537, %swap3A_538] {strides = array<i32>} : memref<64x128xf32, #tpu.memory_space<vmem>>, vector<16xf32>,
      tpu.vector_store %arg13[%swap3A_537, %swap3A_538], %exp3A {strides = array<i32>} : memref<64x128xf32, #tpu.memory_space<vmem>>, vector<16xf32>,
      %get3A_540 = arith.index_cast %scan3A_524 : i32 to index
      %get3A_541 = arith.constant 112 : index
      %get3A_542 = tpu.vector_load %arg12[%get3A_540, %get3A_541] {strides = array<i32>} : memref<64x128xf32, #tpu.memory_space<vmem>>, vector<16xf32>,
      %add3A_543 = arith.addf %scan3A_525, %exp3A : vector<16xf32>
      %add3A_544 = arith.addf %scan3A_526, %mul3A_536 : vector<16xf32>
      %add3A_545 = arith.addf %get3A_531, %get3A_534 : vector<16xf32>
      %mul3A_546 = arith.mulf %add3A_545, %get3A_542 : vector<16xf32>
      %add3A_547 = arith.addf %scan3A_527, %mul3A_546 : vector<16xf32>
      %add3A_548 = arith.addf %scan3A_528, %get3A_542 : vector<16xf32>
      scf.yield %add3A_543, %add3A_544, %add3A_547, %add3A_548 : vector<16xf32>, vector<16xf32>, vector<16xf32>, vector<16xf32>
    }
    %scan3A_434 = arith.constant 64 : i32
    %swap3A_435 = arith.constant 112 : index
    %swap3A_436 = tpu.vector_load %arg17[%swap3A_435] {strides = array<i32>} : memref<128xf32, #tpu.memory_space<vmem>>, vector<16xf32>,
    tpu.vector_store %arg17[%swap3A_435], %scan3A_433#0 {strides = array<i32>} : memref<128xf32, #tpu.memory_space<vmem>>, vector<16xf32>,
    %bitcast3A_437 = vector.bitcast %scan3A_433#1 : vector<16xf32> to vector<16xi32>
    %shift_right_arithmetic3A_438 = arith.constant 23 : i32
    %shift_right_arithmetic3A_439 = vector.broadcast %shift_right_arithmetic3A_438 : i32 to vector<16xi32>
    %shift_right_arithmetic3A_440 = arith.shrsi %bitcast3A_437, %shift_right_arithmetic3A_439 : vector<16xi32>
    %sub3A_441 = arith.constant 127 : i32
    %sub3A_442 = vector.broadcast %sub3A_441 : i32 to vector<16xi32>
    %sub3A_443 = arith.subi %shift_right_arithmetic3A_440, %sub3A_442 : vector<16xi32>
    %and3A_444 = arith.constant 8388607 : i32
    %and3A_445 = vector.broadcast %and3A_444 : i32 to vector<16xi32>
    %and3A_446 = arith.andi %bitcast3A_437, %and3A_445 : vector<16xi32>
    %or3A_447 = arith.constant 1065353216 : i32
    %or3A_448 = vector.broadcast %or3A_447 : i32 to vector<16xi32>
    %or3A_449 = arith.ori %and3A_446, %or3A_448 : vector<16xi32>
    %bitcast3A_450 = vector.bitcast %or3A_449 : vector<16xi32> to vector<16xf32>
    %sub3A_451 = arith.constant 1.000000e+00 : f32
    %sub3A_452 = vector.broadcast %sub3A_451 : f32 to vector<16xf32>
    %sub3A_453 = arith.subf %bitcast3A_450, %sub3A_452 : vector<16xf32>
    %add3A_454 = arith.constant 1.000000e+00 : f32
    %add3A_455 = vector.broadcast %add3A_454 : f32 to vector<16xf32>
    %add3A_456 = arith.addf %bitcast3A_450, %add3A_455 : vector<16xf32>
    %div3A_457 = arith.divf %sub3A_453, %add3A_456 : vector<16xf32>
    %mul3A_458 = arith.mulf %div3A_457, %div3A_457 : vector<16xf32>
    %mul3A_459 = arith.constant 0.285714298 : f32
    %mul3A_460 = vector.broadcast %mul3A_459 : f32 to vector<16xf32>
    %mul3A_461 = arith.mulf %mul3A_458, %mul3A_460 : vector<16xf32>
    %add3A_462 = arith.constant 4.000000e-01 : f32
    %add3A_463 = vector.broadcast %add3A_462 : f32 to vector<16xf32>
    %add3A_464 = arith.addf %add3A_463, %mul3A_461 : vector<16xf32>
    %mul3A_465 = arith.mulf %mul3A_458, %add3A_464 : vector<16xf32>
    %add3A_466 = arith.constant 0.666666686 : f32
    %add3A_467 = vector.broadcast %add3A_466 : f32 to vector<16xf32>
    %add3A_468 = arith.addf %add3A_467, %mul3A_465 : vector<16xf32>
    %mul3A_469 = arith.mulf %mul3A_458, %add3A_468 : vector<16xf32>
    %add3A_470 = arith.constant 2.000000e+00 : f32
    %add3A_471 = vector.broadcast %add3A_470 : f32 to vector<16xf32>
    %add3A_472 = arith.addf %add3A_471, %mul3A_469 : vector<16xf32>
    %mul3A_473 = arith.mulf %div3A_457, %add3A_472 : vector<16xf32>
    %convert_element_type3A_474 = arith.sitofp %sub3A_443 : vector<16xi32> to vector<16xf32>
    %mul3A_475 = arith.constant 0.693147182 : f32
    %mul3A_476 = vector.broadcast %mul3A_475 : f32 to vector<16xf32>
    %mul3A_477 = arith.mulf %convert_element_type3A_474, %mul3A_476 : vector<16xf32>
    %add3A_478 = arith.addf %mul3A_477, %mul3A_473 : vector<16xf32>
    %mul3A_479 = arith.mulf %add3A_478, %scan3A_433#3 : vector<16xf32>
    %sub3A_480 = arith.subf %scan3A_433#2, %mul3A_479 : vector<16xf32>
    %swap3A_481 = arith.constant 112 : index
    %swap3A_482 = tpu.vector_load %arg18[%swap3A_481] {strides = array<i32>} : memref<128xf32, #tpu.memory_space<vmem>>, vector<16xf32>,
    tpu.vector_store %arg18[%swap3A_481], %sub3A_480 {strides = array<i32>} : memref<128xf32, #tpu.memory_space<vmem>>, vector<16xf32>,
    %scan3A_483 = arith.constant 0 : i32
    %scan3A_484 = arith.constant 0 : i32
    %scan3A_485 = arith.constant 64 : i32
    %scan3A_486 = arith.addi %scan3A_484, %scan3A_485 : i32
    %scan3A_487 = arith.constant 1 : i32
    scf.for %scan3A_524 = %scan3A_484 to %scan3A_486 step %scan3A_487  : i32 {
      %get3A_525 = arith.index_cast %scan3A_524 : i32 to index
      %get3A_526 = arith.constant 112 : index
      %get3A_527 = tpu.vector_load %arg13[%get3A_525, %get3A_526] {strides = array<i32>} : memref<64x128xf32, #tpu.memory_space<vmem>>, vector<16xf32>,
      %div3A_528 = arith.divf %get3A_527, %scan3A_433#0 : vector<16xf32>
      %swap3A_529 = arith.index_cast %scan3A_524 : i32 to index
      %swap3A_530 = arith.constant 112 : index
      %swap3A_531 = tpu.vector_load %arg14[%swap3A_529, %swap3A_530] {strides = array<i32>} : memref<64x128xf32, #tpu.memory_space<vmem>>, vector<16xf32>,
      tpu.vector_store %arg14[%swap3A_529, %swap3A_530], %div3A_528 {strides = array<i32>} : memref<64x128xf32, #tpu.memory_space<vmem>>, vector<16xf32>,
    }
    %scan3A_488 = arith.constant 64 : i32
    "tpu.region"() ({
      %run_scoped3A = tpu.sem_alloc : memref<!tpu.dma_semaphore, #tpu.memory_space<semaphore_mem>>
      %dma_start3A = arith.constant 0 : i32
      %dma_start3A_524 = tpu.memref_slice %arg6[%dma_start3A, %mul3A_2] : memref<8256x4096xf32, #tpu.memory_space<hbm>> -> memref<64x128xf32, #tpu.memory_space<hbm>>
      %dma_start3A_525 = arith.constant 0 : i32
      %dma_start3A_526 = tpu.memref_slice %arg6[%dma_start3A_525, %mul3A_2] : memref<8256x4096xf32, #tpu.memory_space<hbm>> -> memref<64x128xf32, #tpu.memory_space<hbm>>
      tpu.enqueue_dma source(%arg14 : memref<64x128xf32, #tpu.memory_space<vmem>>) target(%dma_start3A_526 : memref<64x128xf32, #tpu.memory_space<hbm>>) target_semaphore(%run_scoped3A : memref<!tpu.dma_semaphore, #tpu.memory_space<semaphore_mem>>)
      %dma_wait3A = arith.constant 0 : i32
      %dma_wait3A_527 = tpu.memref_slice %arg6[%dma_wait3A, %mul3A_2] : memref<8256x4096xf32, #tpu.memory_space<hbm>> -> memref<64x128xf32, #tpu.memory_space<hbm>>
      %dma_wait3A_528 = arith.constant 0 : i32
      %dma_wait3A_529 = tpu.memref_slice %arg6[%dma_wait3A_528, %mul3A_2] : memref<8256x4096xf32, #tpu.memory_space<hbm>> -> memref<64x128xf32, #tpu.memory_space<hbm>>
      tpu.wait_dma2 semaphore(%run_scoped3A : memref<!tpu.dma_semaphore, #tpu.memory_space<semaphore_mem>>) src(%arg14 : memref<64x128xf32, #tpu.memory_space<vmem>>) dst(%dma_wait3A_529 : memref<64x128xf32, #tpu.memory_space<hbm>>)
      tpu.yield
    }) : () -> ()
    %scan3A_489 = arith.constant 0 : i32
    %scan3A_490 = arith.constant 0 : i32
    %scan3A_491 = arith.constant 64 : i32
    %scan3A_492 = arith.addi %scan3A_490, %scan3A_491 : i32
    %scan3A_493 = arith.constant 1 : i32
    scf.for %scan3A_524 = %scan3A_490 to %scan3A_492 step %scan3A_493  : i32 {
      %mul3A_525 = arith.constant 128 : i32
      %mul3A_526 = arith.muli %scan3A_524, %mul3A_525 : i32
      %add3A_527 = arith.constant 64 : i32
      %add3A_528 = arith.addi %add3A_527, %mul3A_526 : i32
      "tpu.region"() ({
        %run_scoped3A = tpu.sem_alloc : memref<!tpu.dma_semaphore, #tpu.memory_space<semaphore_mem>>
        %dma_start3A = tpu.memref_slice %arg2[%add3A_528, %mul3A_2] : memref<8256x4096xf32, #tpu.memory_space<hbm>> -> memref<128x128xf32, #tpu.memory_space<hbm>>
        %dma_start3A_1089 = tpu.memref_slice %arg2[%add3A_528, %mul3A_2] : memref<8256x4096xf32, #tpu.memory_space<hbm>> -> memref<128x128xf32, #tpu.memory_space<hbm>>
        tpu.enqueue_dma source(%dma_start3A_1089 : memref<128x128xf32, #tpu.memory_space<hbm>>) target(%arg8 : memref<128x128xf32, #tpu.memory_space<vmem>>) target_semaphore(%run_scoped3A : memref<!tpu.dma_semaphore, #tpu.memory_space<semaphore_mem>>)
        %dma_wait3A = tpu.memref_slice %arg2[%add3A_528, %mul3A_2] : memref<8256x4096xf32, #tpu.memory_space<hbm>> -> memref<128x128xf32, #tpu.memory_space<hbm>>
        %dma_wait3A_1090 = tpu.memref_slice %arg2[%add3A_528, %mul3A_2] : memref<8256x4096xf32, #tpu.memory_space<hbm>> -> memref<128x128xf32, #tpu.memory_space<hbm>>
        tpu.wait_dma2 semaphore(%run_scoped3A : memref<!tpu.dma_semaphore, #tpu.memory_space<semaphore_mem>>) src(%dma_wait3A_1090 : memref<128x128xf32, #tpu.memory_space<hbm>>) dst(%arg8 : memref<128x128xf32, #tpu.memory_space<vmem>>)
        tpu.yield
      }) : () -> ()
      "tpu.region"() ({
        %run_scoped3A = tpu.sem_alloc : memref<!tpu.dma_semaphore, #tpu.memory_space<semaphore_mem>>
        %dma_start3A = tpu.memref_slice %arg3[%add3A_528, %mul3A_2] : memref<8256x4096xf32, #tpu.memory_space<hbm>> -> memref<128x128xf32, #tpu.memory_space<hbm>>
        %dma_start3A_1089 = tpu.memref_slice %arg3[%add3A_528, %mul3A_2] : memref<8256x4096xf32, #tpu.memory_space<hbm>> -> memref<128x128xf32, #tpu.memory_space<hbm>>
        tpu.enqueue_dma source(%dma_start3A_1089 : memref<128x128xf32, #tpu.memory_space<hbm>>) target(%arg9 : memref<128x128xf32, #tpu.memory_space<vmem>>) target_semaphore(%run_scoped3A : memref<!tpu.dma_semaphore, #tpu.memory_space<semaphore_mem>>)
        %dma_wait3A = tpu.memref_slice %arg3[%add3A_528, %mul3A_2] : memref<8256x4096xf32, #tpu.memory_space<hbm>> -> memref<128x128xf32, #tpu.memory_space<hbm>>
        %dma_wait3A_1090 = tpu.memref_slice %arg3[%add3A_528, %mul3A_2] : memref<8256x4096xf32, #tpu.memory_space<hbm>> -> memref<128x128xf32, #tpu.memory_space<hbm>>
        tpu.wait_dma2 semaphore(%run_scoped3A : memref<!tpu.dma_semaphore, #tpu.memory_space<semaphore_mem>>) src(%dma_wait3A_1090 : memref<128x128xf32, #tpu.memory_space<hbm>>) dst(%arg9 : memref<128x128xf32, #tpu.memory_space<vmem>>)
        tpu.yield
      }) : () -> ()
      "tpu.region"() ({
        %run_scoped3A = tpu.sem_alloc : memref<!tpu.dma_semaphore, #tpu.memory_space<semaphore_mem>>
        %dma_start3A = arith.constant 0 : i32
        %dma_start3A_1089 = tpu.memref_slice %arg4[%add3A_528, %dma_start3A] : memref<8256x16xf32, #tpu.memory_space<hbm>> -> memref<128x16xf32, #tpu.memory_space<hbm>>
        %dma_start3A_1090 = arith.constant 0 : i32
        %dma_start3A_1091 = tpu.memref_slice %arg4[%add3A_528, %dma_start3A_1090] : memref<8256x16xf32, #tpu.memory_space<hbm>> -> memref<128x16xf32, #tpu.memory_space<hbm>>
        tpu.enqueue_dma source(%dma_start3A_1091 : memref<128x16xf32, #tpu.memory_space<hbm>>) target(%arg15 : memref<128x16xf32, #tpu.memory_space<vmem>>) target_semaphore(%run_scoped3A : memref<!tpu.dma_semaphore, #tpu.memory_space<semaphore_mem>>)
        %dma_wait3A = arith.constant 0 : i32
        %dma_wait3A_1092 = tpu.memref_slice %arg4[%add3A_528, %dma_wait3A] : memref<8256x16xf32, #tpu.memory_space<hbm>> -> memref<128x16xf32, #tpu.memory_space<hbm>>
        %dma_wait3A_1093 = arith.constant 0 : i32
        %dma_wait3A_1094 = tpu.memref_slice %arg4[%add3A_528, %dma_wait3A_1093] : memref<8256x16xf32, #tpu.memory_space<hbm>> -> memref<128x16xf32, #tpu.memory_space<hbm>>
        tpu.wait_dma2 semaphore(%run_scoped3A : memref<!tpu.dma_semaphore, #tpu.memory_space<semaphore_mem>>) src(%dma_wait3A_1094 : memref<128x16xf32, #tpu.memory_space<hbm>>) dst(%arg15 : memref<128x16xf32, #tpu.memory_space<vmem>>)
        tpu.yield
      }) : () -> ()
      "tpu.region"() ({
        %run_scoped3A = tpu.sem_alloc : memref<!tpu.dma_semaphore, #tpu.memory_space<semaphore_mem>>
        %dma_start3A = arith.constant 0 : i32
        %dma_start3A_1089 = tpu.memref_slice %arg5[%add3A_528, %dma_start3A] : memref<8256x16xf32, #tpu.memory_space<hbm>> -> memref<128x16xf32, #tpu.memory_space<hbm>>
        %dma_start3A_1090 = arith.constant 0 : i32
        %dma_start3A_1091 = tpu.memref_slice %arg5[%add3A_528, %dma_start3A_1090] : memref<8256x16xf32, #tpu.memory_space<hbm>> -> memref<128x16xf32, #tpu.memory_space<hbm>>
        tpu.enqueue_dma source(%dma_start3A_1091 : memref<128x16xf32, #tpu.memory_space<hbm>>) target(%arg16 : memref<128x16xf32, #tpu.memory_space<vmem>>) target_semaphore(%run_scoped3A : memref<!tpu.dma_semaphore, #tpu.memory_space<semaphore_mem>>)
        %dma_wait3A = arith.constant 0 : i32
        %dma_wait3A_1092 = tpu.memref_slice %arg5[%add3A_528, %dma_wait3A] : memref<8256x16xf32, #tpu.memory_space<hbm>> -> memref<128x16xf32, #tpu.memory_space<hbm>>
        %dma_wait3A_1093 = arith.constant 0 : i32
        %dma_wait3A_1094 = tpu.memref_slice %arg5[%add3A_528, %dma_wait3A_1093] : memref<8256x16xf32, #tpu.memory_space<hbm>> -> memref<128x16xf32, #tpu.memory_space<hbm>>
        tpu.wait_dma2 semaphore(%run_scoped3A : memref<!tpu.dma_semaphore, #tpu.memory_space<semaphore_mem>>) src(%dma_wait3A_1094 : memref<128x16xf32, #tpu.memory_space<hbm>>) dst(%arg16 : memref<128x16xf32, #tpu.memory_space<vmem>>)
        tpu.yield
      }) : () -> ()
      %broadcast_in_dim3A_529 = arith.constant 0.000000e+00 : f32
      %broadcast_in_dim3A_530 = vector.broadcast %broadcast_in_dim3A_529 : f32 to vector<16xf32>
      %scan3A_531 = arith.constant 0 : i32
      %scan3A_532 = arith.constant 128 : i32
      %scan3A_533 = arith.addi %scan3A_531, %scan3A_532 : i32
      %scan3A_534 = arith.constant 1 : i32
      %scan3A_535:4 = scf.for %scan3A_1089 = %scan3A_531 to %scan3A_533 step %scan3A_534 iter_args(%scan3A_1090 = %broadcast_in_dim3A_530, %scan3A_1091 = %broadcast_in_dim3A_530, %scan3A_1092 = %broadcast_in_dim3A_530, %scan3A_1093 = %broadcast_in_dim3A_530) -> (vector<16xf32>, vector<16xf32>, vector<16xf32>, vector<16xf32>)  : i32 {
        %get3A_1094 = arith.index_cast %scan3A_1089 : i32 to index
        %get3A_1095 = arith.constant 0 : index
        %get3A_1096 = tpu.vector_load %arg8[%get3A_1094, %get3A_1095] {strides = array<i32>} : memref<128x128xf32, #tpu.memory_space<vmem>>, vector<16xf32>,
        %exp3A = math.exp %get3A_1096 : vector<16xf32>
        %get3A_1097 = arith.index_cast %scan3A_1089 : i32 to index
        %get3A_1098 = arith.constant 0 : index
        %get3A_1099 = tpu.vector_load %arg16[%get3A_1097, %get3A_1098] {strides = array<i32>} : memref<128x16xf32, #tpu.memory_space<vmem>>, vector<16xf32>,
        %mul3A_1100 = arith.mulf %exp3A, %get3A_1099 : vector<16xf32>
        %swap3A_1101 = arith.index_cast %scan3A_1089 : i32 to index
        %swap3A_1102 = arith.constant 0 : index
        %swap3A_1103 = tpu.vector_load %arg10[%swap3A_1101, %swap3A_1102] {strides = array<i32>} : memref<128x128xf32, #tpu.memory_space<vmem>>, vector<16xf32>,
        tpu.vector_store %arg10[%swap3A_1101, %swap3A_1102], %exp3A {strides = array<i32>} : memref<128x128xf32, #tpu.memory_space<vmem>>, vector<16xf32>,
        %get3A_1104 = arith.index_cast %scan3A_1089 : i32 to index
        %get3A_1105 = arith.constant 0 : index
        %get3A_1106 = tpu.vector_load %arg9[%get3A_1104, %get3A_1105] {strides = array<i32>} : memref<128x128xf32, #tpu.memory_space<vmem>>, vector<16xf32>,
        %add3A_1107 = arith.addf %scan3A_1090, %exp3A : vector<16xf32>
        %add3A_1108 = arith.addf %scan3A_1091, %mul3A_1100 : vector<16xf32>
        %get3A_1109 = arith.index_cast %scan3A_1089 : i32 to index
        %get3A_1110 = arith.constant 0 : index
        %get3A_1111 = tpu.vector_load %arg15[%get3A_1109, %get3A_1110] {strides = array<i32>} : memref<128x16xf32, #tpu.memory_space<vmem>>, vector<16xf32>,
        %add3A_1112 = arith.addf %get3A_1096, %get3A_1111 : vector<16xf32>
        %mul3A_1113 = arith.mulf %add3A_1112, %get3A_1106 : vector<16xf32>
        %add3A_1114 = arith.addf %scan3A_1092, %mul3A_1113 : vector<16xf32>
        %add3A_1115 = arith.addf %scan3A_1093, %get3A_1106 : vector<16xf32>
        scf.yield %add3A_1107, %add3A_1108, %add3A_1114, %add3A_1115 : vector<16xf32>, vector<16xf32>, vector<16xf32>, vector<16xf32>
      }
      %scan3A_536 = arith.constant 128 : i32
      %get3A_537 = arith.constant 0 : index
      %get3A_538 = tpu.vector_load %arg18[%get3A_537] {strides = array<i32>} : memref<128xf32, #tpu.memory_space<vmem>>, vector<16xf32>,
      %add3A_539 = arith.addf %get3A_538, %scan3A_535#2 : vector<16xf32>
      %bitcast3A_540 = vector.bitcast %scan3A_535#1 : vector<16xf32> to vector<16xi32>
      %shift_right_arithmetic3A_541 = arith.constant 23 : i32
      %shift_right_arithmetic3A_542 = vector.broadcast %shift_right_arithmetic3A_541 : i32 to vector<16xi32>
      %shift_right_arithmetic3A_543 = arith.shrsi %bitcast3A_540, %shift_right_arithmetic3A_542 : vector<16xi32>
      %sub3A_544 = arith.constant 127 : i32
      %sub3A_545 = vector.broadcast %sub3A_544 : i32 to vector<16xi32>
      %sub3A_546 = arith.subi %shift_right_arithmetic3A_543, %sub3A_545 : vector<16xi32>
      %and3A_547 = arith.constant 8388607 : i32
      %and3A_548 = vector.broadcast %and3A_547 : i32 to vector<16xi32>
      %and3A_549 = arith.andi %bitcast3A_540, %and3A_548 : vector<16xi32>
      %or3A_550 = arith.constant 1065353216 : i32
      %or3A_551 = vector.broadcast %or3A_550 : i32 to vector<16xi32>
      %or3A_552 = arith.ori %and3A_549, %or3A_551 : vector<16xi32>
      %bitcast3A_553 = vector.bitcast %or3A_552 : vector<16xi32> to vector<16xf32>
      %sub3A_554 = arith.constant 1.000000e+00 : f32
      %sub3A_555 = vector.broadcast %sub3A_554 : f32 to vector<16xf32>
      %sub3A_556 = arith.subf %bitcast3A_553, %sub3A_555 : vector<16xf32>
      %add3A_557 = arith.constant 1.000000e+00 : f32
      %add3A_558 = vector.broadcast %add3A_557 : f32 to vector<16xf32>
      %add3A_559 = arith.addf %bitcast3A_553, %add3A_558 : vector<16xf32>
      %div3A_560 = arith.divf %sub3A_556, %add3A_559 : vector<16xf32>
      %mul3A_561 = arith.mulf %div3A_560, %div3A_560 : vector<16xf32>
      %mul3A_562 = arith.constant 0.285714298 : f32
      %mul3A_563 = vector.broadcast %mul3A_562 : f32 to vector<16xf32>
      %mul3A_564 = arith.mulf %mul3A_561, %mul3A_563 : vector<16xf32>
      %add3A_565 = arith.constant 4.000000e-01 : f32
      %add3A_566 = vector.broadcast %add3A_565 : f32 to vector<16xf32>
      %add3A_567 = arith.addf %add3A_566, %mul3A_564 : vector<16xf32>
      %mul3A_568 = arith.mulf %mul3A_561, %add3A_567 : vector<16xf32>
      %add3A_569 = arith.constant 0.666666686 : f32
      %add3A_570 = vector.broadcast %add3A_569 : f32 to vector<16xf32>
      %add3A_571 = arith.addf %add3A_570, %mul3A_568 : vector<16xf32>
      %mul3A_572 = arith.mulf %mul3A_561, %add3A_571 : vector<16xf32>
      %add3A_573 = arith.constant 2.000000e+00 : f32
      %add3A_574 = vector.broadcast %add3A_573 : f32 to vector<16xf32>
      %add3A_575 = arith.addf %add3A_574, %mul3A_572 : vector<16xf32>
      %mul3A_576 = arith.mulf %div3A_560, %add3A_575 : vector<16xf32>
      %convert_element_type3A_577 = arith.sitofp %sub3A_546 : vector<16xi32> to vector<16xf32>
      %mul3A_578 = arith.constant 0.693147182 : f32
      %mul3A_579 = vector.broadcast %mul3A_578 : f32 to vector<16xf32>
      %mul3A_580 = arith.mulf %convert_element_type3A_577, %mul3A_579 : vector<16xf32>
      %add3A_581 = arith.addf %mul3A_580, %mul3A_576 : vector<16xf32>
      %mul3A_582 = arith.mulf %add3A_581, %scan3A_535#3 : vector<16xf32>
      %sub3A_583 = arith.subf %add3A_539, %mul3A_582 : vector<16xf32>
      %swap3A_584 = arith.constant 0 : index
      %swap3A_585 = tpu.vector_load %arg18[%swap3A_584] {strides = array<i32>} : memref<128xf32, #tpu.memory_space<vmem>>, vector<16xf32>,
      tpu.vector_store %arg18[%swap3A_584], %sub3A_583 {strides = array<i32>} : memref<128xf32, #tpu.memory_space<vmem>>, vector<16xf32>,
      %get3A_586 = arith.index_cast %scan3A_524 : i32 to index
      %get3A_587 = arith.constant 0 : index
      %get3A_588 = tpu.vector_load %arg13[%get3A_586, %get3A_587] {strides = array<i32>} : memref<64x128xf32, #tpu.memory_space<vmem>>, vector<16xf32>,
      %get3A_589 = arith.constant 0 : index
      %get3A_590 = tpu.vector_load %arg17[%get3A_589] {strides = array<i32>} : memref<128xf32, #tpu.memory_space<vmem>>, vector<16xf32>,
      %mul3A_591 = arith.mulf %get3A_590, %scan3A_535#0 : vector<16xf32>
      %div3A_592 = arith.divf %get3A_588, %mul3A_591 : vector<16xf32>
      %scan3A_593 = arith.constant 0 : i32
      %scan3A_594 = arith.constant 0 : i32
      %scan3A_595 = arith.constant 128 : i32
      %scan3A_596 = arith.addi %scan3A_594, %scan3A_595 : i32
      %scan3A_597 = arith.constant 1 : i32
      scf.for %scan3A_1089 = %scan3A_594 to %scan3A_596 step %scan3A_597  : i32 {
        %get3A_1090 = arith.index_cast %scan3A_1089 : i32 to index
        %get3A_1091 = arith.constant 0 : index
        %get3A_1092 = tpu.vector_load %arg10[%get3A_1090, %get3A_1091] {strides = array<i32>} : memref<128x128xf32, #tpu.memory_space<vmem>>, vector<16xf32>,
        %mul3A_1093 = arith.mulf %get3A_1092, %div3A_592 : vector<16xf32>
        %swap3A_1094 = arith.index_cast %scan3A_1089 : i32 to index
        %swap3A_1095 = arith.constant 0 : index
        %swap3A_1096 = tpu.vector_load %arg10[%swap3A_1094, %swap3A_1095] {strides = array<i32>} : memref<128x128xf32, #tpu.memory_space<vmem>>, vector<16xf32>,
        tpu.vector_store %arg10[%swap3A_1094, %swap3A_1095], %mul3A_1093 {strides = array<i32>} : memref<128x128xf32, #tpu.memory_space<vmem>>, vector<16xf32>,
      }
      %scan3A_598 = arith.constant 128 : i32
      %broadcast_in_dim3A_599 = arith.constant 0.000000e+00 : f32
      %broadcast_in_dim3A_600 = vector.broadcast %broadcast_in_dim3A_599 : f32 to vector<16xf32>
      %scan3A_601 = arith.constant 0 : i32
      %scan3A_602 = arith.constant 128 : i32
      %scan3A_603 = arith.addi %scan3A_601, %scan3A_602 : i32
      %scan3A_604 = arith.constant 1 : i32
      %scan3A_605:4 = scf.for %scan3A_1089 = %scan3A_601 to %scan3A_603 step %scan3A_604 iter_args(%scan3A_1090 = %broadcast_in_dim3A_600, %scan3A_1091 = %broadcast_in_dim3A_600, %scan3A_1092 = %broadcast_in_dim3A_600, %scan3A_1093 = %broadcast_in_dim3A_600) -> (vector<16xf32>, vector<16xf32>, vector<16xf32>, vector<16xf32>)  : i32 {
        %get3A_1094 = arith.index_cast %scan3A_1089 : i32 to index
        %get3A_1095 = arith.constant 16 : index
        %get3A_1096 = tpu.vector_load %arg8[%get3A_1094, %get3A_1095] {strides = array<i32>} : memref<128x128xf32, #tpu.memory_space<vmem>>, vector<16xf32>,
        %exp3A = math.exp %get3A_1096 : vector<16xf32>
        %get3A_1097 = arith.index_cast %scan3A_1089 : i32 to index
        %get3A_1098 = arith.constant 0 : index
        %get3A_1099 = tpu.vector_load %arg16[%get3A_1097, %get3A_1098] {strides = array<i32>} : memref<128x16xf32, #tpu.memory_space<vmem>>, vector<16xf32>,
        %mul3A_1100 = arith.mulf %exp3A, %get3A_1099 : vector<16xf32>
        %swap3A_1101 = arith.index_cast %scan3A_1089 : i32 to index
        %swap3A_1102 = arith.constant 16 : index
        %swap3A_1103 = tpu.vector_load %arg10[%swap3A_1101, %swap3A_1102] {strides = array<i32>} : memref<128x128xf32, #tpu.memory_space<vmem>>, vector<16xf32>,
        tpu.vector_store %arg10[%swap3A_1101, %swap3A_1102], %exp3A {strides = array<i32>} : memref<128x128xf32, #tpu.memory_space<vmem>>, vector<16xf32>,
        %get3A_1104 = arith.index_cast %scan3A_1089 : i32 to index
        %get3A_1105 = arith.constant 16 : index
        %get3A_1106 = tpu.vector_load %arg9[%get3A_1104, %get3A_1105] {strides = array<i32>} : memref<128x128xf32, #tpu.memory_space<vmem>>, vector<16xf32>,
        %add3A_1107 = arith.addf %scan3A_1090, %exp3A : vector<16xf32>
        %add3A_1108 = arith.addf %scan3A_1091, %mul3A_1100 : vector<16xf32>
        %get3A_1109 = arith.index_cast %scan3A_1089 : i32 to index
        %get3A_1110 = arith.constant 0 : index
        %get3A_1111 = tpu.vector_load %arg15[%get3A_1109, %get3A_1110] {strides = array<i32>} : memref<128x16xf32, #tpu.memory_space<vmem>>, vector<16xf32>,
        %add3A_1112 = arith.addf %get3A_1096, %get3A_1111 : vector<16xf32>
        %mul3A_1113 = arith.mulf %add3A_1112, %get3A_1106 : vector<16xf32>
        %add3A_1114 = arith.addf %scan3A_1092, %mul3A_1113 : vector<16xf32>
        %add3A_1115 = arith.addf %scan3A_1093, %get3A_1106 : vector<16xf32>
        scf.yield %add3A_1107, %add3A_1108, %add3A_1114, %add3A_1115 : vector<16xf32>, vector<16xf32>, vector<16xf32>, vector<16xf32>
      }
      %scan3A_606 = arith.constant 128 : i32
      %get3A_607 = arith.constant 16 : index
      %get3A_608 = tpu.vector_load %arg18[%get3A_607] {strides = array<i32>} : memref<128xf32, #tpu.memory_space<vmem>>, vector<16xf32>,
      %add3A_609 = arith.addf %get3A_608, %scan3A_605#2 : vector<16xf32>
      %bitcast3A_610 = vector.bitcast %scan3A_605#1 : vector<16xf32> to vector<16xi32>
      %shift_right_arithmetic3A_611 = arith.constant 23 : i32
      %shift_right_arithmetic3A_612 = vector.broadcast %shift_right_arithmetic3A_611 : i32 to vector<16xi32>
      %shift_right_arithmetic3A_613 = arith.shrsi %bitcast3A_610, %shift_right_arithmetic3A_612 : vector<16xi32>
      %sub3A_614 = arith.constant 127 : i32
      %sub3A_615 = vector.broadcast %sub3A_614 : i32 to vector<16xi32>
      %sub3A_616 = arith.subi %shift_right_arithmetic3A_613, %sub3A_615 : vector<16xi32>
      %and3A_617 = arith.constant 8388607 : i32
      %and3A_618 = vector.broadcast %and3A_617 : i32 to vector<16xi32>
      %and3A_619 = arith.andi %bitcast3A_610, %and3A_618 : vector<16xi32>
      %or3A_620 = arith.constant 1065353216 : i32
      %or3A_621 = vector.broadcast %or3A_620 : i32 to vector<16xi32>
      %or3A_622 = arith.ori %and3A_619, %or3A_621 : vector<16xi32>
      %bitcast3A_623 = vector.bitcast %or3A_622 : vector<16xi32> to vector<16xf32>
      %sub3A_624 = arith.constant 1.000000e+00 : f32
      %sub3A_625 = vector.broadcast %sub3A_624 : f32 to vector<16xf32>
      %sub3A_626 = arith.subf %bitcast3A_623, %sub3A_625 : vector<16xf32>
      %add3A_627 = arith.constant 1.000000e+00 : f32
      %add3A_628 = vector.broadcast %add3A_627 : f32 to vector<16xf32>
      %add3A_629 = arith.addf %bitcast3A_623, %add3A_628 : vector<16xf32>
      %div3A_630 = arith.divf %sub3A_626, %add3A_629 : vector<16xf32>
      %mul3A_631 = arith.mulf %div3A_630, %div3A_630 : vector<16xf32>
      %mul3A_632 = arith.constant 0.285714298 : f32
      %mul3A_633 = vector.broadcast %mul3A_632 : f32 to vector<16xf32>
      %mul3A_634 = arith.mulf %mul3A_631, %mul3A_633 : vector<16xf32>
      %add3A_635 = arith.constant 4.000000e-01 : f32
      %add3A_636 = vector.broadcast %add3A_635 : f32 to vector<16xf32>
      %add3A_637 = arith.addf %add3A_636, %mul3A_634 : vector<16xf32>
      %mul3A_638 = arith.mulf %mul3A_631, %add3A_637 : vector<16xf32>
      %add3A_639 = arith.constant 0.666666686 : f32
      %add3A_640 = vector.broadcast %add3A_639 : f32 to vector<16xf32>
      %add3A_641 = arith.addf %add3A_640, %mul3A_638 : vector<16xf32>
      %mul3A_642 = arith.mulf %mul3A_631, %add3A_641 : vector<16xf32>
      %add3A_643 = arith.constant 2.000000e+00 : f32
      %add3A_644 = vector.broadcast %add3A_643 : f32 to vector<16xf32>
      %add3A_645 = arith.addf %add3A_644, %mul3A_642 : vector<16xf32>
      %mul3A_646 = arith.mulf %div3A_630, %add3A_645 : vector<16xf32>
      %convert_element_type3A_647 = arith.sitofp %sub3A_616 : vector<16xi32> to vector<16xf32>
      %mul3A_648 = arith.constant 0.693147182 : f32
      %mul3A_649 = vector.broadcast %mul3A_648 : f32 to vector<16xf32>
      %mul3A_650 = arith.mulf %convert_element_type3A_647, %mul3A_649 : vector<16xf32>
      %add3A_651 = arith.addf %mul3A_650, %mul3A_646 : vector<16xf32>
      %mul3A_652 = arith.mulf %add3A_651, %scan3A_605#3 : vector<16xf32>
      %sub3A_653 = arith.subf %add3A_609, %mul3A_652 : vector<16xf32>
      %swap3A_654 = arith.constant 16 : index
      %swap3A_655 = tpu.vector_load %arg18[%swap3A_654] {strides = array<i32>} : memref<128xf32, #tpu.memory_space<vmem>>, vector<16xf32>,
      tpu.vector_store %arg18[%swap3A_654], %sub3A_653 {strides = array<i32>} : memref<128xf32, #tpu.memory_space<vmem>>, vector<16xf32>,
      %get3A_656 = arith.index_cast %scan3A_524 : i32 to index
      %get3A_657 = arith.constant 16 : index
      %get3A_658 = tpu.vector_load %arg13[%get3A_656, %get3A_657] {strides = array<i32>} : memref<64x128xf32, #tpu.memory_space<vmem>>, vector<16xf32>,
      %get3A_659 = arith.constant 16 : index
      %get3A_660 = tpu.vector_load %arg17[%get3A_659] {strides = array<i32>} : memref<128xf32, #tpu.memory_space<vmem>>, vector<16xf32>,
      %mul3A_661 = arith.mulf %get3A_660, %scan3A_605#0 : vector<16xf32>
      %div3A_662 = arith.divf %get3A_658, %mul3A_661 : vector<16xf32>
      %scan3A_663 = arith.constant 0 : i32
      %scan3A_664 = arith.constant 0 : i32
      %scan3A_665 = arith.constant 128 : i32
      %scan3A_666 = arith.addi %scan3A_664, %scan3A_665 : i32
      %scan3A_667 = arith.constant 1 : i32
      scf.for %scan3A_1089 = %scan3A_664 to %scan3A_666 step %scan3A_667  : i32 {
        %get3A_1090 = arith.index_cast %scan3A_1089 : i32 to index
        %get3A_1091 = arith.constant 16 : index
        %get3A_1092 = tpu.vector_load %arg10[%get3A_1090, %get3A_1091] {strides = array<i32>} : memref<128x128xf32, #tpu.memory_space<vmem>>, vector<16xf32>,
        %mul3A_1093 = arith.mulf %get3A_1092, %div3A_662 : vector<16xf32>
        %swap3A_1094 = arith.index_cast %scan3A_1089 : i32 to index
        %swap3A_1095 = arith.constant 16 : index
        %swap3A_1096 = tpu.vector_load %arg10[%swap3A_1094, %swap3A_1095] {strides = array<i32>} : memref<128x128xf32, #tpu.memory_space<vmem>>, vector<16xf32>,
        tpu.vector_store %arg10[%swap3A_1094, %swap3A_1095], %mul3A_1093 {strides = array<i32>} : memref<128x128xf32, #tpu.memory_space<vmem>>, vector<16xf32>,
      }
      %scan3A_668 = arith.constant 128 : i32
      %broadcast_in_dim3A_669 = arith.constant 0.000000e+00 : f32
      %broadcast_in_dim3A_670 = vector.broadcast %broadcast_in_dim3A_669 : f32 to vector<16xf32>
      %scan3A_671 = arith.constant 0 : i32
      %scan3A_672 = arith.constant 128 : i32
      %scan3A_673 = arith.addi %scan3A_671, %scan3A_672 : i32
      %scan3A_674 = arith.constant 1 : i32
      %scan3A_675:4 = scf.for %scan3A_1089 = %scan3A_671 to %scan3A_673 step %scan3A_674 iter_args(%scan3A_1090 = %broadcast_in_dim3A_670, %scan3A_1091 = %broadcast_in_dim3A_670, %scan3A_1092 = %broadcast_in_dim3A_670, %scan3A_1093 = %broadcast_in_dim3A_670) -> (vector<16xf32>, vector<16xf32>, vector<16xf32>, vector<16xf32>)  : i32 {
        %get3A_1094 = arith.index_cast %scan3A_1089 : i32 to index
        %get3A_1095 = arith.constant 32 : index
        %get3A_1096 = tpu.vector_load %arg8[%get3A_1094, %get3A_1095] {strides = array<i32>} : memref<128x128xf32, #tpu.memory_space<vmem>>, vector<16xf32>,
        %exp3A = math.exp %get3A_1096 : vector<16xf32>
        %get3A_1097 = arith.index_cast %scan3A_1089 : i32 to index
        %get3A_1098 = arith.constant 0 : index
        %get3A_1099 = tpu.vector_load %arg16[%get3A_1097, %get3A_1098] {strides = array<i32>} : memref<128x16xf32, #tpu.memory_space<vmem>>, vector<16xf32>,
        %mul3A_1100 = arith.mulf %exp3A, %get3A_1099 : vector<16xf32>
        %swap3A_1101 = arith.index_cast %scan3A_1089 : i32 to index
        %swap3A_1102 = arith.constant 32 : index
        %swap3A_1103 = tpu.vector_load %arg10[%swap3A_1101, %swap3A_1102] {strides = array<i32>} : memref<128x128xf32, #tpu.memory_space<vmem>>, vector<16xf32>,
        tpu.vector_store %arg10[%swap3A_1101, %swap3A_1102], %exp3A {strides = array<i32>} : memref<128x128xf32, #tpu.memory_space<vmem>>, vector<16xf32>,
        %get3A_1104 = arith.index_cast %scan3A_1089 : i32 to index
        %get3A_1105 = arith.constant 32 : index
        %get3A_1106 = tpu.vector_load %arg9[%get3A_1104, %get3A_1105] {strides = array<i32>} : memref<128x128xf32, #tpu.memory_space<vmem>>, vector<16xf32>,
        %add3A_1107 = arith.addf %scan3A_1090, %exp3A : vector<16xf32>
        %add3A_1108 = arith.addf %scan3A_1091, %mul3A_1100 : vector<16xf32>
        %get3A_1109 = arith.index_cast %scan3A_1089 : i32 to index
        %get3A_1110 = arith.constant 0 : index
        %get3A_1111 = tpu.vector_load %arg15[%get3A_1109, %get3A_1110] {strides = array<i32>} : memref<128x16xf32, #tpu.memory_space<vmem>>, vector<16xf32>,
        %add3A_1112 = arith.addf %get3A_1096, %get3A_1111 : vector<16xf32>
        %mul3A_1113 = arith.mulf %add3A_1112, %get3A_1106 : vector<16xf32>
        %add3A_1114 = arith.addf %scan3A_1092, %mul3A_1113 : vector<16xf32>
        %add3A_1115 = arith.addf %scan3A_1093, %get3A_1106 : vector<16xf32>
        scf.yield %add3A_1107, %add3A_1108, %add3A_1114, %add3A_1115 : vector<16xf32>, vector<16xf32>, vector<16xf32>, vector<16xf32>
      }
      %scan3A_676 = arith.constant 128 : i32
      %get3A_677 = arith.constant 32 : index
      %get3A_678 = tpu.vector_load %arg18[%get3A_677] {strides = array<i32>} : memref<128xf32, #tpu.memory_space<vmem>>, vector<16xf32>,
      %add3A_679 = arith.addf %get3A_678, %scan3A_675#2 : vector<16xf32>
      %bitcast3A_680 = vector.bitcast %scan3A_675#1 : vector<16xf32> to vector<16xi32>
      %shift_right_arithmetic3A_681 = arith.constant 23 : i32
      %shift_right_arithmetic3A_682 = vector.broadcast %shift_right_arithmetic3A_681 : i32 to vector<16xi32>
      %shift_right_arithmetic3A_683 = arith.shrsi %bitcast3A_680, %shift_right_arithmetic3A_682 : vector<16xi32>
      %sub3A_684 = arith.constant 127 : i32
      %sub3A_685 = vector.broadcast %sub3A_684 : i32 to vector<16xi32>
      %sub3A_686 = arith.subi %shift_right_arithmetic3A_683, %sub3A_685 : vector<16xi32>
      %and3A_687 = arith.constant 8388607 : i32
      %and3A_688 = vector.broadcast %and3A_687 : i32 to vector<16xi32>
      %and3A_689 = arith.andi %bitcast3A_680, %and3A_688 : vector<16xi32>
      %or3A_690 = arith.constant 1065353216 : i32
      %or3A_691 = vector.broadcast %or3A_690 : i32 to vector<16xi32>
      %or3A_692 = arith.ori %and3A_689, %or3A_691 : vector<16xi32>
      %bitcast3A_693 = vector.bitcast %or3A_692 : vector<16xi32> to vector<16xf32>
      %sub3A_694 = arith.constant 1.000000e+00 : f32
      %sub3A_695 = vector.broadcast %sub3A_694 : f32 to vector<16xf32>
      %sub3A_696 = arith.subf %bitcast3A_693, %sub3A_695 : vector<16xf32>
      %add3A_697 = arith.constant 1.000000e+00 : f32
      %add3A_698 = vector.broadcast %add3A_697 : f32 to vector<16xf32>
      %add3A_699 = arith.addf %bitcast3A_693, %add3A_698 : vector<16xf32>
      %div3A_700 = arith.divf %sub3A_696, %add3A_699 : vector<16xf32>
      %mul3A_701 = arith.mulf %div3A_700, %div3A_700 : vector<16xf32>
      %mul3A_702 = arith.constant 0.285714298 : f32
      %mul3A_703 = vector.broadcast %mul3A_702 : f32 to vector<16xf32>
      %mul3A_704 = arith.mulf %mul3A_701, %mul3A_703 : vector<16xf32>
      %add3A_705 = arith.constant 4.000000e-01 : f32
      %add3A_706 = vector.broadcast %add3A_705 : f32 to vector<16xf32>
      %add3A_707 = arith.addf %add3A_706, %mul3A_704 : vector<16xf32>
      %mul3A_708 = arith.mulf %mul3A_701, %add3A_707 : vector<16xf32>
      %add3A_709 = arith.constant 0.666666686 : f32
      %add3A_710 = vector.broadcast %add3A_709 : f32 to vector<16xf32>
      %add3A_711 = arith.addf %add3A_710, %mul3A_708 : vector<16xf32>
      %mul3A_712 = arith.mulf %mul3A_701, %add3A_711 : vector<16xf32>
      %add3A_713 = arith.constant 2.000000e+00 : f32
      %add3A_714 = vector.broadcast %add3A_713 : f32 to vector<16xf32>
      %add3A_715 = arith.addf %add3A_714, %mul3A_712 : vector<16xf32>
      %mul3A_716 = arith.mulf %div3A_700, %add3A_715 : vector<16xf32>
      %convert_element_type3A_717 = arith.sitofp %sub3A_686 : vector<16xi32> to vector<16xf32>
      %mul3A_718 = arith.constant 0.693147182 : f32
      %mul3A_719 = vector.broadcast %mul3A_718 : f32 to vector<16xf32>
      %mul3A_720 = arith.mulf %convert_element_type3A_717, %mul3A_719 : vector<16xf32>
      %add3A_721 = arith.addf %mul3A_720, %mul3A_716 : vector<16xf32>
      %mul3A_722 = arith.mulf %add3A_721, %scan3A_675#3 : vector<16xf32>
      %sub3A_723 = arith.subf %add3A_679, %mul3A_722 : vector<16xf32>
      %swap3A_724 = arith.constant 32 : index
      %swap3A_725 = tpu.vector_load %arg18[%swap3A_724] {strides = array<i32>} : memref<128xf32, #tpu.memory_space<vmem>>, vector<16xf32>,
      tpu.vector_store %arg18[%swap3A_724], %sub3A_723 {strides = array<i32>} : memref<128xf32, #tpu.memory_space<vmem>>, vector<16xf32>,
      %get3A_726 = arith.index_cast %scan3A_524 : i32 to index
      %get3A_727 = arith.constant 32 : index
      %get3A_728 = tpu.vector_load %arg13[%get3A_726, %get3A_727] {strides = array<i32>} : memref<64x128xf32, #tpu.memory_space<vmem>>, vector<16xf32>,
      %get3A_729 = arith.constant 32 : index
      %get3A_730 = tpu.vector_load %arg17[%get3A_729] {strides = array<i32>} : memref<128xf32, #tpu.memory_space<vmem>>, vector<16xf32>,
      %mul3A_731 = arith.mulf %get3A_730, %scan3A_675#0 : vector<16xf32>
      %div3A_732 = arith.divf %get3A_728, %mul3A_731 : vector<16xf32>
      %scan3A_733 = arith.constant 0 : i32
      %scan3A_734 = arith.constant 0 : i32
      %scan3A_735 = arith.constant 128 : i32
      %scan3A_736 = arith.addi %scan3A_734, %scan3A_735 : i32
      %scan3A_737 = arith.constant 1 : i32
      scf.for %scan3A_1089 = %scan3A_734 to %scan3A_736 step %scan3A_737  : i32 {
        %get3A_1090 = arith.index_cast %scan3A_1089 : i32 to index
        %get3A_1091 = arith.constant 32 : index
        %get3A_1092 = tpu.vector_load %arg10[%get3A_1090, %get3A_1091] {strides = array<i32>} : memref<128x128xf32, #tpu.memory_space<vmem>>, vector<16xf32>,
        %mul3A_1093 = arith.mulf %get3A_1092, %div3A_732 : vector<16xf32>
        %swap3A_1094 = arith.index_cast %scan3A_1089 : i32 to index
        %swap3A_1095 = arith.constant 32 : index
        %swap3A_1096 = tpu.vector_load %arg10[%swap3A_1094, %swap3A_1095] {strides = array<i32>} : memref<128x128xf32, #tpu.memory_space<vmem>>, vector<16xf32>,
        tpu.vector_store %arg10[%swap3A_1094, %swap3A_1095], %mul3A_1093 {strides = array<i32>} : memref<128x128xf32, #tpu.memory_space<vmem>>, vector<16xf32>,
      }
      %scan3A_738 = arith.constant 128 : i32
      %broadcast_in_dim3A_739 = arith.constant 0.000000e+00 : f32
      %broadcast_in_dim3A_740 = vector.broadcast %broadcast_in_dim3A_739 : f32 to vector<16xf32>
      %scan3A_741 = arith.constant 0 : i32
      %scan3A_742 = arith.constant 128 : i32
      %scan3A_743 = arith.addi %scan3A_741, %scan3A_742 : i32
      %scan3A_744 = arith.constant 1 : i32
      %scan3A_745:4 = scf.for %scan3A_1089 = %scan3A_741 to %scan3A_743 step %scan3A_744 iter_args(%scan3A_1090 = %broadcast_in_dim3A_740, %scan3A_1091 = %broadcast_in_dim3A_740, %scan3A_1092 = %broadcast_in_dim3A_740, %scan3A_1093 = %broadcast_in_dim3A_740) -> (vector<16xf32>, vector<16xf32>, vector<16xf32>, vector<16xf32>)  : i32 {
        %get3A_1094 = arith.index_cast %scan3A_1089 : i32 to index
        %get3A_1095 = arith.constant 48 : index
        %get3A_1096 = tpu.vector_load %arg8[%get3A_1094, %get3A_1095] {strides = array<i32>} : memref<128x128xf32, #tpu.memory_space<vmem>>, vector<16xf32>,
        %exp3A = math.exp %get3A_1096 : vector<16xf32>
        %get3A_1097 = arith.index_cast %scan3A_1089 : i32 to index
        %get3A_1098 = arith.constant 0 : index
        %get3A_1099 = tpu.vector_load %arg16[%get3A_1097, %get3A_1098] {strides = array<i32>} : memref<128x16xf32, #tpu.memory_space<vmem>>, vector<16xf32>,
        %mul3A_1100 = arith.mulf %exp3A, %get3A_1099 : vector<16xf32>
        %swap3A_1101 = arith.index_cast %scan3A_1089 : i32 to index
        %swap3A_1102 = arith.constant 48 : index
        %swap3A_1103 = tpu.vector_load %arg10[%swap3A_1101, %swap3A_1102] {strides = array<i32>} : memref<128x128xf32, #tpu.memory_space<vmem>>, vector<16xf32>,
        tpu.vector_store %arg10[%swap3A_1101, %swap3A_1102], %exp3A {strides = array<i32>} : memref<128x128xf32, #tpu.memory_space<vmem>>, vector<16xf32>,
        %get3A_1104 = arith.index_cast %scan3A_1089 : i32 to index
        %get3A_1105 = arith.constant 48 : index
        %get3A_1106 = tpu.vector_load %arg9[%get3A_1104, %get3A_1105] {strides = array<i32>} : memref<128x128xf32, #tpu.memory_space<vmem>>, vector<16xf32>,
        %add3A_1107 = arith.addf %scan3A_1090, %exp3A : vector<16xf32>
        %add3A_1108 = arith.addf %scan3A_1091, %mul3A_1100 : vector<16xf32>
        %get3A_1109 = arith.index_cast %scan3A_1089 : i32 to index
        %get3A_1110 = arith.constant 0 : index
        %get3A_1111 = tpu.vector_load %arg15[%get3A_1109, %get3A_1110] {strides = array<i32>} : memref<128x16xf32, #tpu.memory_space<vmem>>, vector<16xf32>,
        %add3A_1112 = arith.addf %get3A_1096, %get3A_1111 : vector<16xf32>
        %mul3A_1113 = arith.mulf %add3A_1112, %get3A_1106 : vector<16xf32>
        %add3A_1114 = arith.addf %scan3A_1092, %mul3A_1113 : vector<16xf32>
        %add3A_1115 = arith.addf %scan3A_1093, %get3A_1106 : vector<16xf32>
        scf.yield %add3A_1107, %add3A_1108, %add3A_1114, %add3A_1115 : vector<16xf32>, vector<16xf32>, vector<16xf32>, vector<16xf32>
      }
      %scan3A_746 = arith.constant 128 : i32
      %get3A_747 = arith.constant 48 : index
      %get3A_748 = tpu.vector_load %arg18[%get3A_747] {strides = array<i32>} : memref<128xf32, #tpu.memory_space<vmem>>, vector<16xf32>,
      %add3A_749 = arith.addf %get3A_748, %scan3A_745#2 : vector<16xf32>
      %bitcast3A_750 = vector.bitcast %scan3A_745#1 : vector<16xf32> to vector<16xi32>
      %shift_right_arithmetic3A_751 = arith.constant 23 : i32
      %shift_right_arithmetic3A_752 = vector.broadcast %shift_right_arithmetic3A_751 : i32 to vector<16xi32>
      %shift_right_arithmetic3A_753 = arith.shrsi %bitcast3A_750, %shift_right_arithmetic3A_752 : vector<16xi32>
      %sub3A_754 = arith.constant 127 : i32
      %sub3A_755 = vector.broadcast %sub3A_754 : i32 to vector<16xi32>
      %sub3A_756 = arith.subi %shift_right_arithmetic3A_753, %sub3A_755 : vector<16xi32>
      %and3A_757 = arith.constant 8388607 : i32
      %and3A_758 = vector.broadcast %and3A_757 : i32 to vector<16xi32>
      %and3A_759 = arith.andi %bitcast3A_750, %and3A_758 : vector<16xi32>
      %or3A_760 = arith.constant 1065353216 : i32
      %or3A_761 = vector.broadcast %or3A_760 : i32 to vector<16xi32>
      %or3A_762 = arith.ori %and3A_759, %or3A_761 : vector<16xi32>
      %bitcast3A_763 = vector.bitcast %or3A_762 : vector<16xi32> to vector<16xf32>
      %sub3A_764 = arith.constant 1.000000e+00 : f32
      %sub3A_765 = vector.broadcast %sub3A_764 : f32 to vector<16xf32>
      %sub3A_766 = arith.subf %bitcast3A_763, %sub3A_765 : vector<16xf32>
      %add3A_767 = arith.constant 1.000000e+00 : f32
      %add3A_768 = vector.broadcast %add3A_767 : f32 to vector<16xf32>
      %add3A_769 = arith.addf %bitcast3A_763, %add3A_768 : vector<16xf32>
      %div3A_770 = arith.divf %sub3A_766, %add3A_769 : vector<16xf32>
      %mul3A_771 = arith.mulf %div3A_770, %div3A_770 : vector<16xf32>
      %mul3A_772 = arith.constant 0.285714298 : f32
      %mul3A_773 = vector.broadcast %mul3A_772 : f32 to vector<16xf32>
      %mul3A_774 = arith.mulf %mul3A_771, %mul3A_773 : vector<16xf32>
      %add3A_775 = arith.constant 4.000000e-01 : f32
      %add3A_776 = vector.broadcast %add3A_775 : f32 to vector<16xf32>
      %add3A_777 = arith.addf %add3A_776, %mul3A_774 : vector<16xf32>
      %mul3A_778 = arith.mulf %mul3A_771, %add3A_777 : vector<16xf32>
      %add3A_779 = arith.constant 0.666666686 : f32
      %add3A_780 = vector.broadcast %add3A_779 : f32 to vector<16xf32>
      %add3A_781 = arith.addf %add3A_780, %mul3A_778 : vector<16xf32>
      %mul3A_782 = arith.mulf %mul3A_771, %add3A_781 : vector<16xf32>
      %add3A_783 = arith.constant 2.000000e+00 : f32
      %add3A_784 = vector.broadcast %add3A_783 : f32 to vector<16xf32>
      %add3A_785 = arith.addf %add3A_784, %mul3A_782 : vector<16xf32>
      %mul3A_786 = arith.mulf %div3A_770, %add3A_785 : vector<16xf32>
      %convert_element_type3A_787 = arith.sitofp %sub3A_756 : vector<16xi32> to vector<16xf32>
      %mul3A_788 = arith.constant 0.693147182 : f32
      %mul3A_789 = vector.broadcast %mul3A_788 : f32 to vector<16xf32>
      %mul3A_790 = arith.mulf %convert_element_type3A_787, %mul3A_789 : vector<16xf32>
      %add3A_791 = arith.addf %mul3A_790, %mul3A_786 : vector<16xf32>
      %mul3A_792 = arith.mulf %add3A_791, %scan3A_745#3 : vector<16xf32>
      %sub3A_793 = arith.subf %add3A_749, %mul3A_792 : vector<16xf32>
      %swap3A_794 = arith.constant 48 : index
      %swap3A_795 = tpu.vector_load %arg18[%swap3A_794] {strides = array<i32>} : memref<128xf32, #tpu.memory_space<vmem>>, vector<16xf32>,
      tpu.vector_store %arg18[%swap3A_794], %sub3A_793 {strides = array<i32>} : memref<128xf32, #tpu.memory_space<vmem>>, vector<16xf32>,
      %get3A_796 = arith.index_cast %scan3A_524 : i32 to index
      %get3A_797 = arith.constant 48 : index
      %get3A_798 = tpu.vector_load %arg13[%get3A_796, %get3A_797] {strides = array<i32>} : memref<64x128xf32, #tpu.memory_space<vmem>>, vector<16xf32>,
      %get3A_799 = arith.constant 48 : index
      %get3A_800 = tpu.vector_load %arg17[%get3A_799] {strides = array<i32>} : memref<128xf32, #tpu.memory_space<vmem>>, vector<16xf32>,
      %mul3A_801 = arith.mulf %get3A_800, %scan3A_745#0 : vector<16xf32>
      %div3A_802 = arith.divf %get3A_798, %mul3A_801 : vector<16xf32>
      %scan3A_803 = arith.constant 0 : i32
      %scan3A_804 = arith.constant 0 : i32
      %scan3A_805 = arith.constant 128 : i32
      %scan3A_806 = arith.addi %scan3A_804, %scan3A_805 : i32
      %scan3A_807 = arith.constant 1 : i32
      scf.for %scan3A_1089 = %scan3A_804 to %scan3A_806 step %scan3A_807  : i32 {
        %get3A_1090 = arith.index_cast %scan3A_1089 : i32 to index
        %get3A_1091 = arith.constant 48 : index
        %get3A_1092 = tpu.vector_load %arg10[%get3A_1090, %get3A_1091] {strides = array<i32>} : memref<128x128xf32, #tpu.memory_space<vmem>>, vector<16xf32>,
        %mul3A_1093 = arith.mulf %get3A_1092, %div3A_802 : vector<16xf32>
        %swap3A_1094 = arith.index_cast %scan3A_1089 : i32 to index
        %swap3A_1095 = arith.constant 48 : index
        %swap3A_1096 = tpu.vector_load %arg10[%swap3A_1094, %swap3A_1095] {strides = array<i32>} : memref<128x128xf32, #tpu.memory_space<vmem>>, vector<16xf32>,
        tpu.vector_store %arg10[%swap3A_1094, %swap3A_1095], %mul3A_1093 {strides = array<i32>} : memref<128x128xf32, #tpu.memory_space<vmem>>, vector<16xf32>,
      }
      %scan3A_808 = arith.constant 128 : i32
      %broadcast_in_dim3A_809 = arith.constant 0.000000e+00 : f32
      %broadcast_in_dim3A_810 = vector.broadcast %broadcast_in_dim3A_809 : f32 to vector<16xf32>
      %scan3A_811 = arith.constant 0 : i32
      %scan3A_812 = arith.constant 128 : i32
      %scan3A_813 = arith.addi %scan3A_811, %scan3A_812 : i32
      %scan3A_814 = arith.constant 1 : i32
      %scan3A_815:4 = scf.for %scan3A_1089 = %scan3A_811 to %scan3A_813 step %scan3A_814 iter_args(%scan3A_1090 = %broadcast_in_dim3A_810, %scan3A_1091 = %broadcast_in_dim3A_810, %scan3A_1092 = %broadcast_in_dim3A_810, %scan3A_1093 = %broadcast_in_dim3A_810) -> (vector<16xf32>, vector<16xf32>, vector<16xf32>, vector<16xf32>)  : i32 {
        %get3A_1094 = arith.index_cast %scan3A_1089 : i32 to index
        %get3A_1095 = arith.constant 64 : index
        %get3A_1096 = tpu.vector_load %arg8[%get3A_1094, %get3A_1095] {strides = array<i32>} : memref<128x128xf32, #tpu.memory_space<vmem>>, vector<16xf32>,
        %exp3A = math.exp %get3A_1096 : vector<16xf32>
        %get3A_1097 = arith.index_cast %scan3A_1089 : i32 to index
        %get3A_1098 = arith.constant 0 : index
        %get3A_1099 = tpu.vector_load %arg16[%get3A_1097, %get3A_1098] {strides = array<i32>} : memref<128x16xf32, #tpu.memory_space<vmem>>, vector<16xf32>,
        %mul3A_1100 = arith.mulf %exp3A, %get3A_1099 : vector<16xf32>
        %swap3A_1101 = arith.index_cast %scan3A_1089 : i32 to index
        %swap3A_1102 = arith.constant 64 : index
        %swap3A_1103 = tpu.vector_load %arg10[%swap3A_1101, %swap3A_1102] {strides = array<i32>} : memref<128x128xf32, #tpu.memory_space<vmem>>, vector<16xf32>,
        tpu.vector_store %arg10[%swap3A_1101, %swap3A_1102], %exp3A {strides = array<i32>} : memref<128x128xf32, #tpu.memory_space<vmem>>, vector<16xf32>,
        %get3A_1104 = arith.index_cast %scan3A_1089 : i32 to index
        %get3A_1105 = arith.constant 64 : index
        %get3A_1106 = tpu.vector_load %arg9[%get3A_1104, %get3A_1105] {strides = array<i32>} : memref<128x128xf32, #tpu.memory_space<vmem>>, vector<16xf32>,
        %add3A_1107 = arith.addf %scan3A_1090, %exp3A : vector<16xf32>
        %add3A_1108 = arith.addf %scan3A_1091, %mul3A_1100 : vector<16xf32>
        %get3A_1109 = arith.index_cast %scan3A_1089 : i32 to index
        %get3A_1110 = arith.constant 0 : index
        %get3A_1111 = tpu.vector_load %arg15[%get3A_1109, %get3A_1110] {strides = array<i32>} : memref<128x16xf32, #tpu.memory_space<vmem>>, vector<16xf32>,
        %add3A_1112 = arith.addf %get3A_1096, %get3A_1111 : vector<16xf32>
        %mul3A_1113 = arith.mulf %add3A_1112, %get3A_1106 : vector<16xf32>
        %add3A_1114 = arith.addf %scan3A_1092, %mul3A_1113 : vector<16xf32>
        %add3A_1115 = arith.addf %scan3A_1093, %get3A_1106 : vector<16xf32>
        scf.yield %add3A_1107, %add3A_1108, %add3A_1114, %add3A_1115 : vector<16xf32>, vector<16xf32>, vector<16xf32>, vector<16xf32>
      }
      %scan3A_816 = arith.constant 128 : i32
      %get3A_817 = arith.constant 64 : index
      %get3A_818 = tpu.vector_load %arg18[%get3A_817] {strides = array<i32>} : memref<128xf32, #tpu.memory_space<vmem>>, vector<16xf32>,
      %add3A_819 = arith.addf %get3A_818, %scan3A_815#2 : vector<16xf32>
      %bitcast3A_820 = vector.bitcast %scan3A_815#1 : vector<16xf32> to vector<16xi32>
      %shift_right_arithmetic3A_821 = arith.constant 23 : i32
      %shift_right_arithmetic3A_822 = vector.broadcast %shift_right_arithmetic3A_821 : i32 to vector<16xi32>
      %shift_right_arithmetic3A_823 = arith.shrsi %bitcast3A_820, %shift_right_arithmetic3A_822 : vector<16xi32>
      %sub3A_824 = arith.constant 127 : i32
      %sub3A_825 = vector.broadcast %sub3A_824 : i32 to vector<16xi32>
      %sub3A_826 = arith.subi %shift_right_arithmetic3A_823, %sub3A_825 : vector<16xi32>
      %and3A_827 = arith.constant 8388607 : i32
      %and3A_828 = vector.broadcast %and3A_827 : i32 to vector<16xi32>
      %and3A_829 = arith.andi %bitcast3A_820, %and3A_828 : vector<16xi32>
      %or3A_830 = arith.constant 1065353216 : i32
      %or3A_831 = vector.broadcast %or3A_830 : i32 to vector<16xi32>
      %or3A_832 = arith.ori %and3A_829, %or3A_831 : vector<16xi32>
      %bitcast3A_833 = vector.bitcast %or3A_832 : vector<16xi32> to vector<16xf32>
      %sub3A_834 = arith.constant 1.000000e+00 : f32
      %sub3A_835 = vector.broadcast %sub3A_834 : f32 to vector<16xf32>
      %sub3A_836 = arith.subf %bitcast3A_833, %sub3A_835 : vector<16xf32>
      %add3A_837 = arith.constant 1.000000e+00 : f32
      %add3A_838 = vector.broadcast %add3A_837 : f32 to vector<16xf32>
      %add3A_839 = arith.addf %bitcast3A_833, %add3A_838 : vector<16xf32>
      %div3A_840 = arith.divf %sub3A_836, %add3A_839 : vector<16xf32>
      %mul3A_841 = arith.mulf %div3A_840, %div3A_840 : vector<16xf32>
      %mul3A_842 = arith.constant 0.285714298 : f32
      %mul3A_843 = vector.broadcast %mul3A_842 : f32 to vector<16xf32>
      %mul3A_844 = arith.mulf %mul3A_841, %mul3A_843 : vector<16xf32>
      %add3A_845 = arith.constant 4.000000e-01 : f32
      %add3A_846 = vector.broadcast %add3A_845 : f32 to vector<16xf32>
      %add3A_847 = arith.addf %add3A_846, %mul3A_844 : vector<16xf32>
      %mul3A_848 = arith.mulf %mul3A_841, %add3A_847 : vector<16xf32>
      %add3A_849 = arith.constant 0.666666686 : f32
      %add3A_850 = vector.broadcast %add3A_849 : f32 to vector<16xf32>
      %add3A_851 = arith.addf %add3A_850, %mul3A_848 : vector<16xf32>
      %mul3A_852 = arith.mulf %mul3A_841, %add3A_851 : vector<16xf32>
      %add3A_853 = arith.constant 2.000000e+00 : f32
      %add3A_854 = vector.broadcast %add3A_853 : f32 to vector<16xf32>
      %add3A_855 = arith.addf %add3A_854, %mul3A_852 : vector<16xf32>
      %mul3A_856 = arith.mulf %div3A_840, %add3A_855 : vector<16xf32>
      %convert_element_type3A_857 = arith.sitofp %sub3A_826 : vector<16xi32> to vector<16xf32>
      %mul3A_858 = arith.constant 0.693147182 : f32
      %mul3A_859 = vector.broadcast %mul3A_858 : f32 to vector<16xf32>
      %mul3A_860 = arith.mulf %convert_element_type3A_857, %mul3A_859 : vector<16xf32>
      %add3A_861 = arith.addf %mul3A_860, %mul3A_856 : vector<16xf32>
      %mul3A_862 = arith.mulf %add3A_861, %scan3A_815#3 : vector<16xf32>
      %sub3A_863 = arith.subf %add3A_819, %mul3A_862 : vector<16xf32>
      %swap3A_864 = arith.constant 64 : index
      %swap3A_865 = tpu.vector_load %arg18[%swap3A_864] {strides = array<i32>} : memref<128xf32, #tpu.memory_space<vmem>>, vector<16xf32>,
      tpu.vector_store %arg18[%swap3A_864], %sub3A_863 {strides = array<i32>} : memref<128xf32, #tpu.memory_space<vmem>>, vector<16xf32>,
      %get3A_866 = arith.index_cast %scan3A_524 : i32 to index
      %get3A_867 = arith.constant 64 : index
      %get3A_868 = tpu.vector_load %arg13[%get3A_866, %get3A_867] {strides = array<i32>} : memref<64x128xf32, #tpu.memory_space<vmem>>, vector<16xf32>,
      %get3A_869 = arith.constant 64 : index
      %get3A_870 = tpu.vector_load %arg17[%get3A_869] {strides = array<i32>} : memref<128xf32, #tpu.memory_space<vmem>>, vector<16xf32>,
      %mul3A_871 = arith.mulf %get3A_870, %scan3A_815#0 : vector<16xf32>
      %div3A_872 = arith.divf %get3A_868, %mul3A_871 : vector<16xf32>
      %scan3A_873 = arith.constant 0 : i32
      %scan3A_874 = arith.constant 0 : i32
      %scan3A_875 = arith.constant 128 : i32
      %scan3A_876 = arith.addi %scan3A_874, %scan3A_875 : i32
      %scan3A_877 = arith.constant 1 : i32
      scf.for %scan3A_1089 = %scan3A_874 to %scan3A_876 step %scan3A_877  : i32 {
        %get3A_1090 = arith.index_cast %scan3A_1089 : i32 to index
        %get3A_1091 = arith.constant 64 : index
        %get3A_1092 = tpu.vector_load %arg10[%get3A_1090, %get3A_1091] {strides = array<i32>} : memref<128x128xf32, #tpu.memory_space<vmem>>, vector<16xf32>,
        %mul3A_1093 = arith.mulf %get3A_1092, %div3A_872 : vector<16xf32>
        %swap3A_1094 = arith.index_cast %scan3A_1089 : i32 to index
        %swap3A_1095 = arith.constant 64 : index
        %swap3A_1096 = tpu.vector_load %arg10[%swap3A_1094, %swap3A_1095] {strides = array<i32>} : memref<128x128xf32, #tpu.memory_space<vmem>>, vector<16xf32>,
        tpu.vector_store %arg10[%swap3A_1094, %swap3A_1095], %mul3A_1093 {strides = array<i32>} : memref<128x128xf32, #tpu.memory_space<vmem>>, vector<16xf32>,
      }
      %scan3A_878 = arith.constant 128 : i32
      %broadcast_in_dim3A_879 = arith.constant 0.000000e+00 : f32
      %broadcast_in_dim3A_880 = vector.broadcast %broadcast_in_dim3A_879 : f32 to vector<16xf32>
      %scan3A_881 = arith.constant 0 : i32
      %scan3A_882 = arith.constant 128 : i32
      %scan3A_883 = arith.addi %scan3A_881, %scan3A_882 : i32
      %scan3A_884 = arith.constant 1 : i32
      %scan3A_885:4 = scf.for %scan3A_1089 = %scan3A_881 to %scan3A_883 step %scan3A_884 iter_args(%scan3A_1090 = %broadcast_in_dim3A_880, %scan3A_1091 = %broadcast_in_dim3A_880, %scan3A_1092 = %broadcast_in_dim3A_880, %scan3A_1093 = %broadcast_in_dim3A_880) -> (vector<16xf32>, vector<16xf32>, vector<16xf32>, vector<16xf32>)  : i32 {
        %get3A_1094 = arith.index_cast %scan3A_1089 : i32 to index
        %get3A_1095 = arith.constant 80 : index
        %get3A_1096 = tpu.vector_load %arg8[%get3A_1094, %get3A_1095] {strides = array<i32>} : memref<128x128xf32, #tpu.memory_space<vmem>>, vector<16xf32>,
        %exp3A = math.exp %get3A_1096 : vector<16xf32>
        %get3A_1097 = arith.index_cast %scan3A_1089 : i32 to index
        %get3A_1098 = arith.constant 0 : index
        %get3A_1099 = tpu.vector_load %arg16[%get3A_1097, %get3A_1098] {strides = array<i32>} : memref<128x16xf32, #tpu.memory_space<vmem>>, vector<16xf32>,
        %mul3A_1100 = arith.mulf %exp3A, %get3A_1099 : vector<16xf32>
        %swap3A_1101 = arith.index_cast %scan3A_1089 : i32 to index
        %swap3A_1102 = arith.constant 80 : index
        %swap3A_1103 = tpu.vector_load %arg10[%swap3A_1101, %swap3A_1102] {strides = array<i32>} : memref<128x128xf32, #tpu.memory_space<vmem>>, vector<16xf32>,
        tpu.vector_store %arg10[%swap3A_1101, %swap3A_1102], %exp3A {strides = array<i32>} : memref<128x128xf32, #tpu.memory_space<vmem>>, vector<16xf32>,
        %get3A_1104 = arith.index_cast %scan3A_1089 : i32 to index
        %get3A_1105 = arith.constant 80 : index
        %get3A_1106 = tpu.vector_load %arg9[%get3A_1104, %get3A_1105] {strides = array<i32>} : memref<128x128xf32, #tpu.memory_space<vmem>>, vector<16xf32>,
        %add3A_1107 = arith.addf %scan3A_1090, %exp3A : vector<16xf32>
        %add3A_1108 = arith.addf %scan3A_1091, %mul3A_1100 : vector<16xf32>
        %get3A_1109 = arith.index_cast %scan3A_1089 : i32 to index
        %get3A_1110 = arith.constant 0 : index
        %get3A_1111 = tpu.vector_load %arg15[%get3A_1109, %get3A_1110] {strides = array<i32>} : memref<128x16xf32, #tpu.memory_space<vmem>>, vector<16xf32>,
        %add3A_1112 = arith.addf %get3A_1096, %get3A_1111 : vector<16xf32>
        %mul3A_1113 = arith.mulf %add3A_1112, %get3A_1106 : vector<16xf32>
        %add3A_1114 = arith.addf %scan3A_1092, %mul3A_1113 : vector<16xf32>
        %add3A_1115 = arith.addf %scan3A_1093, %get3A_1106 : vector<16xf32>
        scf.yield %add3A_1107, %add3A_1108, %add3A_1114, %add3A_1115 : vector<16xf32>, vector<16xf32>, vector<16xf32>, vector<16xf32>
      }
      %scan3A_886 = arith.constant 128 : i32
      %get3A_887 = arith.constant 80 : index
      %get3A_888 = tpu.vector_load %arg18[%get3A_887] {strides = array<i32>} : memref<128xf32, #tpu.memory_space<vmem>>, vector<16xf32>,
      %add3A_889 = arith.addf %get3A_888, %scan3A_885#2 : vector<16xf32>
      %bitcast3A_890 = vector.bitcast %scan3A_885#1 : vector<16xf32> to vector<16xi32>
      %shift_right_arithmetic3A_891 = arith.constant 23 : i32
      %shift_right_arithmetic3A_892 = vector.broadcast %shift_right_arithmetic3A_891 : i32 to vector<16xi32>
      %shift_right_arithmetic3A_893 = arith.shrsi %bitcast3A_890, %shift_right_arithmetic3A_892 : vector<16xi32>
      %sub3A_894 = arith.constant 127 : i32
      %sub3A_895 = vector.broadcast %sub3A_894 : i32 to vector<16xi32>
      %sub3A_896 = arith.subi %shift_right_arithmetic3A_893, %sub3A_895 : vector<16xi32>
      %and3A_897 = arith.constant 8388607 : i32
      %and3A_898 = vector.broadcast %and3A_897 : i32 to vector<16xi32>
      %and3A_899 = arith.andi %bitcast3A_890, %and3A_898 : vector<16xi32>
      %or3A_900 = arith.constant 1065353216 : i32
      %or3A_901 = vector.broadcast %or3A_900 : i32 to vector<16xi32>
      %or3A_902 = arith.ori %and3A_899, %or3A_901 : vector<16xi32>
      %bitcast3A_903 = vector.bitcast %or3A_902 : vector<16xi32> to vector<16xf32>
      %sub3A_904 = arith.constant 1.000000e+00 : f32
      %sub3A_905 = vector.broadcast %sub3A_904 : f32 to vector<16xf32>
      %sub3A_906 = arith.subf %bitcast3A_903, %sub3A_905 : vector<16xf32>
      %add3A_907 = arith.constant 1.000000e+00 : f32
      %add3A_908 = vector.broadcast %add3A_907 : f32 to vector<16xf32>
      %add3A_909 = arith.addf %bitcast3A_903, %add3A_908 : vector<16xf32>
      %div3A_910 = arith.divf %sub3A_906, %add3A_909 : vector<16xf32>
      %mul3A_911 = arith.mulf %div3A_910, %div3A_910 : vector<16xf32>
      %mul3A_912 = arith.constant 0.285714298 : f32
      %mul3A_913 = vector.broadcast %mul3A_912 : f32 to vector<16xf32>
      %mul3A_914 = arith.mulf %mul3A_911, %mul3A_913 : vector<16xf32>
      %add3A_915 = arith.constant 4.000000e-01 : f32
      %add3A_916 = vector.broadcast %add3A_915 : f32 to vector<16xf32>
      %add3A_917 = arith.addf %add3A_916, %mul3A_914 : vector<16xf32>
      %mul3A_918 = arith.mulf %mul3A_911, %add3A_917 : vector<16xf32>
      %add3A_919 = arith.constant 0.666666686 : f32
      %add3A_920 = vector.broadcast %add3A_919 : f32 to vector<16xf32>
      %add3A_921 = arith.addf %add3A_920, %mul3A_918 : vector<16xf32>
      %mul3A_922 = arith.mulf %mul3A_911, %add3A_921 : vector<16xf32>
      %add3A_923 = arith.constant 2.000000e+00 : f32
      %add3A_924 = vector.broadcast %add3A_923 : f32 to vector<16xf32>
      %add3A_925 = arith.addf %add3A_924, %mul3A_922 : vector<16xf32>
      %mul3A_926 = arith.mulf %div3A_910, %add3A_925 : vector<16xf32>
      %convert_element_type3A_927 = arith.sitofp %sub3A_896 : vector<16xi32> to vector<16xf32>
      %mul3A_928 = arith.constant 0.693147182 : f32
      %mul3A_929 = vector.broadcast %mul3A_928 : f32 to vector<16xf32>
      %mul3A_930 = arith.mulf %convert_element_type3A_927, %mul3A_929 : vector<16xf32>
      %add3A_931 = arith.addf %mul3A_930, %mul3A_926 : vector<16xf32>
      %mul3A_932 = arith.mulf %add3A_931, %scan3A_885#3 : vector<16xf32>
      %sub3A_933 = arith.subf %add3A_889, %mul3A_932 : vector<16xf32>
      %swap3A_934 = arith.constant 80 : index
      %swap3A_935 = tpu.vector_load %arg18[%swap3A_934] {strides = array<i32>} : memref<128xf32, #tpu.memory_space<vmem>>, vector<16xf32>,
      tpu.vector_store %arg18[%swap3A_934], %sub3A_933 {strides = array<i32>} : memref<128xf32, #tpu.memory_space<vmem>>, vector<16xf32>,
      %get3A_936 = arith.index_cast %scan3A_524 : i32 to index
      %get3A_937 = arith.constant 80 : index
      %get3A_938 = tpu.vector_load %arg13[%get3A_936, %get3A_937] {strides = array<i32>} : memref<64x128xf32, #tpu.memory_space<vmem>>, vector<16xf32>,
      %get3A_939 = arith.constant 80 : index
      %get3A_940 = tpu.vector_load %arg17[%get3A_939] {strides = array<i32>} : memref<128xf32, #tpu.memory_space<vmem>>, vector<16xf32>,
      %mul3A_941 = arith.mulf %get3A_940, %scan3A_885#0 : vector<16xf32>
      %div3A_942 = arith.divf %get3A_938, %mul3A_941 : vector<16xf32>
      %scan3A_943 = arith.constant 0 : i32
      %scan3A_944 = arith.constant 0 : i32
      %scan3A_945 = arith.constant 128 : i32
      %scan3A_946 = arith.addi %scan3A_944, %scan3A_945 : i32
      %scan3A_947 = arith.constant 1 : i32
      scf.for %scan3A_1089 = %scan3A_944 to %scan3A_946 step %scan3A_947  : i32 {
        %get3A_1090 = arith.index_cast %scan3A_1089 : i32 to index
        %get3A_1091 = arith.constant 80 : index
        %get3A_1092 = tpu.vector_load %arg10[%get3A_1090, %get3A_1091] {strides = array<i32>} : memref<128x128xf32, #tpu.memory_space<vmem>>, vector<16xf32>,
        %mul3A_1093 = arith.mulf %get3A_1092, %div3A_942 : vector<16xf32>
        %swap3A_1094 = arith.index_cast %scan3A_1089 : i32 to index
        %swap3A_1095 = arith.constant 80 : index
        %swap3A_1096 = tpu.vector_load %arg10[%swap3A_1094, %swap3A_1095] {strides = array<i32>} : memref<128x128xf32, #tpu.memory_space<vmem>>, vector<16xf32>,
        tpu.vector_store %arg10[%swap3A_1094, %swap3A_1095], %mul3A_1093 {strides = array<i32>} : memref<128x128xf32, #tpu.memory_space<vmem>>, vector<16xf32>,
      }
      %scan3A_948 = arith.constant 128 : i32
      %broadcast_in_dim3A_949 = arith.constant 0.000000e+00 : f32
      %broadcast_in_dim3A_950 = vector.broadcast %broadcast_in_dim3A_949 : f32 to vector<16xf32>
      %scan3A_951 = arith.constant 0 : i32
      %scan3A_952 = arith.constant 128 : i32
      %scan3A_953 = arith.addi %scan3A_951, %scan3A_952 : i32
      %scan3A_954 = arith.constant 1 : i32
      %scan3A_955:4 = scf.for %scan3A_1089 = %scan3A_951 to %scan3A_953 step %scan3A_954 iter_args(%scan3A_1090 = %broadcast_in_dim3A_950, %scan3A_1091 = %broadcast_in_dim3A_950, %scan3A_1092 = %broadcast_in_dim3A_950, %scan3A_1093 = %broadcast_in_dim3A_950) -> (vector<16xf32>, vector<16xf32>, vector<16xf32>, vector<16xf32>)  : i32 {
        %get3A_1094 = arith.index_cast %scan3A_1089 : i32 to index
        %get3A_1095 = arith.constant 96 : index
        %get3A_1096 = tpu.vector_load %arg8[%get3A_1094, %get3A_1095] {strides = array<i32>} : memref<128x128xf32, #tpu.memory_space<vmem>>, vector<16xf32>,
        %exp3A = math.exp %get3A_1096 : vector<16xf32>
        %get3A_1097 = arith.index_cast %scan3A_1089 : i32 to index
        %get3A_1098 = arith.constant 0 : index
        %get3A_1099 = tpu.vector_load %arg16[%get3A_1097, %get3A_1098] {strides = array<i32>} : memref<128x16xf32, #tpu.memory_space<vmem>>, vector<16xf32>,
        %mul3A_1100 = arith.mulf %exp3A, %get3A_1099 : vector<16xf32>
        %swap3A_1101 = arith.index_cast %scan3A_1089 : i32 to index
        %swap3A_1102 = arith.constant 96 : index
        %swap3A_1103 = tpu.vector_load %arg10[%swap3A_1101, %swap3A_1102] {strides = array<i32>} : memref<128x128xf32, #tpu.memory_space<vmem>>, vector<16xf32>,
        tpu.vector_store %arg10[%swap3A_1101, %swap3A_1102], %exp3A {strides = array<i32>} : memref<128x128xf32, #tpu.memory_space<vmem>>, vector<16xf32>,
        %get3A_1104 = arith.index_cast %scan3A_1089 : i32 to index
        %get3A_1105 = arith.constant 96 : index
        %get3A_1106 = tpu.vector_load %arg9[%get3A_1104, %get3A_1105] {strides = array<i32>} : memref<128x128xf32, #tpu.memory_space<vmem>>, vector<16xf32>,
        %add3A_1107 = arith.addf %scan3A_1090, %exp3A : vector<16xf32>
        %add3A_1108 = arith.addf %scan3A_1091, %mul3A_1100 : vector<16xf32>
        %get3A_1109 = arith.index_cast %scan3A_1089 : i32 to index
        %get3A_1110 = arith.constant 0 : index
        %get3A_1111 = tpu.vector_load %arg15[%get3A_1109, %get3A_1110] {strides = array<i32>} : memref<128x16xf32, #tpu.memory_space<vmem>>, vector<16xf32>,
        %add3A_1112 = arith.addf %get3A_1096, %get3A_1111 : vector<16xf32>
        %mul3A_1113 = arith.mulf %add3A_1112, %get3A_1106 : vector<16xf32>
        %add3A_1114 = arith.addf %scan3A_1092, %mul3A_1113 : vector<16xf32>
        %add3A_1115 = arith.addf %scan3A_1093, %get3A_1106 : vector<16xf32>
        scf.yield %add3A_1107, %add3A_1108, %add3A_1114, %add3A_1115 : vector<16xf32>, vector<16xf32>, vector<16xf32>, vector<16xf32>
      }
      %scan3A_956 = arith.constant 128 : i32
      %get3A_957 = arith.constant 96 : index
      %get3A_958 = tpu.vector_load %arg18[%get3A_957] {strides = array<i32>} : memref<128xf32, #tpu.memory_space<vmem>>, vector<16xf32>,
      %add3A_959 = arith.addf %get3A_958, %scan3A_955#2 : vector<16xf32>
      %bitcast3A_960 = vector.bitcast %scan3A_955#1 : vector<16xf32> to vector<16xi32>
      %shift_right_arithmetic3A_961 = arith.constant 23 : i32
      %shift_right_arithmetic3A_962 = vector.broadcast %shift_right_arithmetic3A_961 : i32 to vector<16xi32>
      %shift_right_arithmetic3A_963 = arith.shrsi %bitcast3A_960, %shift_right_arithmetic3A_962 : vector<16xi32>
      %sub3A_964 = arith.constant 127 : i32
      %sub3A_965 = vector.broadcast %sub3A_964 : i32 to vector<16xi32>
      %sub3A_966 = arith.subi %shift_right_arithmetic3A_963, %sub3A_965 : vector<16xi32>
      %and3A_967 = arith.constant 8388607 : i32
      %and3A_968 = vector.broadcast %and3A_967 : i32 to vector<16xi32>
      %and3A_969 = arith.andi %bitcast3A_960, %and3A_968 : vector<16xi32>
      %or3A_970 = arith.constant 1065353216 : i32
      %or3A_971 = vector.broadcast %or3A_970 : i32 to vector<16xi32>
      %or3A_972 = arith.ori %and3A_969, %or3A_971 : vector<16xi32>
      %bitcast3A_973 = vector.bitcast %or3A_972 : vector<16xi32> to vector<16xf32>
      %sub3A_974 = arith.constant 1.000000e+00 : f32
      %sub3A_975 = vector.broadcast %sub3A_974 : f32 to vector<16xf32>
      %sub3A_976 = arith.subf %bitcast3A_973, %sub3A_975 : vector<16xf32>
      %add3A_977 = arith.constant 1.000000e+00 : f32
      %add3A_978 = vector.broadcast %add3A_977 : f32 to vector<16xf32>
      %add3A_979 = arith.addf %bitcast3A_973, %add3A_978 : vector<16xf32>
      %div3A_980 = arith.divf %sub3A_976, %add3A_979 : vector<16xf32>
      %mul3A_981 = arith.mulf %div3A_980, %div3A_980 : vector<16xf32>
      %mul3A_982 = arith.constant 0.285714298 : f32
      %mul3A_983 = vector.broadcast %mul3A_982 : f32 to vector<16xf32>
      %mul3A_984 = arith.mulf %mul3A_981, %mul3A_983 : vector<16xf32>
      %add3A_985 = arith.constant 4.000000e-01 : f32
      %add3A_986 = vector.broadcast %add3A_985 : f32 to vector<16xf32>
      %add3A_987 = arith.addf %add3A_986, %mul3A_984 : vector<16xf32>
      %mul3A_988 = arith.mulf %mul3A_981, %add3A_987 : vector<16xf32>
      %add3A_989 = arith.constant 0.666666686 : f32
      %add3A_990 = vector.broadcast %add3A_989 : f32 to vector<16xf32>
      %add3A_991 = arith.addf %add3A_990, %mul3A_988 : vector<16xf32>
      %mul3A_992 = arith.mulf %mul3A_981, %add3A_991 : vector<16xf32>
      %add3A_993 = arith.constant 2.000000e+00 : f32
      %add3A_994 = vector.broadcast %add3A_993 : f32 to vector<16xf32>
      %add3A_995 = arith.addf %add3A_994, %mul3A_992 : vector<16xf32>
      %mul3A_996 = arith.mulf %div3A_980, %add3A_995 : vector<16xf32>
      %convert_element_type3A_997 = arith.sitofp %sub3A_966 : vector<16xi32> to vector<16xf32>
      %mul3A_998 = arith.constant 0.693147182 : f32
      %mul3A_999 = vector.broadcast %mul3A_998 : f32 to vector<16xf32>
      %mul3A_1000 = arith.mulf %convert_element_type3A_997, %mul3A_999 : vector<16xf32>
      %add3A_1001 = arith.addf %mul3A_1000, %mul3A_996 : vector<16xf32>
      %mul3A_1002 = arith.mulf %add3A_1001, %scan3A_955#3 : vector<16xf32>
      %sub3A_1003 = arith.subf %add3A_959, %mul3A_1002 : vector<16xf32>
      %swap3A_1004 = arith.constant 96 : index
      %swap3A_1005 = tpu.vector_load %arg18[%swap3A_1004] {strides = array<i32>} : memref<128xf32, #tpu.memory_space<vmem>>, vector<16xf32>,
      tpu.vector_store %arg18[%swap3A_1004], %sub3A_1003 {strides = array<i32>} : memref<128xf32, #tpu.memory_space<vmem>>, vector<16xf32>,
      %get3A_1006 = arith.index_cast %scan3A_524 : i32 to index
      %get3A_1007 = arith.constant 96 : index
      %get3A_1008 = tpu.vector_load %arg13[%get3A_1006, %get3A_1007] {strides = array<i32>} : memref<64x128xf32, #tpu.memory_space<vmem>>, vector<16xf32>,
      %get3A_1009 = arith.constant 96 : index
      %get3A_1010 = tpu.vector_load %arg17[%get3A_1009] {strides = array<i32>} : memref<128xf32, #tpu.memory_space<vmem>>, vector<16xf32>,
      %mul3A_1011 = arith.mulf %get3A_1010, %scan3A_955#0 : vector<16xf32>
      %div3A_1012 = arith.divf %get3A_1008, %mul3A_1011 : vector<16xf32>
      %scan3A_1013 = arith.constant 0 : i32
      %scan3A_1014 = arith.constant 0 : i32
      %scan3A_1015 = arith.constant 128 : i32
      %scan3A_1016 = arith.addi %scan3A_1014, %scan3A_1015 : i32
      %scan3A_1017 = arith.constant 1 : i32
      scf.for %scan3A_1089 = %scan3A_1014 to %scan3A_1016 step %scan3A_1017  : i32 {
        %get3A_1090 = arith.index_cast %scan3A_1089 : i32 to index
        %get3A_1091 = arith.constant 96 : index
        %get3A_1092 = tpu.vector_load %arg10[%get3A_1090, %get3A_1091] {strides = array<i32>} : memref<128x128xf32, #tpu.memory_space<vmem>>, vector<16xf32>,
        %mul3A_1093 = arith.mulf %get3A_1092, %div3A_1012 : vector<16xf32>
        %swap3A_1094 = arith.index_cast %scan3A_1089 : i32 to index
        %swap3A_1095 = arith.constant 96 : index
        %swap3A_1096 = tpu.vector_load %arg10[%swap3A_1094, %swap3A_1095] {strides = array<i32>} : memref<128x128xf32, #tpu.memory_space<vmem>>, vector<16xf32>,
        tpu.vector_store %arg10[%swap3A_1094, %swap3A_1095], %mul3A_1093 {strides = array<i32>} : memref<128x128xf32, #tpu.memory_space<vmem>>, vector<16xf32>,
      }
      %scan3A_1018 = arith.constant 128 : i32
      %broadcast_in_dim3A_1019 = arith.constant 0.000000e+00 : f32
      %broadcast_in_dim3A_1020 = vector.broadcast %broadcast_in_dim3A_1019 : f32 to vector<16xf32>
      %scan3A_1021 = arith.constant 0 : i32
      %scan3A_1022 = arith.constant 128 : i32
      %scan3A_1023 = arith.addi %scan3A_1021, %scan3A_1022 : i32
      %scan3A_1024 = arith.constant 1 : i32
      %scan3A_1025:4 = scf.for %scan3A_1089 = %scan3A_1021 to %scan3A_1023 step %scan3A_1024 iter_args(%scan3A_1090 = %broadcast_in_dim3A_1020, %scan3A_1091 = %broadcast_in_dim3A_1020, %scan3A_1092 = %broadcast_in_dim3A_1020, %scan3A_1093 = %broadcast_in_dim3A_1020) -> (vector<16xf32>, vector<16xf32>, vector<16xf32>, vector<16xf32>)  : i32 {
        %get3A_1094 = arith.index_cast %scan3A_1089 : i32 to index
        %get3A_1095 = arith.constant 112 : index
        %get3A_1096 = tpu.vector_load %arg8[%get3A_1094, %get3A_1095] {strides = array<i32>} : memref<128x128xf32, #tpu.memory_space<vmem>>, vector<16xf32>,
        %exp3A = math.exp %get3A_1096 : vector<16xf32>
        %get3A_1097 = arith.index_cast %scan3A_1089 : i32 to index
        %get3A_1098 = arith.constant 0 : index
        %get3A_1099 = tpu.vector_load %arg16[%get3A_1097, %get3A_1098] {strides = array<i32>} : memref<128x16xf32, #tpu.memory_space<vmem>>, vector<16xf32>,
        %mul3A_1100 = arith.mulf %exp3A, %get3A_1099 : vector<16xf32>
        %swap3A_1101 = arith.index_cast %scan3A_1089 : i32 to index
        %swap3A_1102 = arith.constant 112 : index
        %swap3A_1103 = tpu.vector_load %arg10[%swap3A_1101, %swap3A_1102] {strides = array<i32>} : memref<128x128xf32, #tpu.memory_space<vmem>>, vector<16xf32>,
        tpu.vector_store %arg10[%swap3A_1101, %swap3A_1102], %exp3A {strides = array<i32>} : memref<128x128xf32, #tpu.memory_space<vmem>>, vector<16xf32>,
        %get3A_1104 = arith.index_cast %scan3A_1089 : i32 to index
        %get3A_1105 = arith.constant 112 : index
        %get3A_1106 = tpu.vector_load %arg9[%get3A_1104, %get3A_1105] {strides = array<i32>} : memref<128x128xf32, #tpu.memory_space<vmem>>, vector<16xf32>,
        %add3A_1107 = arith.addf %scan3A_1090, %exp3A : vector<16xf32>
        %add3A_1108 = arith.addf %scan3A_1091, %mul3A_1100 : vector<16xf32>
        %get3A_1109 = arith.index_cast %scan3A_1089 : i32 to index
        %get3A_1110 = arith.constant 0 : index
        %get3A_1111 = tpu.vector_load %arg15[%get3A_1109, %get3A_1110] {strides = array<i32>} : memref<128x16xf32, #tpu.memory_space<vmem>>, vector<16xf32>,
        %add3A_1112 = arith.addf %get3A_1096, %get3A_1111 : vector<16xf32>
        %mul3A_1113 = arith.mulf %add3A_1112, %get3A_1106 : vector<16xf32>
        %add3A_1114 = arith.addf %scan3A_1092, %mul3A_1113 : vector<16xf32>
        %add3A_1115 = arith.addf %scan3A_1093, %get3A_1106 : vector<16xf32>
        scf.yield %add3A_1107, %add3A_1108, %add3A_1114, %add3A_1115 : vector<16xf32>, vector<16xf32>, vector<16xf32>, vector<16xf32>
      }
      %scan3A_1026 = arith.constant 128 : i32
      %get3A_1027 = arith.constant 112 : index
      %get3A_1028 = tpu.vector_load %arg18[%get3A_1027] {strides = array<i32>} : memref<128xf32, #tpu.memory_space<vmem>>, vector<16xf32>,
      %add3A_1029 = arith.addf %get3A_1028, %scan3A_1025#2 : vector<16xf32>
      %bitcast3A_1030 = vector.bitcast %scan3A_1025#1 : vector<16xf32> to vector<16xi32>
      %shift_right_arithmetic3A_1031 = arith.constant 23 : i32
      %shift_right_arithmetic3A_1032 = vector.broadcast %shift_right_arithmetic3A_1031 : i32 to vector<16xi32>
      %shift_right_arithmetic3A_1033 = arith.shrsi %bitcast3A_1030, %shift_right_arithmetic3A_1032 : vector<16xi32>
      %sub3A_1034 = arith.constant 127 : i32
      %sub3A_1035 = vector.broadcast %sub3A_1034 : i32 to vector<16xi32>
      %sub3A_1036 = arith.subi %shift_right_arithmetic3A_1033, %sub3A_1035 : vector<16xi32>
      %and3A_1037 = arith.constant 8388607 : i32
      %and3A_1038 = vector.broadcast %and3A_1037 : i32 to vector<16xi32>
      %and3A_1039 = arith.andi %bitcast3A_1030, %and3A_1038 : vector<16xi32>
      %or3A_1040 = arith.constant 1065353216 : i32
      %or3A_1041 = vector.broadcast %or3A_1040 : i32 to vector<16xi32>
      %or3A_1042 = arith.ori %and3A_1039, %or3A_1041 : vector<16xi32>
      %bitcast3A_1043 = vector.bitcast %or3A_1042 : vector<16xi32> to vector<16xf32>
      %sub3A_1044 = arith.constant 1.000000e+00 : f32
      %sub3A_1045 = vector.broadcast %sub3A_1044 : f32 to vector<16xf32>
      %sub3A_1046 = arith.subf %bitcast3A_1043, %sub3A_1045 : vector<16xf32>
      %add3A_1047 = arith.constant 1.000000e+00 : f32
      %add3A_1048 = vector.broadcast %add3A_1047 : f32 to vector<16xf32>
      %add3A_1049 = arith.addf %bitcast3A_1043, %add3A_1048 : vector<16xf32>
      %div3A_1050 = arith.divf %sub3A_1046, %add3A_1049 : vector<16xf32>
      %mul3A_1051 = arith.mulf %div3A_1050, %div3A_1050 : vector<16xf32>
      %mul3A_1052 = arith.constant 0.285714298 : f32
      %mul3A_1053 = vector.broadcast %mul3A_1052 : f32 to vector<16xf32>
      %mul3A_1054 = arith.mulf %mul3A_1051, %mul3A_1053 : vector<16xf32>
      %add3A_1055 = arith.constant 4.000000e-01 : f32
      %add3A_1056 = vector.broadcast %add3A_1055 : f32 to vector<16xf32>
      %add3A_1057 = arith.addf %add3A_1056, %mul3A_1054 : vector<16xf32>
      %mul3A_1058 = arith.mulf %mul3A_1051, %add3A_1057 : vector<16xf32>
      %add3A_1059 = arith.constant 0.666666686 : f32
      %add3A_1060 = vector.broadcast %add3A_1059 : f32 to vector<16xf32>
      %add3A_1061 = arith.addf %add3A_1060, %mul3A_1058 : vector<16xf32>
      %mul3A_1062 = arith.mulf %mul3A_1051, %add3A_1061 : vector<16xf32>
      %add3A_1063 = arith.constant 2.000000e+00 : f32
      %add3A_1064 = vector.broadcast %add3A_1063 : f32 to vector<16xf32>
      %add3A_1065 = arith.addf %add3A_1064, %mul3A_1062 : vector<16xf32>
      %mul3A_1066 = arith.mulf %div3A_1050, %add3A_1065 : vector<16xf32>
      %convert_element_type3A_1067 = arith.sitofp %sub3A_1036 : vector<16xi32> to vector<16xf32>
      %mul3A_1068 = arith.constant 0.693147182 : f32
      %mul3A_1069 = vector.broadcast %mul3A_1068 : f32 to vector<16xf32>
      %mul3A_1070 = arith.mulf %convert_element_type3A_1067, %mul3A_1069 : vector<16xf32>
      %add3A_1071 = arith.addf %mul3A_1070, %mul3A_1066 : vector<16xf32>
      %mul3A_1072 = arith.mulf %add3A_1071, %scan3A_1025#3 : vector<16xf32>
      %sub3A_1073 = arith.subf %add3A_1029, %mul3A_1072 : vector<16xf32>
      %swap3A_1074 = arith.constant 112 : index
      %swap3A_1075 = tpu.vector_load %arg18[%swap3A_1074] {strides = array<i32>} : memref<128xf32, #tpu.memory_space<vmem>>, vector<16xf32>,
      tpu.vector_store %arg18[%swap3A_1074], %sub3A_1073 {strides = array<i32>} : memref<128xf32, #tpu.memory_space<vmem>>, vector<16xf32>,
      %get3A_1076 = arith.index_cast %scan3A_524 : i32 to index
      %get3A_1077 = arith.constant 112 : index
      %get3A_1078 = tpu.vector_load %arg13[%get3A_1076, %get3A_1077] {strides = array<i32>} : memref<64x128xf32, #tpu.memory_space<vmem>>, vector<16xf32>,
      %get3A_1079 = arith.constant 112 : index
      %get3A_1080 = tpu.vector_load %arg17[%get3A_1079] {strides = array<i32>} : memref<128xf32, #tpu.memory_space<vmem>>, vector<16xf32>,
      %mul3A_1081 = arith.mulf %get3A_1080, %scan3A_1025#0 : vector<16xf32>
      %div3A_1082 = arith.divf %get3A_1078, %mul3A_1081 : vector<16xf32>
      %scan3A_1083 = arith.constant 0 : i32
      %scan3A_1084 = arith.constant 0 : i32
      %scan3A_1085 = arith.constant 128 : i32
      %scan3A_1086 = arith.addi %scan3A_1084, %scan3A_1085 : i32
      %scan3A_1087 = arith.constant 1 : i32
      scf.for %scan3A_1089 = %scan3A_1084 to %scan3A_1086 step %scan3A_1087  : i32 {
        %get3A_1090 = arith.index_cast %scan3A_1089 : i32 to index
        %get3A_1091 = arith.constant 112 : index
        %get3A_1092 = tpu.vector_load %arg10[%get3A_1090, %get3A_1091] {strides = array<i32>} : memref<128x128xf32, #tpu.memory_space<vmem>>, vector<16xf32>,
        %mul3A_1093 = arith.mulf %get3A_1092, %div3A_1082 : vector<16xf32>
        %swap3A_1094 = arith.index_cast %scan3A_1089 : i32 to index
        %swap3A_1095 = arith.constant 112 : index
        %swap3A_1096 = tpu.vector_load %arg10[%swap3A_1094, %swap3A_1095] {strides = array<i32>} : memref<128x128xf32, #tpu.memory_space<vmem>>, vector<16xf32>,
        tpu.vector_store %arg10[%swap3A_1094, %swap3A_1095], %mul3A_1093 {strides = array<i32>} : memref<128x128xf32, #tpu.memory_space<vmem>>, vector<16xf32>,
      }
      %scan3A_1088 = arith.constant 128 : i32
      "tpu.region"() ({
        %run_scoped3A = tpu.sem_alloc : memref<!tpu.dma_semaphore, #tpu.memory_space<semaphore_mem>>
        %dma_start3A = tpu.memref_slice %arg6[%add3A_528, %mul3A_2] : memref<8256x4096xf32, #tpu.memory_space<hbm>> -> memref<128x128xf32, #tpu.memory_space<hbm>>
        %dma_start3A_1089 = tpu.memref_slice %arg6[%add3A_528, %mul3A_2] : memref<8256x4096xf32, #tpu.memory_space<hbm>> -> memref<128x128xf32, #tpu.memory_space<hbm>>
        tpu.enqueue_dma source(%arg10 : memref<128x128xf32, #tpu.memory_space<vmem>>) target(%dma_start3A_1089 : memref<128x128xf32, #tpu.memory_space<hbm>>) target_semaphore(%run_scoped3A : memref<!tpu.dma_semaphore, #tpu.memory_space<semaphore_mem>>)
        %dma_wait3A = tpu.memref_slice %arg6[%add3A_528, %mul3A_2] : memref<8256x4096xf32, #tpu.memory_space<hbm>> -> memref<128x128xf32, #tpu.memory_space<hbm>>
        %dma_wait3A_1090 = tpu.memref_slice %arg6[%add3A_528, %mul3A_2] : memref<8256x4096xf32, #tpu.memory_space<hbm>> -> memref<128x128xf32, #tpu.memory_space<hbm>>
        tpu.wait_dma2 semaphore(%run_scoped3A : memref<!tpu.dma_semaphore, #tpu.memory_space<semaphore_mem>>) src(%arg10 : memref<128x128xf32, #tpu.memory_space<vmem>>) dst(%dma_wait3A_1090 : memref<128x128xf32, #tpu.memory_space<hbm>>)
        tpu.yield
      }) : () -> ()
    }
    %scan3A_494 = arith.constant 64 : i32
    %broadcast_in_dim3A_495 = arith.constant 0.000000e+00 : f32
    %broadcast_in_dim3A_496 = vector.broadcast %broadcast_in_dim3A_495 : f32 to vector<16xf32>
    %get3A = arith.constant 0 : index
    %get3A_497 = tpu.vector_load %arg18[%get3A] {strides = array<i32>} : memref<128xf32, #tpu.memory_space<vmem>>, vector<16xf32>,
    %add3A_498 = arith.addf %broadcast_in_dim3A_496, %get3A_497 : vector<16xf32>
    %get3A_499 = arith.constant 16 : index
    %get3A_500 = tpu.vector_load %arg18[%get3A_499] {strides = array<i32>} : memref<128xf32, #tpu.memory_space<vmem>>, vector<16xf32>,
    %add3A_501 = arith.addf %add3A_498, %get3A_500 : vector<16xf32>
    %get3A_502 = arith.constant 32 : index
    %get3A_503 = tpu.vector_load %arg18[%get3A_502] {strides = array<i32>} : memref<128xf32, #tpu.memory_space<vmem>>, vector<16xf32>,
    %add3A_504 = arith.addf %add3A_501, %get3A_503 : vector<16xf32>
    %get3A_505 = arith.constant 48 : index
    %get3A_506 = tpu.vector_load %arg18[%get3A_505] {strides = array<i32>} : memref<128xf32, #tpu.memory_space<vmem>>, vector<16xf32>,
    %add3A_507 = arith.addf %add3A_504, %get3A_506 : vector<16xf32>
    %get3A_508 = arith.constant 64 : index
    %get3A_509 = tpu.vector_load %arg18[%get3A_508] {strides = array<i32>} : memref<128xf32, #tpu.memory_space<vmem>>, vector<16xf32>,
    %add3A_510 = arith.addf %add3A_507, %get3A_509 : vector<16xf32>
    %get3A_511 = arith.constant 80 : index
    %get3A_512 = tpu.vector_load %arg18[%get3A_511] {strides = array<i32>} : memref<128xf32, #tpu.memory_space<vmem>>, vector<16xf32>,
    %add3A_513 = arith.addf %add3A_510, %get3A_512 : vector<16xf32>
    %get3A_514 = arith.constant 96 : index
    %get3A_515 = tpu.vector_load %arg18[%get3A_514] {strides = array<i32>} : memref<128xf32, #tpu.memory_space<vmem>>, vector<16xf32>,
    %add3A_516 = arith.addf %add3A_513, %get3A_515 : vector<16xf32>
    %get3A_517 = arith.constant 112 : index
    %get3A_518 = tpu.vector_load %arg18[%get3A_517] {strides = array<i32>} : memref<128xf32, #tpu.memory_space<vmem>>, vector<16xf32>,
    %add3A_519 = arith.addf %add3A_516, %get3A_518 : vector<16xf32>
    %swap3A_520 = arith.constant 0 : index
    %swap3A_521 = tpu.vector_load %arg18[%swap3A_520] {strides = array<i32>} : memref<128xf32, #tpu.memory_space<vmem>>, vector<16xf32>,
    tpu.vector_store %arg18[%swap3A_520], %add3A_519 {strides = array<i32>} : memref<128xf32, #tpu.memory_space<vmem>>, vector<16xf32>,
    %mul3A_522 = arith.constant 16 : i32
    %mul3A_523 = arith.muli %add3A, %mul3A_522 : i32
    "tpu.region"() ({
      %run_scoped3A = tpu.sem_alloc : memref<!tpu.dma_semaphore, #tpu.memory_space<semaphore_mem>>
      %dma_start3A = arith.constant 0 : i32
      %dma_start3A_524 = tpu.memref_slice %arg18[%dma_start3A] : memref<128xf32, #tpu.memory_space<vmem>> -> memref<16xf32, #tpu.memory_space<vmem>>
      %dma_start3A_525 = tpu.memref_slice %arg7[%mul3A_523] : memref<512xf32, #tpu.memory_space<hbm>> -> memref<16xf32, #tpu.memory_space<hbm>>
      %dma_start3A_526 = tpu.memref_slice %arg7[%mul3A_523] : memref<512xf32, #tpu.memory_space<hbm>> -> memref<16xf32, #tpu.memory_space<hbm>>
      %dma_start3A_527 = arith.constant 0 : i32
      %dma_start3A_528 = tpu.memref_slice %arg18[%dma_start3A_527] : memref<128xf32, #tpu.memory_space<vmem>> -> memref<16xf32, #tpu.memory_space<vmem>>
      tpu.enqueue_dma source(%dma_start3A_528 : memref<16xf32, #tpu.memory_space<vmem>>) target(%dma_start3A_526 : memref<16xf32, #tpu.memory_space<hbm>>) target_semaphore(%run_scoped3A : memref<!tpu.dma_semaphore, #tpu.memory_space<semaphore_mem>>)
      %dma_wait3A = arith.constant 0 : i32
      %dma_wait3A_529 = tpu.memref_slice %arg18[%dma_wait3A] : memref<128xf32, #tpu.memory_space<vmem>> -> memref<16xf32, #tpu.memory_space<vmem>>
      %dma_wait3A_530 = tpu.memref_slice %arg7[%mul3A_523] : memref<512xf32, #tpu.memory_space<hbm>> -> memref<16xf32, #tpu.memory_space<hbm>>
      %dma_wait3A_531 = tpu.memref_slice %arg7[%mul3A_523] : memref<512xf32, #tpu.memory_space<hbm>> -> memref<16xf32, #tpu.memory_space<hbm>>
      %dma_wait3A_532 = arith.constant 0 : i32
      %dma_wait3A_533 = tpu.memref_slice %arg18[%dma_wait3A_532] : memref<128xf32, #tpu.memory_space<vmem>> -> memref<16xf32, #tpu.memory_space<vmem>>
      tpu.wait_dma2 semaphore(%run_scoped3A : memref<!tpu.dma_semaphore, #tpu.memory_space<semaphore_mem>>) src(%dma_wait3A_533 : memref<16xf32, #tpu.memory_space<vmem>>) dst(%dma_wait3A_531 : memref<16xf32, #tpu.memory_space<hbm>>)
      tpu.yield
    }) : () -> ()
    return
  }
}

</mosaic_0001>

<sc_bundles>
// kernel: kernel.3.cloned.1.call-start
scs
__scs_entry_jumppad:
0x0: {  	(pc) =	sbr.rel $0x88, $3  }
0x1: {  	(tag) =	ssettag $0x0;
	lr =	simm.s32 $0x1  }
0x2: {  	[smem:$0x3F9E] =	sst lr;
	_ =	strace $0xD0000000  }
0x3: {  	_ = 	snop  }
0x4: {  	_ = 	snop  }
0x5: {  	_ = 	snop  }
0x6: {  	_ = 	snop  }
0x7: {  	_ = 	snop  }
__scs_overlays_trampoline_lowered:
0x8: {  	[smem:$0x3FAD] =	sst s0  }
0x9: {  	[smem:$0x3FAE] =	sst s1  }
0xa: {  	[smem:$0x3FAF] =	sst s2  }
0xb: {  	[smem:$0x3FB0] =	sst s3  }
0xc: {  	[smem:$0x3FB1] =	sst s4  }
0xd: {  	[smem:$0x3FB2] =	sst s5  }
0xe: {  	[smem:$0x3FB3] =	sst s6  }
0xf: {  	[smem:$0x3FB4] =	sst s7  }
0x10: {  	[smem:$0x3FB5] =	sst s8  }
0x11: {  	[smem:$0x3FB6] =	sst s9;
	s0 =	simm.s32 @!p0 $0x0  }
0x12: {  	s1 =	sld [smem:$0x3F9C];
	s0 =	simm.s32 @p0 $0x1  }
0x13: {  	[smem:$0x3FB7] =	sst s0;
	s0 =	simm.s32 @!p1 $0x0  }
0x14: {  	s2 =	sld [smem:$0x3F9B];
	s0 =	simm.s32 @p1 $0x1  }
0x15: {  	[smem:$0x3FB8] =	sst s0;
	s0 =	simm.s32 @!p2 $0x0  }
0x16: {  	s3 =	sld [smem:$0x3FDB];
	s0 =	simm.s32 @p2 $0x1  }
0x17: {  	s4 =	simm.s32 $0x1BF5;
	[smem:$0x3FBA] =	sst s0  }
0x18: {  	s0 =	sld [smem:$0x3F9D];
	_ =	swait.ge [sflag:s4], $0x0  }
0x19: {  	s7 =	sld [smem:$0x3F9E]  }
0x1a: {  	s8 =	sadd.s32 $0xFFFFE003, lr  }
0x1b: {  	s9 =	sadd.s32 $0xFFFFFEF7, lr;
	s5 =	simm.s32 $0xFFFFFFFF;
	p2 =	slt.u32 s8, $0xFFFFF086  }
0x1c: {  	p1 =	slt.u32 s9, $0xF7A;
	s5 =	simm.s32 @!p2 $0x0  }
0x1d: {  	s5 =	simm.s32 @p1 $0x1;
	p0 =	seq.s32 s7, s2  }
0x1e: {  	s7 =	smul.u32 @!p0 $0xF7A, s2;
	p2 =	seq.s32 @!p0 s5, $0x0  }
0x1f: {  	s9 =	smul.u32 $0xF7A, s1;
	s8 =	simm.s32 @!p0 $0x1BF5;
	p2 =	por !p2, p0  }
0x20: {  	[sflag:s8] =	ssyncset.s32 @!p0 $0xFFFFF086;
	s6 =	sadd.s32 @!p0 s3, s7;
	s7 =	simm.s32 @!p0 $0x108  }
0x21: {  	s3 =	sadd.s32 s3, s9;
	s6 =	sadd.s32 @!p0 $0x88, s6;
	s7 =	simm.s32 @p2 $0x1082  }
0x22: {  	[simem:s7], [sflag:s8] =	dma.local @!p0 [hbm:s6], $0xF7A  }
0x23: {  	s9 =	sor.u32 $0xD0000000, s2;
	s6 =	simm.s32 $0x108;
	_ =	swait.ge @!p0 [sflag:s8], $0x0  }
0x24: {  	s3 =	sadd.s32 $0x88, s3;
	s6 =	simm.s32 @!p1 $0x1082;
	[sflag:s4] =	ssyncset.s32 $0xFFFFF086  }
0x25: {  	[simem:s6], [sflag:s4] =	dma.local [hbm:s3], $0xF7A  }
0x26: {  	[smem:$0x3F9E] =	sst s1;
	(tag) =	ssettag s2;
	_ =	strace s9  }
0x27: {  	s1 =	sld [smem:$0x3FAE]  }
0x28: {  	s2 =	sld [smem:$0x3FAF]  }
0x29: {  	s4 =	sld [smem:$0x3FB1]  }
0x2a: {  	p0 =	seq.s32 s5, $0x0;
	s5 =	sld [smem:$0x3FB2]  }
0x2b: {  	s6 =	sld [smem:$0x3FB3]  }
0x2c: {  	s7 =	sld [smem:$0x3FB4]  }
0x2d: {  	s3 =	simm.s32 $0x108;
	s8 =	sld [smem:$0x3FB5]  }
0x2e: {  	s3 =	simm.s32 @!p0 $0x1082;
	s9 =	sld [smem:$0x3FB6]  }
0x2f: {  	lr =	sadd.s32 s0, s3;
	s0 =	sld [smem:$0x3FAD]  }
0x30: {  	s3 =	sld [smem:$0x3FB0]  }
0x31: {  	[smem:$0x3FB9] =	sst s10  }
0x32: {  	s10 =	sld [smem:$0x3FB7];
	_ =	sdelay $0x3  }
0x33: {  	p0 =	seq.s32 s10, $0x1;
	s10 =	sld [smem:$0x3FB9];
	_ =	sdelay $0x3  }
0x34: {  	[smem:$0x3FB9] =	sst s10  }
0x35: {  	s10 =	sld [smem:$0x3FB8];
	_ =	sdelay $0x3  }
0x36: {  	p1 =	seq.s32 s10, $0x1;
	s10 =	sld [smem:$0x3FB9];
	_ =	sdelay $0x3  }
0x37: {  	[smem:$0x3FB9] =	sst s10  }
0x38: {  	s10 =	sld [smem:$0x3FBA]  }
0x39: {  	_ = 	snop;
	(pc) =	sbr.ind lr, $3  }
0x3a: {  	_ = 	snop  }
0x3b: {  	_ = 	snop  }
0x3c: {  	p2 =	seq.s32 s10, $0x1;
	s10 =	sld [smem:$0x3FB9]  }
0x3d: {  	_ =	shalt  }
0x3e: {  	_ =	shalt  }
0x3f: {  	_ =	shalt  }
0x40: {  	_ =	shalt  }
0x41: {  	_ =	shalt  }
0x42: {  	_ =	shalt  }
0x43: {  	_ =	shalt  }
0x44: {  	_ =	shalt  }
0x45: {  	_ =	shalt  }
0x46: {  	_ =	shalt  }
0x47: {  	_ =	shalt  }
0x48: {  	_ =	shalt  }
0x49: {  	_ =	shalt  }
0x4a: {  	_ =	shalt  }
0x4b: {  	_ =	shalt  }
0x4c: {  	_ =	shalt  }
0x4d: {  	_ =	shalt  }
0x4e: {  	_ =	shalt  }
0x4f: {  	_ =	shalt  }
0x50: {  	_ =	shalt  }
0x51: {  	_ =	shalt  }
0x52: {  	_ =	shalt  }
0x53: {  	_ =	shalt  }
0x54: {  	_ =	shalt  }
0x55: {  	_ =	shalt  }
0x56: {  	_ =	shalt  }
0x57: {  	_ =	shalt  }
0x58: {  	_ =	shalt  }
0x59: {  	_ =	shalt  }
0x5a: {  	_ =	shalt  }
0x5b: {  	_ =	shalt  }
0x5c: {  	_ =	shalt  }
0x5d: {  	_ =	shalt  }
0x5e: {  	_ =	shalt  }
0x5f: {  	_ =	shalt  }
0x60: {  	_ =	shalt  }
0x61: {  	_ =	shalt  }
0x62: {  	_ =	shalt  }
0x63: {  	_ =	shalt  }
0x64: {  	_ =	shalt  }
0x65: {  	_ =	shalt  }
0x66: {  	_ =	shalt  }
0x67: {  	_ =	shalt  }
0x68: {  	_ =	shalt  }
0x69: {  	_ =	shalt  }
0x6a: {  	_ =	shalt  }
0x6b: {  	_ =	shalt  }
0x6c: {  	_ =	shalt  }
0x6d: {  	_ =	shalt  }
0x6e: {  	_ =	shalt  }
0x6f: {  	_ =	shalt  }
0x70: {  	_ =	shalt  }
0x71: {  	_ =	shalt  }
0x72: {  	_ =	shalt  }
0x73: {  	_ =	shalt  }
0x74: {  	_ =	shalt  }
0x75: {  	_ =	shalt  }
0x76: {  	_ =	shalt  }
0x77: {  	_ =	shalt  }
0x78: {  	_ =	shalt  }
0x79: {  	_ =	shalt  }
0x7a: {  	_ =	shalt  }
0x7b: {  	_ =	shalt  }
0x7c: {  	_ =	shalt  }
0x7d: {  	_ =	shalt  }
0x7e: {  	_ =	shalt  }
0x7f: {  	_ =	shalt  }
0x80: {  	_ =	shalt  }
0x81: {  	_ =	shalt  }
0x82: {  	_ =	shalt  }
0x83: {  	_ =	shalt  }
0x84: {  	_ =	shalt  }
0x85: {  	_ =	shalt  }
0x86: {  	_ =	shalt  }
0x87: {  	_ =	shalt  }
.Lfunc_end0:
.L_simem_size_0:
called_computation_lowered:
.L_overlay_start_0:
0x88: {  	s2 =	sld [smem:$0x3FD9]  }
0x89: {  	s3 =	sld [smem:$0x3FFE];
	_ =	sdelay $0x1  }
0x8a: {  	s1 =	srdreg.scid  }
0x8b: {  	s0 =	sand.u32 $0x1, s1  }
0x8c: {  	s14 =	sshll.u32 s0, $0xA;
	s2 =	sadd.s32 s3, s2  }
0x8d: {  	s2 =	sadd.s32 s2, s14  }
0x8e: {  	[smem:$0x3FC5] =	sst s2  }
0x8f: {  	_ = 	snop  }
0x90: {  	s2 =	sld [smem:$0x3FD0];
	_ =	sdelay $0x1  }
0x91: {  	s15 =	sld [smem:$0x3FC9]  }
0x92: {  	s5 =	simm.s32 $0xA;
	s6 =	simm.s32 $0x10;
	s4 =	sld [smem:$0x3FC8]  }
0x93: {  	[smem:s6], [sflag:s5] =	dma.local [hbm:s2], $0x1  }
0x94: {  	_ =	swait.eq [sflag:s5], $0x1  }
0x95: {  	[sflag:s5] =	ssyncset.done $0x0  }
0x96: {  	[sflag:s5] =	ssyncadd.s32 $0xFFFFFFFF  }
0x97: {  	s16 =	sld [smem:$0x11];
	(tm) =	ssettm $0x1  }
0x98: {  	s17 =	sld [smem:$0x3FFB];
	_ =	sdelay $0x3  }
0x99: {  	_ =	strace s17  }
0x9a: {  	s5 =	sld [smem:$0x3FFC];
	_ =	sdelay $0x3  }
0x9b: {  	_ =	strace s5  }
0x9c: {  	s5 =	sld [smem:$0x3FFD];
	_ =	sdelay $0x3  }
0x9d: {  	_ =	strace s5  }
0x9e: {  	_ =	strace $0x8FFFFFFF  }
0x9f: {  	s18 =	sld [smem:$0x3FDB];
	_ =	sdelay $0x1  }
0xa0: {  	s19 =	simm.s32 $_scs_section_size  }
0xa1: {  	s7 =	simm.s32 $_size__tile_overlayer_lowered;
	s8 =	simm.s32 $_tile_overlayer_lowered  }
0xa2: {  	s22 =	simm.s32 $0x1BFF;
	s21 =	sshll.u32 s8, $0x1;
	s5 =	sadd.s32 s19, s18  }
0xa3: {  	s9 =	simm.s32 $0x0;
	s20 =	sshll.u32 s7, $0x1;
	s7 =	sadd.s32 s21, s5  }
0xa4: {  	[timem:s9], [sflag:s22] =	dma.local [hbm:s7], s20  }
0xa5: {  	_ =	swait.ge [sflag:s22], s20  }
0xa6: {  	s6 =	ssub.s32 $0x0, s20;
	[sflag:s22] =	ssyncset.done $0x0  }
0xa7: {  	[sflag:s22] =	ssyncadd.s32 s6;
	_ =	sdelay $0x1  }
0xa8: {  	s23 =	simm.s32 $0x1B8B  }
0xa9: {  	_ =	swait.ge [sflag:s23], $0x1  }
0xaa: {  	[sflag:s23] =	ssyncset.done $0x0  }
0xab: {  	s25 =	simm.s32 $0x1B8E;
	s24 =	sld [smem:$0x3FFE];
	[sflag:s23] =	ssyncadd.s32 $0xFFFFFFFF  }
0xac: {  	s26 =	simm.s32 $execute0_lowered;
	[smem:$0x3FD2] =	sst s25  }
0xad: {  	s7 =	sshll.u32 s26, $0x1;
	_ =	strace $0x80000046;
	[dreg:$0x1] =	wrdreg $0xFFFFFFFF  }
0xae: {  	s28 =	simm.s32 $_size_execute0_lowered;
	s5 =	sadd.s32 s5, s7;
	[dreg:$0x0] =	wrdreg $0x0  }
0xaf: {  	s7 =	sshll.u32 s28, $0x1;
	[dreg:$0x2] =	wrdreg s5  }
0xb0: {  	[dreg:$0x3] =	wrdreg s7  }
0xb1: {  	[dreg:$0x4] =	wrdreg $0xC0  }
0xb2: {  	_ =	task [dreg:s9], $0x5FFFF  }
0xb3: {  	[dreg:$0x1] =	wrdreg $0xFFFFFFFF  }
0xb4: {  	[dreg:$0x0] =	wrdreg $0x60  }
0xb5: {  	[dreg:$0x2] =	wrdreg s15  }
0xb6: {  	[dreg:$0x3] =	wrdreg s4  }
0xb7: {  	[dreg:$0x4] =	wrdreg s24  }
0xb8: {  	[dreg:$0x5] =	wrdreg s16  }
0xb9: {  	[dreg:$0x6] =	wrdreg $0x9  }
0xba: {  	_ =	task.clear_ibuf [dreg:s9], $0x7FFFF;
	_ =	strace $0x90000046  }
0xbb: {  	s29 =	simm.s32 $0x9;
	_ =	strace $0x80000048  }
0xbc: {  	_ =	swait.ge [sflag:s29], $0x1  }
0xbd: {  	[sflag:s29] =	ssyncadd.s32 $0xFFFFFFFF  }
0xbe: {  	_ =	strace $0x90000048  }
0xbf: {  	_ =	sfence  }
0xc0: {  	s30 =	sld [smem:$0x0];
	_ =	sdelay $0x2  }
0xc1: {  	s31 =	sshll.u32 s1, $0xD;
	s1 =	sshrl.u32 s1, $0x2  }
0xc2: {  	s3 =	sand.u32 $0x4000, s31;
	s1 =	sadd.s32 s1, s30  }
0xc3: {  	s0 =	sor.u32 s3, s0;
	s1 =	sshll.u32 s1, $0x11  }
0xc4: {  	s0 =	sor.u32 s1, s0  }
0xc5: {  	s0 =	sadd.s32 $0x8F2B, s0  }
0xc6: {  	[sflag:s0] =	ssyncadd.remote.s32 $0x1  }
0xc7: {  	_ =	sfence.sel $0xFFFF  }
0xc8: {  	[dreg:$0x0] =	wrdreg $0xFFFFFFFF;
	(pc) =	sbr.abs _section_cstart, $3  }
0xc9: {  	[dreg:$0x1] =	wrdreg $0xFFFFFFFF  }
0xca: {  	_ =	task.clear_ibuf [dreg:s9], $0x2FFFF;
	_ =	strace $0x9FFFFFFF  }
0xcb: {  	(tm) =	ssettm $0x7FFFFFFF  }
tec
execute0_lowered:
.L_overlay_start_1:
0x0: {  	(tag) =	ssettag $0x1  }
0x1: {  	s1 =	rddreg [dreg:$0x0]  }
0x2: {  	s2 =	rddreg [dreg:$0x1]  }
0x3: {  	s0 =	rddreg [dreg:$0x2]  }
0x4: {  	s3 =	rddreg [dreg:$0x3]  }
0x5: {  	s5 =	simm.s32 $0x0;
	s4 =	srdreg.scid;
	s7 =	stileid.u32  }
0x6: {  	s14 =	simm.s32 $0x400;
	s15 =	simm.s32 $0x8000;
	s17 =	simm.s32 $0x1  }
0x7: {  	s19 =	simm.s32 $0x14000;
	s20 =	simm.s32 $0x12000;
	s21 =	simm.s32 $0x4000  }
0x8: {  	s22 =	simm.s32 $0x18000;
	s23 =	simm.s32 $0x1C080;
	s24 =	simm.s32 $0x0  }
0x9: {  	[smem:$0x7FF] =	sst s5;
	s4 =	sand.u32 $0x1, s4;
	s8 =	sshll.u32 s7, $0x1  }
0xa: {  	s6 =	sadd.s32 $0x20800, s0;
	s7 =	sadd.s32 $0x400, s0;
	s8 =	sor.u32 s4, s8  }
0xb: {  	_ =	strace $0x80000047;
	s4 =	ssub.s32 $0x2, s4;
	s9 =	sshll.u32 s8, $0x1  }
0xc: {  	s10 =	sshrl.u32 s4, $0x1;
	s8 =	sshll.u32 s8, $0x7;
	s0 =	sadd.s32 s9, s0  }
0xd: {  	s4 =	ssub.s32 s4, s10;
	s9 =	sadd.s32 s1, s8;
	s10 =	sadd.s32 s2, s8  }
0xe: {  	s11 =	sadd.s32 s3, s8;
	s12 =	sadd.s32 $0x40C00, s0;
	s13 =	smax.u32 s4, $0x1  }
.LBB2_1:
0xf: {  	s0 =	simm.s32 $0xC000  }
0x10: {  	[tilespmem:s0], [sflag:$0x1] =	stream.strided.gather [hbm4b:s9+s14], $0x2000, s15, s14, $0x38;
	[tilespmem:$0x1C100] =	vst v63  }
0x11: {  	_ =	swait.ge [sflag:s17], $0x2000  }
0x12: {  	[sflag:s17] =	ssyncset.done $0x0  }
0x13: {  	s31 =	simm.s32 $0xE000;
	[sflag:s17] =	ssyncadd.s32 $0xFFFFE000  }
0x14: {  	[tilespmem:s31], [sflag:$0x1] =	stream.strided.gather [hbm4b:s10+s14], $0x2000, s15, s14, $0x38;
	[tilespmem:$0x1C100] =	vst v63  }
0x15: {  	_ =	swait.ge [sflag:s17], $0x2000  }
0x16: {  	[sflag:s17] =	ssyncset.done $0x0  }
0x17: {  	[sflag:s17] =	ssyncadd.s32 $0xFFFFE000  }
0x18: {  	[tilespmem:s19], [sflag:$0x1] =	stream.linear.gather [hbm4b:s6+s5], $0x2000, $0x38;
	[tilespmem:$0x1C100] =	vst v63  }
0x19: {  	_ =	swait.ge [sflag:s17], $0x2000  }
0x1a: {  	[sflag:s17] =	ssyncset.done $0x0  }
0x1b: {  	s26 =	simm.s32 $0x0;
	[sflag:s17] =	ssyncadd.s32 $0xFFFFE000  }
0x1c: {  	v0 =	vld [tilespmem:s26+$0xC000];
	_ =	sdelay $0x1  }
0x1d: {  	v1 =	vld [tilespmem:s26+$0x14000];
	_ =	sdelay $0x1  }
0x1e: {  	s25 =	simm.s32 $0x80;
	v2 =	vld [tilespmem:s26+$0xE000]  }
0x1f: {  	v4 =	vld [tilespmem:s25+$0xC000];
	v3 =	vmul.f32 $1.442695020e+00, v0  }
0x20: {  	v5 =	vld [tilespmem:s25+$0x14000]  }
0x21: {  	v6 =	vmul.f32 $1.442695020e+00, v1;
	(erf) = vpow2.f32 v3  }
0x22: {  	v0 =	vadd.f32 v1, v0  }
0x23: {  	v3 =	vld [tilespmem:s25+$0xE000];
	(erf) = vpow2.f32 v6  }
0x24: {  	v0 =	vmul.f32 v2, v0  }
0x25: {  	v1 =	vimm.f32 $0.0e+00;
	v7 =	vadd.f32 v5, v4;
	v4 =	vmul.f32 $1.442695020e+00, v4  }
0x26: {  	s28 =	simm.s32 $0x100;
	v8 =	vmul.f32 $1.442695020e+00, v5;
	v6 =	vadd.f32 v0, v1  }
0x27: {  	v0 =	vld [tilespmem:s28+$0xC000];
	(erf) = vpow2.f32 v4  }
0x28: {  	v5 =	vld [tilespmem:s28+$0x14000];
	v2 =	vadd.f32 v2, v1;
	(erf) = vpow2.f32 v8;
	v7 =	vmul.f32 v3, v7  }
0x29: {  	v4 =	vld [tilespmem:s28+$0xE000]  }
0x2a: {  	s0 =	simm.s32 $0x600;
	v2 =	vadd.f32 v3, v2;
	v3 =	vadd.f32 v7, v6;
	v7 =	vimm.f32 $0.0e+00;
	v6 =	vpop (erf)  }
.LBB2_2:
0x2b: {  	[tilespmem:s26+$0x10000] =	vst v6;
	s26 =	smov.u32 s25  }
0x2c: {  	v8 =	vmul.f32 $1.442695020e+00, v0;
	v1 =	vadd.f32 v6, v1;
	v9 =	vpop (erf);
	s25 =	smov.u32 s28;
	s28 =	sshra.s32 s0, $0x2;
	p0 =	sne.s32 s0, $0x7E00  }
.Ltmp0:
0x2d: {  	s0 =	sadd.s32 $0x200, s0;
	v10 =	vmul.f32 $1.442695020e+00, v5;
	v11 =	vadd.f32 v5, v0;
	v0 =	vld [tilespmem:s28+$0xC000];
	v6 =	vmul.f32 v9, v6;
	(pc) =	sbr.rel @p0 .LBB2_2-.Ltmp0, $3  }
0x2e: {  	v5 =	vld [tilespmem:s28+$0x14000];
	v2 =	vadd.f32 v4, v2;
	(erf) = vpow2.f32 v8  }
0x2f: {  	v8 =	vmul.f32 v4, v11;
	v4 =	vld [tilespmem:s28+$0xE000];
	(erf) = vpow2.f32 v10;
	v7 =	vadd.f32 v6, v7;
	_ =	sdelay $0x1  }
0x30: {  	v3 =	vadd.f32 v8, v3;
	v6 =	vpop (erf)  }
0x31: {  	v8 =	vmul.f32 $1.442695020e+00, v0  }
0x32: {  	v9 =	vmul.f32 $1.442695020e+00, v5  }
0x33: {  	(erf) = vpow2.f32 v8  }
0x34: {  	(erf) = vpow2.f32 v9;
	_ =	sdelay $0x4  }
0x35: {  	v56 =	vpop (erf)  }
0x36: {  	v8 =	vmul.f32 v56, v6;
	v57 =	vpop (erf)  }
0x37: {  	v10 =	vpop (erf)  }
0x38: {  	v7 =	vadd.f32 v8, v7;
	v58 =	vmul.f32 v10, v57;
	v59 =	vpop (erf)  }
0x39: {  	v11 =	vpop (erf)  }
0x3a: {  	v7 =	vadd.f32 v58, v7;
	v60 =	vmul.f32 v11, v59;
	_ =	sdelay $0x1  }
0x3b: {  	v7 =	vadd.f32 v60, v7;
	_ =	sdelay $0x1  }
0x3c: {  	v8 =	vand.u32 $0x7FFFFF, v7  }
0x3d: {  	v8 =	vor.u32 $0x3F800000, v8  }
0x3e: {  	v61 =	vadd.f32 $1.000000000e+00, v8;
	_ =	sdelay $0x1  }
0x3f: {  	(erf) = vrcp.f32 v61;
	_ =	sdelay $0x7  }
0x40: {  	v8 =	vadd.f32 $-1.000000000e+00, v8  }
0x41: {  	v11 =	vpop (erf)  }
0x42: {  	v8 =	vmul.f32 v11, v8;
	_ =	sdelay $0x1  }
0x43: {  	v11 =	vmul.f32 v8, v8;
	_ =	sdelay $0x1  }
0x44: {  	v12 =	vmul.f32 $2.857142980e-01, v11;
	_ =	sdelay $0x1  }
0x45: {  	v12 =	vadd.f32 $4.000000060e-01, v12;
	_ =	sdelay $0x1  }
0x46: {  	v12 =	vmul.f32 v12, v11;
	_ =	sdelay $0x1  }
0x47: {  	v12 =	vadd.f32 $6.666666860e-01, v12  }
0x48: {  	v1 =	vadd.f32 v6, v1  }
0x49: {  	v7 =	vshra.s32 v7, $0x17;
	v11 =	vmul.f32 v12, v11  }
0x4a: {  	v1 =	vadd.f32 v57, v1;
	v7 =	vadd.s32 $0xFFFFFF81, v7  }
0x4b: {  	v7 =	vcvt.s32.f32 v7;
	v11 =	vadd.f32 $2.000000000e+00, v11  }
0x4c: {  	v1 =	vadd.f32 v59, v1  }
0x4d: {  	v0 =	vadd.f32 v5, v0;
	v62 =	vmul.f32 $6.931471820e-01, v7;
	v8 =	vmul.f32 v11, v8  }
0x4e: {  	(erf) = vrcp.f32 v1  }
0x4f: {  	v2 =	vadd.f32 v4, v2;
	v0 =	vmul.f32 v4, v0;
	v63 =	vadd.f32 v8, v62;
	_ =	sdelay $0x1  }
0x50: {  	[tilespmem:s26+$0x10000] =	vst v6;
	v0 =	vadd.f32 v0, v3;
	v2 =	vmul.f32 v63, v2  }
0x51: {  	[tilespmem:s25+$0x10000] =	vst v57  }
0x52: {  	[tilespmem:s28+$0x10000] =	vst v59;
	v0 =	vsub.f32 v0, v2  }
0x53: {  	[tilespmem:$0x1C000] =	vst v1  }
0x54: {  	s25 =	simm.s32 $0x0;
	[tilespmem:$0x1C080] =	vst v0  }
0x55: {  	v1 =	vld [tilespmem:s25+$0x10000]  }
0x56: {  	s0 =	simm.s32 $0x200;
	s4 =	simm.s32 $0x0;
	v0 =	vpop (erf)  }
.LBB2_4:
0x57: {  	p0 =	sne.s32 s0, $0x7E00  }
.Ltmp1:
0x58: {  	_ = 	snop;
	(pc) =	sbr.rel @p0 .LBB2_4-.Ltmp1, $4  }
0x59: {  	_ = 	snop  }
0x5a: {  	s16 =	sshra.s32 s0, $0x2;
	s0 =	sadd.s32 $0x200, s0;
	v2 =	vmul.f32 v1, v0  }
0x5b: {  	v1 =	vld [tilespmem:s16+$0x10000]  }
0x5c: {  	[tilespmem:s4+$0x12000] =	vst v2;
	s4 =	smov.u32 s16  }
0x5d: {  	_ =	sdelay $0x2  }
0x5e: {  	v0 =	vmul.f32 v1, v0;
	_ =	sdelay $0x1  }
0x5f: {  	[tilespmem:s4+$0x12000] =	vst v0  }
0x60: {  	v0 =	vld [tilespmem:s25+$0xC010];
	_ =	sdelay $0x1  }
0x61: {  	v1 =	vld [tilespmem:s25+$0x14000];
	_ =	sdelay $0x1  }
0x62: {  	s26 =	simm.s32 $0x80;
	v2 =	vld [tilespmem:s25+$0xE010]  }
0x63: {  	v4 =	vld [tilespmem:s26+$0xC010];
	v3 =	vmul.f32 $1.442695020e+00, v0  }
0x64: {  	v5 =	vld [tilespmem:s26+$0x14000]  }
0x65: {  	v6 =	vmul.f32 $1.442695020e+00, v1;
	(erf) = vpow2.f32 v3  }
0x66: {  	v0 =	vadd.f32 v1, v0  }
0x67: {  	v3 =	vld [tilespmem:s26+$0xE010];
	(erf) = vpow2.f32 v6  }
0x68: {  	v0 =	vmul.f32 v2, v0  }
0x69: {  	v1 =	vimm.f32 $0.0e+00;
	v7 =	vadd.f32 v5, v4;
	v4 =	vmul.f32 $1.442695020e+00, v4  }
0x6a: {  	s28 =	simm.s32 $0x100;
	v8 =	vmul.f32 $1.442695020e+00, v5;
	v6 =	vadd.f32 v0, v1  }
0x6b: {  	v0 =	vld [tilespmem:s28+$0xC010];
	(erf) = vpow2.f32 v4  }
0x6c: {  	v5 =	vld [tilespmem:s28+$0x14000];
	v2 =	vadd.f32 v2, v1;
	(erf) = vpow2.f32 v8;
	v7 =	vmul.f32 v3, v7  }
0x6d: {  	v4 =	vld [tilespmem:s28+$0xE010]  }
0x6e: {  	s0 =	simm.s32 $0x600;
	v2 =	vadd.f32 v3, v2;
	v3 =	vadd.f32 v7, v6;
	v7 =	vimm.f32 $0.0e+00;
	v6 =	vpop (erf)  }
.LBB2_6:
0x6f: {  	[tilespmem:s25+$0x10010] =	vst v6;
	s25 =	smov.u32 s26  }
0x70: {  	v8 =	vmul.f32 $1.442695020e+00, v0;
	v1 =	vadd.f32 v6, v1;
	v9 =	vpop (erf);
	s26 =	smov.u32 s28;
	s28 =	sshra.s32 s0, $0x2;
	p0 =	sne.s32 s0, $0x7E00  }
.Ltmp2:
0x71: {  	s0 =	sadd.s32 $0x200, s0;
	v10 =	vmul.f32 $1.442695020e+00, v5;
	v11 =	vadd.f32 v5, v0;
	v0 =	vld [tilespmem:s28+$0xC010];
	v6 =	vmul.f32 v9, v6;
	(pc) =	sbr.rel @p0 .LBB2_6-.Ltmp2, $3  }
0x72: {  	v5 =	vld [tilespmem:s28+$0x14000];
	v2 =	vadd.f32 v4, v2;
	(erf) = vpow2.f32 v8  }
0x73: {  	v8 =	vmul.f32 v4, v11;
	v4 =	vld [tilespmem:s28+$0xE010];
	(erf) = vpow2.f32 v10;
	v7 =	vadd.f32 v6, v7;
	_ =	sdelay $0x1  }
0x74: {  	v3 =	vadd.f32 v8, v3;
	v6 =	vpop (erf)  }
0x75: {  	v8 =	vmul.f32 $1.442695020e+00, v0  }
0x76: {  	v9 =	vmul.f32 $1.442695020e+00, v5  }
0x77: {  	(erf) = vpow2.f32 v8  }
0x78: {  	(erf) = vpow2.f32 v9;
	_ =	sdelay $0x4  }
0x79: {  	v56 =	vpop (erf)  }
0x7a: {  	v8 =	vmul.f32 v56, v6;
	v57 =	vpop (erf)  }
0x7b: {  	v10 =	vpop (erf)  }
0x7c: {  	v7 =	vadd.f32 v8, v7;
	v58 =	vmul.f32 v10, v57;
	v59 =	vpop (erf)  }
0x7d: {  	v11 =	vpop (erf)  }
0x7e: {  	v7 =	vadd.f32 v58, v7;
	v60 =	vmul.f32 v11, v59;
	_ =	sdelay $0x1  }
0x7f: {  	v7 =	vadd.f32 v60, v7;
	_ =	sdelay $0x1  }
0x80: {  	v8 =	vand.u32 $0x7FFFFF, v7  }
0x81: {  	v8 =	vor.u32 $0x3F800000, v8  }
0x82: {  	v61 =	vadd.f32 $1.000000000e+00, v8;
	_ =	sdelay $0x1  }
0x83: {  	(erf) = vrcp.f32 v61;
	_ =	sdelay $0x7  }
0x84: {  	v8 =	vadd.f32 $-1.000000000e+00, v8  }
0x85: {  	v11 =	vpop (erf)  }
0x86: {  	v8 =	vmul.f32 v11, v8;
	_ =	sdelay $0x1  }
0x87: {  	v11 =	vmul.f32 v8, v8;
	_ =	sdelay $0x1  }
0x88: {  	v12 =	vmul.f32 $2.857142980e-01, v11;
	_ =	sdelay $0x1  }
0x89: {  	v12 =	vadd.f32 $4.000000060e-01, v12;
	_ =	sdelay $0x1  }
0x8a: {  	v12 =	vmul.f32 v12, v11;
	_ =	sdelay $0x1  }
0x8b: {  	v12 =	vadd.f32 $6.666666860e-01, v12  }
0x8c: {  	v1 =	vadd.f32 v6, v1  }
0x8d: {  	v7 =	vshra.s32 v7, $0x17;
	v11 =	vmul.f32 v12, v11  }
0x8e: {  	v1 =	vadd.f32 v57, v1;
	v7 =	vadd.s32 $0xFFFFFF81, v7  }
0x8f: {  	v7 =	vcvt.s32.f32 v7;
	v11 =	vadd.f32 $2.000000000e+00, v11  }
0x90: {  	v1 =	vadd.f32 v59, v1  }
0x91: {  	v0 =	vadd.f32 v5, v0;
	v62 =	vmul.f32 $6.931471820e-01, v7;
	v8 =	vmul.f32 v11, v8  }
0x92: {  	(erf) = vrcp.f32 v1  }
0x93: {  	v2 =	vadd.f32 v4, v2;
	v0 =	vmul.f32 v4, v0;
	v63 =	vadd.f32 v8, v62;
	_ =	sdelay $0x1  }
0x94: {  	[tilespmem:s25+$0x10010] =	vst v6;
	v0 =	vadd.f32 v0, v3;
	v2 =	vmul.f32 v63, v2  }
0x95: {  	[tilespmem:s26+$0x10010] =	vst v57  }
0x96: {  	[tilespmem:s28+$0x10010] =	vst v59;
	v0 =	vsub.f32 v0, v2  }
0x97: {  	[tilespmem:$0x1C010] =	vst v1  }
0x98: {  	s25 =	simm.s32 $0x0;
	[tilespmem:$0x1C090] =	vst v0  }
0x99: {  	v1 =	vld [tilespmem:s25+$0x10010]  }
0x9a: {  	s0 =	simm.s32 $0x200;
	s4 =	simm.s32 $0x0;
	v0 =	vpop (erf)  }
.LBB2_8:
0x9b: {  	p0 =	sne.s32 s0, $0x7E00  }
.Ltmp3:
0x9c: {  	_ = 	snop;
	(pc) =	sbr.rel @p0 .LBB2_8-.Ltmp3, $4  }
0x9d: {  	_ = 	snop  }
0x9e: {  	s16 =	sshra.s32 s0, $0x2;
	s0 =	sadd.s32 $0x200, s0;
	v2 =	vmul.f32 v1, v0  }
0x9f: {  	v1 =	vld [tilespmem:s16+$0x10010]  }
0xa0: {  	[tilespmem:s4+$0x12010] =	vst v2;
	s4 =	smov.u32 s16  }
0xa1: {  	_ =	sdelay $0x2  }
0xa2: {  	v0 =	vmul.f32 v1, v0;
	_ =	sdelay $0x1  }
0xa3: {  	[tilespmem:s4+$0x12010] =	vst v0  }
0xa4: {  	v0 =	vld [tilespmem:s25+$0xC020];
	_ =	sdelay $0x1  }
0xa5: {  	v1 =	vld [tilespmem:s25+$0x14000];
	_ =	sdelay $0x1  }
0xa6: {  	s26 =	simm.s32 $0x80;
	v2 =	vld [tilespmem:s25+$0xE020]  }
0xa7: {  	v4 =	vld [tilespmem:s26+$0xC020];
	v3 =	vmul.f32 $1.442695020e+00, v0  }
0xa8: {  	v5 =	vld [tilespmem:s26+$0x14000]  }
0xa9: {  	v6 =	vmul.f32 $1.442695020e+00, v1;
	(erf) = vpow2.f32 v3  }
0xaa: {  	v0 =	vadd.f32 v1, v0  }
0xab: {  	v3 =	vld [tilespmem:s26+$0xE020];
	(erf) = vpow2.f32 v6  }
0xac: {  	v0 =	vmul.f32 v2, v0  }
0xad: {  	v1 =	vimm.f32 $0.0e+00;
	v7 =	vadd.f32 v5, v4;
	v4 =	vmul.f32 $1.442695020e+00, v4  }
0xae: {  	s28 =	simm.s32 $0x100;
	v8 =	vmul.f32 $1.442695020e+00, v5;
	v6 =	vadd.f32 v0, v1  }
0xaf: {  	v0 =	vld [tilespmem:s28+$0xC020];
	(erf) = vpow2.f32 v4  }
0xb0: {  	v5 =	vld [tilespmem:s28+$0x14000];
	v2 =	vadd.f32 v2, v1;
	(erf) = vpow2.f32 v8;
	v7 =	vmul.f32 v3, v7  }
0xb1: {  	v4 =	vld [tilespmem:s28+$0xE020]  }
0xb2: {  	s0 =	simm.s32 $0x600;
	v2 =	vadd.f32 v3, v2;
	v3 =	vadd.f32 v7, v6;
	v7 =	vimm.f32 $0.0e+00;
	v6 =	vpop (erf)  }
.LBB2_10:
0xb3: {  	[tilespmem:s25+$0x10020] =	vst v6;
	s25 =	smov.u32 s26  }
0xb4: {  	v8 =	vmul.f32 $1.442695020e+00, v0;
	v1 =	vadd.f32 v6, v1;
	v9 =	vpop (erf);
	s26 =	smov.u32 s28;
	s28 =	sshra.s32 s0, $0x2;
	p0 =	sne.s32 s0, $0x7E00  }
.Ltmp4:
0xb5: {  	s0 =	sadd.s32 $0x200, s0;
	v10 =	vmul.f32 $1.442695020e+00, v5;
	v11 =	vadd.f32 v5, v0;
	v0 =	vld [tilespmem:s28+$0xC020];
	v6 =	vmul.f32 v9, v6;
	(pc) =	sbr.rel @p0 .LBB2_10-.Ltmp4, $3  }
0xb6: {  	v5 =	vld [tilespmem:s28+$0x14000];
	v2 =	vadd.f32 v4, v2;
	(erf) = vpow2.f32 v8  }
0xb7: {  	v8 =	vmul.f32 v4, v11;
	v4 =	vld [tilespmem:s28+$0xE020];
	(erf) = vpow2.f32 v10;
	v7 =	vadd.f32 v6, v7;
	_ =	sdelay $0x1  }
0xb8: {  	v3 =	vadd.f32 v8, v3;
	v6 =	vpop (erf)  }
0xb9: {  	v8 =	vmul.f32 $1.442695020e+00, v0  }
0xba: {  	v9 =	vmul.f32 $1.442695020e+00, v5  }
0xbb: {  	(erf) = vpow2.f32 v8  }
0xbc: {  	(erf) = vpow2.f32 v9;
	_ =	sdelay $0x4  }
0xbd: {  	v56 =	vpop (erf)  }
0xbe: {  	v8 =	vmul.f32 v56, v6;
	v57 =	vpop (erf)  }
0xbf: {  	v10 =	vpop (erf)  }
0xc0: {  	v7 =	vadd.f32 v8, v7;
	v58 =	vmul.f32 v10, v57;
	v59 =	vpop (erf)  }
0xc1: {  	v11 =	vpop (erf)  }
0xc2: {  	v7 =	vadd.f32 v58, v7;
	v60 =	vmul.f32 v11, v59;
	_ =	sdelay $0x1  }
0xc3: {  	v7 =	vadd.f32 v60, v7;
	_ =	sdelay $0x1  }
0xc4: {  	v8 =	vand.u32 $0x7FFFFF, v7  }
0xc5: {  	v8 =	vor.u32 $0x3F800000, v8  }
0xc6: {  	v61 =	vadd.f32 $1.000000000e+00, v8;
	_ =	sdelay $0x1  }
0xc7: {  	(erf) = vrcp.f32 v61;
	_ =	sdelay $0x7  }
0xc8: {  	v8 =	vadd.f32 $-1.000000000e+00, v8  }
0xc9: {  	v11 =	vpop (erf)  }
0xca: {  	v8 =	vmul.f32 v11, v8;
	_ =	sdelay $0x1  }
0xcb: {  	v11 =	vmul.f32 v8, v8;
	_ =	sdelay $0x1  }
0xcc: {  	v12 =	vmul.f32 $2.857142980e-01, v11;
	_ =	sdelay $0x1  }
0xcd: {  	v12 =	vadd.f32 $4.000000060e-01, v12;
	_ =	sdelay $0x1  }
0xce: {  	v12 =	vmul.f32 v12, v11;
	_ =	sdelay $0x1  }
0xcf: {  	v12 =	vadd.f32 $6.666666860e-01, v12  }
0xd0: {  	v1 =	vadd.f32 v6, v1  }
0xd1: {  	v7 =	vshra.s32 v7, $0x17;
	v11 =	vmul.f32 v12, v11  }
0xd2: {  	v1 =	vadd.f32 v57, v1;
	v7 =	vadd.s32 $0xFFFFFF81, v7  }
0xd3: {  	v7 =	vcvt.s32.f32 v7;
	v11 =	vadd.f32 $2.000000000e+00, v11  }
0xd4: {  	v1 =	vadd.f32 v59, v1  }
0xd5: {  	v0 =	vadd.f32 v5, v0;
	v62 =	vmul.f32 $6.931471820e-01, v7;
	v8 =	vmul.f32 v11, v8  }
0xd6: {  	(erf) = vrcp.f32 v1  }
0xd7: {  	v2 =	vadd.f32 v4, v2;
	v0 =	vmul.f32 v4, v0;
	v63 =	vadd.f32 v8, v62;
	_ =	sdelay $0x1  }
0xd8: {  	[tilespmem:s25+$0x10020] =	vst v6;
	v0 =	vadd.f32 v0, v3;
	v2 =	vmul.f32 v63, v2  }
0xd9: {  	[tilespmem:s26+$0x10020] =	vst v57  }
0xda: {  	[tilespmem:s28+$0x10020] =	vst v59;
	v0 =	vsub.f32 v0, v2  }
0xdb: {  	[tilespmem:$0x1C020] =	vst v1  }
0xdc: {  	s25 =	simm.s32 $0x0;
	[tilespmem:$0x1C0A0] =	vst v0  }
0xdd: {  	v1 =	vld [tilespmem:s25+$0x10020]  }
0xde: {  	s0 =	simm.s32 $0x200;
	s4 =	simm.s32 $0x0;
	v0 =	vpop (erf)  }
.LBB2_12:
0xdf: {  	p0 =	sne.s32 s0, $0x7E00  }
.Ltmp5:
0xe0: {  	_ = 	snop;
	(pc) =	sbr.rel @p0 .LBB2_12-.Ltmp5, $4  }
0xe1: {  	_ = 	snop  }
0xe2: {  	s16 =	sshra.s32 s0, $0x2;
	s0 =	sadd.s32 $0x200, s0;
	v2 =	vmul.f32 v1, v0  }
0xe3: {  	v1 =	vld [tilespmem:s16+$0x10020]  }
0xe4: {  	[tilespmem:s4+$0x12020] =	vst v2;
	s4 =	smov.u32 s16  }
0xe5: {  	_ =	sdelay $0x2  }
0xe6: {  	v0 =	vmul.f32 v1, v0;
	_ =	sdelay $0x1  }
0xe7: {  	[tilespmem:s4+$0x12020] =	vst v0  }
0xe8: {  	v0 =	vld [tilespmem:s25+$0xC030];
	_ =	sdelay $0x1  }
0xe9: {  	v1 =	vld [tilespmem:s25+$0x14000];
	_ =	sdelay $0x1  }
0xea: {  	s26 =	simm.s32 $0x80;
	v2 =	vld [tilespmem:s25+$0xE030]  }
0xeb: {  	v4 =	vld [tilespmem:s26+$0xC030];
	v3 =	vmul.f32 $1.442695020e+00, v0  }
0xec: {  	v5 =	vld [tilespmem:s26+$0x14000]  }
0xed: {  	v6 =	vmul.f32 $1.442695020e+00, v1;
	(erf) = vpow2.f32 v3  }
0xee: {  	v0 =	vadd.f32 v1, v0  }
0xef: {  	v3 =	vld [tilespmem:s26+$0xE030];
	(erf) = vpow2.f32 v6  }
0xf0: {  	v0 =	vmul.f32 v2, v0  }
0xf1: {  	v1 =	vimm.f32 $0.0e+00;
	v7 =	vadd.f32 v5, v4;
	v4 =	vmul.f32 $1.442695020e+00, v4  }
0xf2: {  	s28 =	simm.s32 $0x100;
	v8 =	vmul.f32 $1.442695020e+00, v5;
	v6 =	vadd.f32 v0, v1  }
0xf3: {  	v0 =	vld [tilespmem:s28+$0xC030];
	(erf) = vpow2.f32 v4  }
0xf4: {  	v5 =	vld [tilespmem:s28+$0x14000];
	v2 =	vadd.f32 v2, v1;
	(erf) = vpow2.f32 v8;
	v7 =	vmul.f32 v3, v7  }
0xf5: {  	v4 =	vld [tilespmem:s28+$0xE030]  }
0xf6: {  	s0 =	simm.s32 $0x600;
	v2 =	vadd.f32 v3, v2;
	v3 =	vadd.f32 v7, v6;
	v7 =	vimm.f32 $0.0e+00;
	v6 =	vpop (erf)  }
.LBB2_14:
0xf7: {  	[tilespmem:s25+$0x10030] =	vst v6;
	s25 =	smov.u32 s26  }
0xf8: {  	v8 =	vmul.f32 $1.442695020e+00, v0;
	v1 =	vadd.f32 v6, v1;
	v9 =	vpop (erf);
	s26 =	smov.u32 s28;
	s28 =	sshra.s32 s0, $0x2;
	p0 =	sne.s32 s0, $0x7E00  }
.Ltmp6:
0xf9: {  	s0 =	sadd.s32 $0x200, s0;
	v10 =	vmul.f32 $1.442695020e+00, v5;
	v11 =	vadd.f32 v5, v0;
	v0 =	vld [tilespmem:s28+$0xC030];
	v6 =	vmul.f32 v9, v6;
	(pc) =	sbr.rel @p0 .LBB2_14-.Ltmp6, $3  }
0xfa: {  	v5 =	vld [tilespmem:s28+$0x14000];
	v2 =	vadd.f32 v4, v2;
	(erf) = vpow2.f32 v8  }
0xfb: {  	v8 =	vmul.f32 v4, v11;
	v4 =	vld [tilespmem:s28+$0xE030];
	(erf) = vpow2.f32 v10;
	v7 =	vadd.f32 v6, v7;
	_ =	sdelay $0x1  }
0xfc: {  	v3 =	vadd.f32 v8, v3;
	v6 =	vpop (erf)  }
0xfd: {  	v8 =	vmul.f32 $1.442695020e+00, v0  }
0xfe: {  	v9 =	vmul.f32 $1.442695020e+00, v5  }
0xff: {  	(erf) = vpow2.f32 v8  }
0x100: {  	(erf) = vpow2.f32 v9;
	_ =	sdelay $0x4  }
0x101: {  	v56 =	vpop (erf)  }
0x102: {  	v8 =	vmul.f32 v56, v6;
	v57 =	vpop (erf)  }
0x103: {  	v10 =	vpop (erf)  }
0x104: {  	v7 =	vadd.f32 v8, v7;
	v58 =	vmul.f32 v10, v57;
	v59 =	vpop (erf)  }
0x105: {  	v11 =	vpop (erf)  }
0x106: {  	v7 =	vadd.f32 v58, v7;
	v60 =	vmul.f32 v11, v59;
	_ =	sdelay $0x1  }
0x107: {  	v7 =	vadd.f32 v60, v7;
	_ =	sdelay $0x1  }
0x108: {  	v8 =	vand.u32 $0x7FFFFF, v7  }
0x109: {  	v8 =	vor.u32 $0x3F800000, v8  }
0x10a: {  	v61 =	vadd.f32 $1.000000000e+00, v8;
	_ =	sdelay $0x1  }
0x10b: {  	(erf) = vrcp.f32 v61;
	_ =	sdelay $0x7  }
0x10c: {  	v8 =	vadd.f32 $-1.000000000e+00, v8  }
0x10d: {  	v11 =	vpop (erf)  }
0x10e: {  	v8 =	vmul.f32 v11, v8;
	_ =	sdelay $0x1  }
0x10f: {  	v11 =	vmul.f32 v8, v8;
	_ =	sdelay $0x1  }
0x110: {  	v12 =	vmul.f32 $2.857142980e-01, v11;
	_ =	sdelay $0x1  }
0x111: {  	v12 =	vadd.f32 $4.000000060e-01, v12;
	_ =	sdelay $0x1  }
0x112: {  	v12 =	vmul.f32 v12, v11;
	_ =	sdelay $0x1  }
0x113: {  	v12 =	vadd.f32 $6.666666860e-01, v12  }
0x114: {  	v1 =	vadd.f32 v6, v1  }
0x115: {  	v7 =	vshra.s32 v7, $0x17;
	v11 =	vmul.f32 v12, v11  }
0x116: {  	v1 =	vadd.f32 v57, v1;
	v7 =	vadd.s32 $0xFFFFFF81, v7  }
0x117: {  	v7 =	vcvt.s32.f32 v7;
	v11 =	vadd.f32 $2.000000000e+00, v11  }
0x118: {  	v1 =	vadd.f32 v59, v1  }
0x119: {  	v0 =	vadd.f32 v5, v0;
	v62 =	vmul.f32 $6.931471820e-01, v7;
	v8 =	vmul.f32 v11, v8  }
0x11a: {  	(erf) = vrcp.f32 v1  }
0x11b: {  	v2 =	vadd.f32 v4, v2;
	v0 =	vmul.f32 v4, v0;
	v63 =	vadd.f32 v8, v62;
	_ =	sdelay $0x1  }
0x11c: {  	[tilespmem:s25+$0x10030] =	vst v6;
	v0 =	vadd.f32 v0, v3;
	v2 =	vmul.f32 v63, v2  }
0x11d: {  	[tilespmem:s26+$0x10030] =	vst v57  }
0x11e: {  	[tilespmem:s28+$0x10030] =	vst v59;
	v0 =	vsub.f32 v0, v2  }
0x11f: {  	[tilespmem:$0x1C030] =	vst v1  }
0x120: {  	s25 =	simm.s32 $0x0;
	[tilespmem:$0x1C0B0] =	vst v0  }
0x121: {  	v1 =	vld [tilespmem:s25+$0x10030]  }
0x122: {  	s0 =	simm.s32 $0x200;
	s4 =	simm.s32 $0x0;
	v0 =	vpop (erf)  }
.LBB2_16:
0x123: {  	p0 =	sne.s32 s0, $0x7E00  }
.Ltmp7:
0x124: {  	_ = 	snop;
	(pc) =	sbr.rel @p0 .LBB2_16-.Ltmp7, $4  }
0x125: {  	_ = 	snop  }
0x126: {  	s16 =	sshra.s32 s0, $0x2;
	s0 =	sadd.s32 $0x200, s0;
	v2 =	vmul.f32 v1, v0  }
0x127: {  	v1 =	vld [tilespmem:s16+$0x10030]  }
0x128: {  	[tilespmem:s4+$0x12030] =	vst v2;
	s4 =	smov.u32 s16  }
0x129: {  	_ =	sdelay $0x2  }
0x12a: {  	v0 =	vmul.f32 v1, v0;
	_ =	sdelay $0x1  }
0x12b: {  	[tilespmem:s4+$0x12030] =	vst v0  }
0x12c: {  	v0 =	vld [tilespmem:s25+$0xC040];
	_ =	sdelay $0x1  }
0x12d: {  	v1 =	vld [tilespmem:s25+$0x14000];
	_ =	sdelay $0x1  }
0x12e: {  	s26 =	simm.s32 $0x80;
	v2 =	vld [tilespmem:s25+$0xE040]  }
0x12f: {  	v4 =	vld [tilespmem:s26+$0xC040];
	v3 =	vmul.f32 $1.442695020e+00, v0  }
0x130: {  	v5 =	vld [tilespmem:s26+$0x14000]  }
0x131: {  	v6 =	vmul.f32 $1.442695020e+00, v1;
	(erf) = vpow2.f32 v3  }
0x132: {  	v0 =	vadd.f32 v1, v0  }
0x133: {  	v3 =	vld [tilespmem:s26+$0xE040];
	(erf) = vpow2.f32 v6  }
0x134: {  	v0 =	vmul.f32 v2, v0  }
0x135: {  	v1 =	vimm.f32 $0.0e+00;
	v7 =	vadd.f32 v5, v4;
	v4 =	vmul.f32 $1.442695020e+00, v4  }
0x136: {  	s28 =	simm.s32 $0x100;
	v8 =	vmul.f32 $1.442695020e+00, v5;
	v6 =	vadd.f32 v0, v1  }
0x137: {  	v0 =	vld [tilespmem:s28+$0xC040];
	(erf) = vpow2.f32 v4  }
0x138: {  	v5 =	vld [tilespmem:s28+$0x14000];
	v2 =	vadd.f32 v2, v1;
	(erf) = vpow2.f32 v8;
	v7 =	vmul.f32 v3, v7  }
0x139: {  	v4 =	vld [tilespmem:s28+$0xE040]  }
0x13a: {  	s0 =	simm.s32 $0x600;
	v2 =	vadd.f32 v3, v2;
	v3 =	vadd.f32 v7, v6;
	v7 =	vimm.f32 $0.0e+00;
	v6 =	vpop (erf)  }
.LBB2_18:
0x13b: {  	[tilespmem:s25+$0x10040] =	vst v6;
	s25 =	smov.u32 s26  }
0x13c: {  	v8 =	vmul.f32 $1.442695020e+00, v0;
	v1 =	vadd.f32 v6, v1;
	v9 =	vpop (erf);
	s26 =	smov.u32 s28;
	s28 =	sshra.s32 s0, $0x2;
	p0 =	sne.s32 s0, $0x7E00  }
.Ltmp8:
0x13d: {  	s0 =	sadd.s32 $0x200, s0;
	v10 =	vmul.f32 $1.442695020e+00, v5;
	v11 =	vadd.f32 v5, v0;
	v0 =	vld [tilespmem:s28+$0xC040];
	v6 =	vmul.f32 v9, v6;
	(pc) =	sbr.rel @p0 .LBB2_18-.Ltmp8, $3  }
0x13e: {  	v5 =	vld [tilespmem:s28+$0x14000];
	v2 =	vadd.f32 v4, v2;
	(erf) = vpow2.f32 v8  }
0x13f: {  	v8 =	vmul.f32 v4, v11;
	v4 =	vld [tilespmem:s28+$0xE040];
	(erf) = vpow2.f32 v10;
	v7 =	vadd.f32 v6, v7;
	_ =	sdelay $0x1  }
0x140: {  	v3 =	vadd.f32 v8, v3;
	v6 =	vpop (erf)  }
0x141: {  	v8 =	vmul.f32 $1.442695020e+00, v0  }
0x142: {  	v9 =	vmul.f32 $1.442695020e+00, v5  }
0x143: {  	(erf) = vpow2.f32 v8  }
0x144: {  	(erf) = vpow2.f32 v9;
	_ =	sdelay $0x4  }
0x145: {  	v56 =	vpop (erf)  }
0x146: {  	v8 =	vmul.f32 v56, v6;
	v57 =	vpop (erf)  }
0x147: {  	v10 =	vpop (erf)  }
0x148: {  	v7 =	vadd.f32 v8, v7;
	v58 =	vmul.f32 v10, v57;
	v59 =	vpop (erf)  }
0x149: {  	v11 =	vpop (erf)  }
0x14a: {  	v7 =	vadd.f32 v58, v7;
	v60 =	vmul.f32 v11, v59;
	_ =	sdelay $0x1  }
0x14b: {  	v7 =	vadd.f32 v60, v7;
	_ =	sdelay $0x1  }
0x14c: {  	v8 =	vand.u32 $0x7FFFFF, v7  }
0x14d: {  	v8 =	vor.u32 $0x3F800000, v8  }
0x14e: {  	v61 =	vadd.f32 $1.000000000e+00, v8;
	_ =	sdelay $0x1  }
0x14f: {  	(erf) = vrcp.f32 v61;
	_ =	sdelay $0x7  }
0x150: {  	v8 =	vadd.f32 $-1.000000000e+00, v8  }
0x151: {  	v11 =	vpop (erf)  }
0x152: {  	v8 =	vmul.f32 v11, v8;
	_ =	sdelay $0x1  }
0x153: {  	v11 =	vmul.f32 v8, v8;
	_ =	sdelay $0x1  }
0x154: {  	v12 =	vmul.f32 $2.857142980e-01, v11;
	_ =	sdelay $0x1  }
0x155: {  	v12 =	vadd.f32 $4.000000060e-01, v12;
	_ =	sdelay $0x1  }
0x156: {  	v12 =	vmul.f32 v12, v11;
	_ =	sdelay $0x1  }
0x157: {  	v12 =	vadd.f32 $6.666666860e-01, v12  }
0x158: {  	v1 =	vadd.f32 v6, v1  }
0x159: {  	v7 =	vshra.s32 v7, $0x17;
	v11 =	vmul.f32 v12, v11  }
0x15a: {  	v1 =	vadd.f32 v57, v1;
	v7 =	vadd.s32 $0xFFFFFF81, v7  }
0x15b: {  	v7 =	vcvt.s32.f32 v7;
	v11 =	vadd.f32 $2.000000000e+00, v11  }
0x15c: {  	v1 =	vadd.f32 v59, v1  }
0x15d: {  	v0 =	vadd.f32 v5, v0;
	v62 =	vmul.f32 $6.931471820e-01, v7;
	v8 =	vmul.f32 v11, v8  }
0x15e: {  	(erf) = vrcp.f32 v1  }
0x15f: {  	v2 =	vadd.f32 v4, v2;
	v0 =	vmul.f32 v4, v0;
	v63 =	vadd.f32 v8, v62;
	_ =	sdelay $0x1  }
0x160: {  	[tilespmem:s25+$0x10040] =	vst v6;
	v0 =	vadd.f32 v0, v3;
	v2 =	vmul.f32 v63, v2  }
0x161: {  	[tilespmem:s26+$0x10040] =	vst v57  }
0x162: {  	[tilespmem:s28+$0x10040] =	vst v59;
	v0 =	vsub.f32 v0, v2  }
0x163: {  	[tilespmem:$0x1C040] =	vst v1  }
0x164: {  	s25 =	simm.s32 $0x0;
	[tilespmem:$0x1C0C0] =	vst v0  }
0x165: {  	v1 =	vld [tilespmem:s25+$0x10040]  }
0x166: {  	s0 =	simm.s32 $0x200;
	s4 =	simm.s32 $0x0;
	v0 =	vpop (erf)  }
.LBB2_20:
0x167: {  	p0 =	sne.s32 s0, $0x7E00  }
.Ltmp9:
0x168: {  	_ = 	snop;
	(pc) =	sbr.rel @p0 .LBB2_20-.Ltmp9, $4  }
0x169: {  	_ = 	snop  }
0x16a: {  	s16 =	sshra.s32 s0, $0x2;
	s0 =	sadd.s32 $0x200, s0;
	v2 =	vmul.f32 v1, v0  }
0x16b: {  	v1 =	vld [tilespmem:s16+$0x10040]  }
0x16c: {  	[tilespmem:s4+$0x12040] =	vst v2;
	s4 =	smov.u32 s16  }
0x16d: {  	_ =	sdelay $0x2  }
0x16e: {  	v0 =	vmul.f32 v1, v0;
	_ =	sdelay $0x1  }
0x16f: {  	[tilespmem:s4+$0x12040] =	vst v0  }
0x170: {  	v0 =	vld [tilespmem:s25+$0xC050];
	_ =	sdelay $0x1  }
0x171: {  	v1 =	vld [tilespmem:s25+$0x14000];
	_ =	sdelay $0x1  }
0x172: {  	s26 =	simm.s32 $0x80;
	v2 =	vld [tilespmem:s25+$0xE050]  }
0x173: {  	v4 =	vld [tilespmem:s26+$0xC050];
	v3 =	vmul.f32 $1.442695020e+00, v0  }
0x174: {  	v5 =	vld [tilespmem:s26+$0x14000]  }
0x175: {  	v6 =	vmul.f32 $1.442695020e+00, v1;
	(erf) = vpow2.f32 v3  }
0x176: {  	v0 =	vadd.f32 v1, v0  }
0x177: {  	v3 =	vld [tilespmem:s26+$0xE050];
	(erf) = vpow2.f32 v6  }
0x178: {  	v0 =	vmul.f32 v2, v0  }
0x179: {  	v1 =	vimm.f32 $0.0e+00;
	v7 =	vadd.f32 v5, v4;
	v4 =	vmul.f32 $1.442695020e+00, v4  }
0x17a: {  	s28 =	simm.s32 $0x100;
	v8 =	vmul.f32 $1.442695020e+00, v5;
	v6 =	vadd.f32 v0, v1  }
0x17b: {  	v0 =	vld [tilespmem:s28+$0xC050];
	(erf) = vpow2.f32 v4  }
0x17c: {  	v5 =	vld [tilespmem:s28+$0x14000];
	v2 =	vadd.f32 v2, v1;
	(erf) = vpow2.f32 v8;
	v7 =	vmul.f32 v3, v7  }
0x17d: {  	v4 =	vld [tilespmem:s28+$0xE050]  }
0x17e: {  	s0 =	simm.s32 $0x600;
	v2 =	vadd.f32 v3, v2;
	v3 =	vadd.f32 v7, v6;
	v7 =	vimm.f32 $0.0e+00;
	v6 =	vpop (erf)  }
.LBB2_22:
0x17f: {  	[tilespmem:s25+$0x10050] =	vst v6;
	s25 =	smov.u32 s26  }
0x180: {  	v8 =	vmul.f32 $1.442695020e+00, v0;
	v1 =	vadd.f32 v6, v1;
	v9 =	vpop (erf);
	s26 =	smov.u32 s28;
	s28 =	sshra.s32 s0, $0x2;
	p0 =	sne.s32 s0, $0x7E00  }
.Ltmp10:
0x181: {  	s0 =	sadd.s32 $0x200, s0;
	v10 =	vmul.f32 $1.442695020e+00, v5;
	v11 =	vadd.f32 v5, v0;
	v0 =	vld [tilespmem:s28+$0xC050];
	v6 =	vmul.f32 v9, v6;
	(pc) =	sbr.rel @p0 .LBB2_22-.Ltmp10, $3  }
0x182: {  	v5 =	vld [tilespmem:s28+$0x14000];
	v2 =	vadd.f32 v4, v2;
	(erf) = vpow2.f32 v8  }
0x183: {  	v8 =	vmul.f32 v4, v11;
	v4 =	vld [tilespmem:s28+$0xE050];
	(erf) = vpow2.f32 v10;
	v7 =	vadd.f32 v6, v7;
	_ =	sdelay $0x1  }
0x184: {  	v3 =	vadd.f32 v8, v3;
	v6 =	vpop (erf)  }
0x185: {  	v8 =	vmul.f32 $1.442695020e+00, v0  }
0x186: {  	v9 =	vmul.f32 $1.442695020e+00, v5  }
0x187: {  	(erf) = vpow2.f32 v8  }
0x188: {  	(erf) = vpow2.f32 v9;
	_ =	sdelay $0x4  }
0x189: {  	v56 =	vpop (erf)  }
0x18a: {  	v8 =	vmul.f32 v56, v6;
	v57 =	vpop (erf)  }
0x18b: {  	v10 =	vpop (erf)  }
0x18c: {  	v7 =	vadd.f32 v8, v7;
	v58 =	vmul.f32 v10, v57;
	v59 =	vpop (erf)  }
0x18d: {  	v11 =	vpop (erf)  }
0x18e: {  	v7 =	vadd.f32 v58, v7;
	v60 =	vmul.f32 v11, v59;
	_ =	sdelay $0x1  }
0x18f: {  	v7 =	vadd.f32 v60, v7;
	_ =	sdelay $0x1  }
0x190: {  	v8 =	vand.u32 $0x7FFFFF, v7  }
0x191: {  	v8 =	vor.u32 $0x3F800000, v8  }
0x192: {  	v61 =	vadd.f32 $1.000000000e+00, v8;
	_ =	sdelay $0x1  }
0x193: {  	(erf) = vrcp.f32 v61;
	_ =	sdelay $0x7  }
0x194: {  	v8 =	vadd.f32 $-1.000000000e+00, v8  }
0x195: {  	v11 =	vpop (erf)  }
0x196: {  	v8 =	vmul.f32 v11, v8;
	_ =	sdelay $0x1  }
0x197: {  	v11 =	vmul.f32 v8, v8;
	_ =	sdelay $0x1  }
0x198: {  	v12 =	vmul.f32 $2.857142980e-01, v11;
	_ =	sdelay $0x1  }
0x199: {  	v12 =	vadd.f32 $4.000000060e-01, v12;
	_ =	sdelay $0x1  }
0x19a: {  	v12 =	vmul.f32 v12, v11;
	_ =	sdelay $0x1  }
0x19b: {  	v12 =	vadd.f32 $6.666666860e-01, v12  }
0x19c: {  	v1 =	vadd.f32 v6, v1  }
0x19d: {  	v7 =	vshra.s32 v7, $0x17;
	v11 =	vmul.f32 v12, v11  }
0x19e: {  	v1 =	vadd.f32 v57, v1;
	v7 =	vadd.s32 $0xFFFFFF81, v7  }
0x19f: {  	v7 =	vcvt.s32.f32 v7;
	v11 =	vadd.f32 $2.000000000e+00, v11  }
0x1a0: {  	v1 =	vadd.f32 v59, v1  }
0x1a1: {  	v0 =	vadd.f32 v5, v0;
	v62 =	vmul.f32 $6.931471820e-01, v7;
	v8 =	vmul.f32 v11, v8  }
0x1a2: {  	(erf) = vrcp.f32 v1  }
0x1a3: {  	v2 =	vadd.f32 v4, v2;
	v0 =	vmul.f32 v4, v0;
	v63 =	vadd.f32 v8, v62;
	_ =	sdelay $0x1  }
0x1a4: {  	[tilespmem:s25+$0x10050] =	vst v6;
	v0 =	vadd.f32 v0, v3;
	v2 =	vmul.f32 v63, v2  }
0x1a5: {  	[tilespmem:s26+$0x10050] =	vst v57  }
0x1a6: {  	[tilespmem:s28+$0x10050] =	vst v59;
	v0 =	vsub.f32 v0, v2  }
0x1a7: {  	[tilespmem:$0x1C050] =	vst v1  }
0x1a8: {  	s25 =	simm.s32 $0x0;
	[tilespmem:$0x1C0D0] =	vst v0  }
0x1a9: {  	v1 =	vld [tilespmem:s25+$0x10050]  }
0x1aa: {  	s0 =	simm.s32 $0x200;
	s4 =	simm.s32 $0x0;
	v0 =	vpop (erf)  }
.LBB2_24:
0x1ab: {  	p0 =	sne.s32 s0, $0x7E00  }
.Ltmp11:
0x1ac: {  	_ = 	snop;
	(pc) =	sbr.rel @p0 .LBB2_24-.Ltmp11, $4  }
0x1ad: {  	_ = 	snop  }
0x1ae: {  	s16 =	sshra.s32 s0, $0x2;
	s0 =	sadd.s32 $0x200, s0;
	v2 =	vmul.f32 v1, v0  }
0x1af: {  	v1 =	vld [tilespmem:s16+$0x10050]  }
0x1b0: {  	[tilespmem:s4+$0x12050] =	vst v2;
	s4 =	smov.u32 s16  }
0x1b1: {  	_ =	sdelay $0x2  }
0x1b2: {  	v0 =	vmul.f32 v1, v0;
	_ =	sdelay $0x1  }
0x1b3: {  	[tilespmem:s4+$0x12050] =	vst v0  }
0x1b4: {  	v0 =	vld [tilespmem:s25+$0xC060];
	_ =	sdelay $0x1  }
0x1b5: {  	v1 =	vld [tilespmem:s25+$0x14000];
	_ =	sdelay $0x1  }
0x1b6: {  	s26 =	simm.s32 $0x80;
	v2 =	vld [tilespmem:s25+$0xE060]  }
0x1b7: {  	v4 =	vld [tilespmem:s26+$0xC060];
	v3 =	vmul.f32 $1.442695020e+00, v0  }
0x1b8: {  	v5 =	vld [tilespmem:s26+$0x14000]  }
0x1b9: {  	v6 =	vmul.f32 $1.442695020e+00, v1;
	(erf) = vpow2.f32 v3  }
0x1ba: {  	v0 =	vadd.f32 v1, v0  }
0x1bb: {  	v3 =	vld [tilespmem:s26+$0xE060];
	(erf) = vpow2.f32 v6  }
0x1bc: {  	v0 =	vmul.f32 v2, v0  }
0x1bd: {  	v1 =	vimm.f32 $0.0e+00;
	v7 =	vadd.f32 v5, v4;
	v4 =	vmul.f32 $1.442695020e+00, v4  }
0x1be: {  	s28 =	simm.s32 $0x100;
	v8 =	vmul.f32 $1.442695020e+00, v5;
	v6 =	vadd.f32 v0, v1  }
0x1bf: {  	v0 =	vld [tilespmem:s28+$0xC060];
	(erf) = vpow2.f32 v4  }
0x1c0: {  	v5 =	vld [tilespmem:s28+$0x14000];
	v2 =	vadd.f32 v2, v1;
	(erf) = vpow2.f32 v8;
	v7 =	vmul.f32 v3, v7  }
0x1c1: {  	v4 =	vld [tilespmem:s28+$0xE060]  }
0x1c2: {  	s0 =	simm.s32 $0x600;
	v2 =	vadd.f32 v3, v2;
	v3 =	vadd.f32 v7, v6;
	v7 =	vimm.f32 $0.0e+00;
	v6 =	vpop (erf)  }
.LBB2_26:
0x1c3: {  	[tilespmem:s25+$0x10060] =	vst v6;
	s25 =	smov.u32 s26  }
0x1c4: {  	v8 =	vmul.f32 $1.442695020e+00, v0;
	v1 =	vadd.f32 v6, v1;
	v9 =	vpop (erf);
	s26 =	smov.u32 s28;
	s28 =	sshra.s32 s0, $0x2;
	p0 =	sne.s32 s0, $0x7E00  }
.Ltmp12:
0x1c5: {  	s0 =	sadd.s32 $0x200, s0;
	v10 =	vmul.f32 $1.442695020e+00, v5;
	v11 =	vadd.f32 v5, v0;
	v0 =	vld [tilespmem:s28+$0xC060];
	v6 =	vmul.f32 v9, v6;
	(pc) =	sbr.rel @p0 .LBB2_26-.Ltmp12, $3  }
0x1c6: {  	v5 =	vld [tilespmem:s28+$0x14000];
	v2 =	vadd.f32 v4, v2;
	(erf) = vpow2.f32 v8  }
0x1c7: {  	v8 =	vmul.f32 v4, v11;
	v4 =	vld [tilespmem:s28+$0xE060];
	(erf) = vpow2.f32 v10;
	v7 =	vadd.f32 v6, v7;
	_ =	sdelay $0x1  }
0x1c8: {  	v3 =	vadd.f32 v8, v3;
	v6 =	vpop (erf)  }
0x1c9: {  	v8 =	vmul.f32 $1.442695020e+00, v0  }
0x1ca: {  	v9 =	vmul.f32 $1.442695020e+00, v5  }
0x1cb: {  	(erf) = vpow2.f32 v8  }
0x1cc: {  	(erf) = vpow2.f32 v9;
	_ =	sdelay $0x4  }
0x1cd: {  	v56 =	vpop (erf)  }
0x1ce: {  	v8 =	vmul.f32 v56, v6;
	v57 =	vpop (erf)  }
0x1cf: {  	v10 =	vpop (erf)  }
0x1d0: {  	v7 =	vadd.f32 v8, v7;
	v58 =	vmul.f32 v10, v57;
	v59 =	vpop (erf)  }
0x1d1: {  	v11 =	vpop (erf)  }
0x1d2: {  	v7 =	vadd.f32 v58, v7;
	v60 =	vmul.f32 v11, v59;
	_ =	sdelay $0x1  }
0x1d3: {  	v7 =	vadd.f32 v60, v7;
	_ =	sdelay $0x1  }
0x1d4: {  	v8 =	vand.u32 $0x7FFFFF, v7  }
0x1d5: {  	v8 =	vor.u32 $0x3F800000, v8  }
0x1d6: {  	v61 =	vadd.f32 $1.000000000e+00, v8;
	_ =	sdelay $0x1  }
0x1d7: {  	(erf) = vrcp.f32 v61;
	_ =	sdelay $0x7  }
0x1d8: {  	v8 =	vadd.f32 $-1.000000000e+00, v8  }
0x1d9: {  	v11 =	vpop (erf)  }
0x1da: {  	v8 =	vmul.f32 v11, v8;
	_ =	sdelay $0x1  }
0x1db: {  	v11 =	vmul.f32 v8, v8;
	_ =	sdelay $0x1  }
0x1dc: {  	v12 =	vmul.f32 $2.857142980e-01, v11;
	_ =	sdelay $0x1  }
0x1dd: {  	v12 =	vadd.f32 $4.000000060e-01, v12;
	_ =	sdelay $0x1  }
0x1de: {  	v12 =	vmul.f32 v12, v11;
	_ =	sdelay $0x1  }
0x1df: {  	v12 =	vadd.f32 $6.666666860e-01, v12  }
0x1e0: {  	v1 =	vadd.f32 v6, v1  }
0x1e1: {  	v7 =	vshra.s32 v7, $0x17;
	v11 =	vmul.f32 v12, v11  }
0x1e2: {  	v1 =	vadd.f32 v57, v1;
	v7 =	vadd.s32 $0xFFFFFF81, v7  }
0x1e3: {  	v7 =	vcvt.s32.f32 v7;
	v11 =	vadd.f32 $2.000000000e+00, v11  }
0x1e4: {  	v1 =	vadd.f32 v59, v1  }
0x1e5: {  	v0 =	vadd.f32 v5, v0;
	v62 =	vmul.f32 $6.931471820e-01, v7;
	v8 =	vmul.f32 v11, v8  }
0x1e6: {  	(erf) = vrcp.f32 v1  }
0x1e7: {  	v2 =	vadd.f32 v4, v2;
	v0 =	vmul.f32 v4, v0;
	v63 =	vadd.f32 v8, v62;
	_ =	sdelay $0x1  }
0x1e8: {  	[tilespmem:s25+$0x10060] =	vst v6;
	v0 =	vadd.f32 v0, v3;
	v2 =	vmul.f32 v63, v2  }
0x1e9: {  	[tilespmem:s26+$0x10060] =	vst v57  }
0x1ea: {  	[tilespmem:s28+$0x10060] =	vst v59;
	v0 =	vsub.f32 v0, v2  }
0x1eb: {  	[tilespmem:$0x1C060] =	vst v1  }
0x1ec: {  	s25 =	simm.s32 $0x0;
	[tilespmem:$0x1C0E0] =	vst v0  }
0x1ed: {  	v1 =	vld [tilespmem:s25+$0x10060]  }
0x1ee: {  	s0 =	simm.s32 $0x200;
	s4 =	simm.s32 $0x0;
	v0 =	vpop (erf)  }
.LBB2_28:
0x1ef: {  	p0 =	sne.s32 s0, $0x7E00  }
.Ltmp13:
0x1f0: {  	_ = 	snop;
	(pc) =	sbr.rel @p0 .LBB2_28-.Ltmp13, $4  }
0x1f1: {  	_ = 	snop  }
0x1f2: {  	s16 =	sshra.s32 s0, $0x2;
	s0 =	sadd.s32 $0x200, s0;
	v2 =	vmul.f32 v1, v0  }
0x1f3: {  	v1 =	vld [tilespmem:s16+$0x10060]  }
0x1f4: {  	[tilespmem:s4+$0x12060] =	vst v2;
	s4 =	smov.u32 s16  }
0x1f5: {  	_ =	sdelay $0x2  }
0x1f6: {  	v0 =	vmul.f32 v1, v0;
	_ =	sdelay $0x1  }
0x1f7: {  	[tilespmem:s4+$0x12060] =	vst v0  }
0x1f8: {  	v0 =	vld [tilespmem:s25+$0xC070];
	_ =	sdelay $0x1  }
0x1f9: {  	v1 =	vld [tilespmem:s25+$0x14000];
	_ =	sdelay $0x1  }
0x1fa: {  	s26 =	simm.s32 $0x80;
	v2 =	vld [tilespmem:s25+$0xE070]  }
0x1fb: {  	v4 =	vld [tilespmem:s26+$0xC070];
	v3 =	vmul.f32 $1.442695020e+00, v0  }
0x1fc: {  	v5 =	vld [tilespmem:s26+$0x14000]  }
0x1fd: {  	v6 =	vmul.f32 $1.442695020e+00, v1;
	(erf) = vpow2.f32 v3  }
0x1fe: {  	v0 =	vadd.f32 v1, v0  }
0x1ff: {  	v3 =	vld [tilespmem:s26+$0xE070];
	(erf) = vpow2.f32 v6  }
0x200: {  	v0 =	vmul.f32 v2, v0  }
0x201: {  	v1 =	vimm.f32 $0.0e+00;
	v7 =	vadd.f32 v5, v4;
	v4 =	vmul.f32 $1.442695020e+00, v4  }
0x202: {  	s28 =	simm.s32 $0x100;
	v8 =	vmul.f32 $1.442695020e+00, v5;
	v6 =	vadd.f32 v0, v1  }
0x203: {  	v0 =	vld [tilespmem:s28+$0xC070];
	(erf) = vpow2.f32 v4  }
0x204: {  	v5 =	vld [tilespmem:s28+$0x14000];
	v2 =	vadd.f32 v2, v1;
	(erf) = vpow2.f32 v8;
	v7 =	vmul.f32 v3, v7  }
0x205: {  	v4 =	vld [tilespmem:s28+$0xE070]  }
0x206: {  	s0 =	simm.s32 $0x600;
	v2 =	vadd.f32 v3, v2;
	v3 =	vadd.f32 v7, v6;
	v7 =	vimm.f32 $0.0e+00;
	v6 =	vpop (erf)  }
.LBB2_30:
0x207: {  	[tilespmem:s25+$0x10070] =	vst v6;
	s25 =	smov.u32 s26  }
0x208: {  	v8 =	vmul.f32 $1.442695020e+00, v0;
	v1 =	vadd.f32 v6, v1;
	v9 =	vpop (erf);
	s26 =	smov.u32 s28;
	s28 =	sshra.s32 s0, $0x2;
	p0 =	sne.s32 s0, $0x7E00  }
.Ltmp14:
0x209: {  	s0 =	sadd.s32 $0x200, s0;
	v10 =	vmul.f32 $1.442695020e+00, v5;
	v11 =	vadd.f32 v5, v0;
	v0 =	vld [tilespmem:s28+$0xC070];
	v6 =	vmul.f32 v9, v6;
	(pc) =	sbr.rel @p0 .LBB2_30-.Ltmp14, $3  }
0x20a: {  	v5 =	vld [tilespmem:s28+$0x14000];
	v2 =	vadd.f32 v4, v2;
	(erf) = vpow2.f32 v8  }
0x20b: {  	v8 =	vmul.f32 v4, v11;
	v4 =	vld [tilespmem:s28+$0xE070];
	(erf) = vpow2.f32 v10;
	v7 =	vadd.f32 v6, v7;
	_ =	sdelay $0x1  }
0x20c: {  	v3 =	vadd.f32 v8, v3;
	v6 =	vpop (erf)  }
0x20d: {  	v8 =	vmul.f32 $1.442695020e+00, v0  }
0x20e: {  	v9 =	vmul.f32 $1.442695020e+00, v5  }
0x20f: {  	(erf) = vpow2.f32 v8  }
0x210: {  	(erf) = vpow2.f32 v9;
	_ =	sdelay $0x4  }
0x211: {  	v56 =	vpop (erf)  }
0x212: {  	v8 =	vmul.f32 v56, v6;
	v57 =	vpop (erf)  }
0x213: {  	v10 =	vpop (erf)  }
0x214: {  	v7 =	vadd.f32 v8, v7;
	v58 =	vmul.f32 v10, v57;
	v59 =	vpop (erf)  }
0x215: {  	v11 =	vpop (erf)  }
0x216: {  	v7 =	vadd.f32 v58, v7;
	v60 =	vmul.f32 v11, v59;
	_ =	sdelay $0x1  }
0x217: {  	v7 =	vadd.f32 v60, v7;
	_ =	sdelay $0x1  }
0x218: {  	v8 =	vand.u32 $0x7FFFFF, v7  }
0x219: {  	v8 =	vor.u32 $0x3F800000, v8  }
0x21a: {  	v61 =	vadd.f32 $1.000000000e+00, v8;
	_ =	sdelay $0x1  }
0x21b: {  	(erf) = vrcp.f32 v61;
	_ =	sdelay $0x7  }
0x21c: {  	v8 =	vadd.f32 $-1.000000000e+00, v8  }
0x21d: {  	v11 =	vpop (erf)  }
0x21e: {  	v8 =	vmul.f32 v11, v8;
	_ =	sdelay $0x1  }
0x21f: {  	v11 =	vmul.f32 v8, v8;
	_ =	sdelay $0x1  }
0x220: {  	v12 =	vmul.f32 $2.857142980e-01, v11;
	_ =	sdelay $0x1  }
0x221: {  	v12 =	vadd.f32 $4.000000060e-01, v12;
	_ =	sdelay $0x1  }
0x222: {  	v12 =	vmul.f32 v12, v11;
	_ =	sdelay $0x1  }
0x223: {  	v12 =	vadd.f32 $6.666666860e-01, v12  }
0x224: {  	v1 =	vadd.f32 v6, v1  }
0x225: {  	v7 =	vshra.s32 v7, $0x17;
	v11 =	vmul.f32 v12, v11  }
0x226: {  	v1 =	vadd.f32 v57, v1;
	v7 =	vadd.s32 $0xFFFFFF81, v7  }
0x227: {  	v7 =	vcvt.s32.f32 v7;
	v11 =	vadd.f32 $2.000000000e+00, v11  }
0x228: {  	v1 =	vadd.f32 v59, v1  }
0x229: {  	v0 =	vadd.f32 v5, v0;
	v62 =	vmul.f32 $6.931471820e-01, v7;
	v8 =	vmul.f32 v11, v8  }
0x22a: {  	(erf) = vrcp.f32 v1  }
0x22b: {  	v2 =	vadd.f32 v4, v2;
	v0 =	vmul.f32 v4, v0;
	v63 =	vadd.f32 v8, v62;
	_ =	sdelay $0x1  }
0x22c: {  	[tilespmem:s25+$0x10070] =	vst v6;
	v0 =	vadd.f32 v0, v3;
	v2 =	vmul.f32 v63, v2  }
0x22d: {  	[tilespmem:s26+$0x10070] =	vst v57  }
0x22e: {  	[tilespmem:s28+$0x10070] =	vst v59;
	v0 =	vsub.f32 v0, v2  }
0x22f: {  	[tilespmem:$0x1C070] =	vst v1  }
0x230: {  	s0 =	simm.s32 $0x0;
	[tilespmem:$0x1C0F0] =	vst v0  }
0x231: {  	v1 =	vld [tilespmem:s0+$0x10070]  }
0x232: {  	s4 =	simm.s32 $0x200;
	v0 =	vpop (erf)  }
.LBB2_32:
0x233: {  	p0 =	sne.s32 s4, $0x7E00  }
.Ltmp15:
0x234: {  	_ = 	snop;
	(pc) =	sbr.rel @p0 .LBB2_32-.Ltmp15, $4  }
0x235: {  	_ = 	snop  }
0x236: {  	s16 =	sshra.s32 s4, $0x2;
	s4 =	sadd.s32 $0x200, s4;
	v2 =	vmul.f32 v1, v0  }
0x237: {  	v1 =	vld [tilespmem:s16+$0x10070]  }
0x238: {  	[tilespmem:s0+$0x12070] =	vst v2;
	s0 =	smov.u32 s16  }
0x239: {  	_ =	sdelay $0x2  }
0x23a: {  	v0 =	vmul.f32 v1, v0;
	_ =	sdelay $0x1  }
0x23b: {  	[tilespmem:s0+$0x12070] =	vst v0  }
0x23c: {  	[hbm4b:s11+s14] =	stream.strided.scatter [tilespmem:s20], [sflag:$0x1], $0x2000, s15, s14, $0x38;
	[tilespmem:$0x1C100] =	vst v63  }
0x23d: {  	_ =	swait.ge [sflag:s17], $0x2000  }
0x23e: {  	[sflag:s17] =	ssyncset.done $0x0  }
0x23f: {  	s25 =	simm.s32 $0x0;
	s26 =	simm.s32 $0x0;
	[sflag:s17] =	ssyncadd.s32 $0xFFFFE000  }
.LBB2_34:
0x240: {  	s29 =	sshll.u32 s26, $0x7  }
0x241: {  	s30 =	sor.u32 $0x40, s29  }
0x242: {  	s0 =	sshll.u32 s30, $0x9  }
0x243: {  	s28 =	sor.u32 s8, s0  }
0x244: {  	s0 =	sadd.s32 s1, s28  }
0x245: {  	[tilespmem:s25], [sflag:$0x1] =	stream.strided.gather [hbm4b:s0+s14], $0x4000, s15, s14, $0x38;
	[tilespmem:$0x1C100] =	vst v63  }
0x246: {  	_ =	swait.ge [sflag:s17], $0x4000  }
0x247: {  	[sflag:s17] =	ssyncset.done $0x0  }
0x248: {  	s16 =	sadd.s32 s2, s28;
	[sflag:s17] =	ssyncadd.s32 $0xFFFFC000  }
0x249: {  	[tilespmem:s21], [sflag:$0x1] =	stream.strided.gather [hbm4b:s16+s14], $0x4000, s15, s14, $0x38;
	[tilespmem:$0x1C100] =	vst v63  }
0x24a: {  	_ =	swait.ge [sflag:s17], $0x4000  }
0x24b: {  	s18 =	sshll.u32 s30, $0x4;
	[sflag:s17] =	ssyncset.done $0x0  }
0x24c: {  	s4 =	sadd.s32 s6, s18;
	[sflag:s17] =	ssyncadd.s32 $0xFFFFC000  }
0x24d: {  	[tilespmem:s19], [sflag:$0x1] =	stream.linear.gather [hbm4b:s4+s25], $0x4000, $0x38;
	[tilespmem:$0x1C100] =	vst v63  }
0x24e: {  	_ =	swait.ge [sflag:s17], $0x4000  }
0x24f: {  	[sflag:s17] =	ssyncset.done $0x0  }
0x250: {  	s0 =	sadd.s32 s7, s18;
	[sflag:s17] =	ssyncadd.s32 $0xFFFFC000  }
0x251: {  	[tilespmem:s22], [sflag:$0x1] =	stream.linear.gather [hbm4b:s0+s25], $0x4000, $0x38;
	[tilespmem:$0x1C100] =	vst v63  }
0x252: {  	_ =	swait.ge [sflag:s17], $0x4000  }
0x253: {  	[sflag:s17] =	ssyncset.done $0x0  }
0x254: {  	s4 =	simm.s32 $0x0;
	[sflag:s17] =	ssyncadd.s32 $0xFFFFC000  }
0x255: {  	v0 =	vld [tilespmem:s4+$0x0];
	_ =	sdelay $0x3  }
0x256: {  	v1 =	vld [tilespmem:s4+$0x14000]  }
0x257: {  	s31 =	simm.s32 $0x80;
	v3 =	vld [tilespmem:s4+$0x4000];
	v2 =	vmul.f32 $1.442695020e+00, v0  }
0x258: {  	v4 =	vld [tilespmem:s31+$0x0]  }
0x259: {  	v5 =	vld [tilespmem:s31+$0x14000];
	(erf) = vpow2.f32 v2;
	_ =	sdelay $0x1  }
0x25a: {  	v7 =	vld [tilespmem:s31+$0x4000]  }
0x25b: {  	v0 =	vadd.f32 v1, v0  }
0x25c: {  	s0 =	simm.s32 $0x100;
	v6 =	vld [tilespmem:s4+$0x18000];
	v9 =	vmul.f32 $1.442695020e+00, v4;
	v2 =	vimm.f32 $0.0e+00  }
0x25d: {  	v1 =	vadd.f32 v5, v4;
	v4 =	vld [tilespmem:s0+$0x0];
	v0 =	vmul.f32 v0, v3;
	v3 =	vadd.f32 v3, v2  }
0x25e: {  	v5 =	vld [tilespmem:s0+$0x14000];
	(erf) = vpow2.f32 v9  }
0x25f: {  	v1 =	vmul.f32 v1, v7;
	v8 =	vadd.f32 v0, v2;
	v0 =	vadd.f32 v7, v3;
	v3 =	vld [tilespmem:s0+$0x4000];
	_ =	sdelay $0x1  }
0x260: {  	s16 =	simm.s32 $0x600;
	v1 =	vadd.f32 v1, v8;
	v8 =	vimm.f32 $0.0e+00;
	v7 =	vpop (erf)  }
.LBB2_35:
0x261: {  	s18 =	sshra.s32 s16, $0x2;
	p0 =	sne.s32 s16, $0xFE00;
	s16 =	sadd.s32 $0x200, s16;
	v9 =	vmul.f32 $1.442695020e+00, v4;
	v10 =	vmul.f32 v7, v6;
	v6 =	vld [tilespmem:s31+$0x18000];
	[tilespmem:s4+$0x8000] =	vst v7;
	v2 =	vadd.f32 v7, v2  }
.Ltmp16:
0x262: {  	s4 =	smov.u32 s31;
	s31 =	smov.u32 s0;
	v7 =	vadd.f32 v5, v4;
	v4 =	vld [tilespmem:s18+$0x0];
	(pc) =	sbr.rel @p0 .LBB2_35-.Ltmp16, $3  }
0x263: {  	s0 =	smov.u32 s18;
	v5 =	vld [tilespmem:s18+$0x14000];
	v0 =	vadd.f32 v3, v0;
	(erf) = vpow2.f32 v9;
	v8 =	vadd.f32 v10, v8  }
0x264: {  	v9 =	vmul.f32 v7, v3;
	v3 =	vld [tilespmem:s0+$0x4000];
	_ =	sdelay $0x1  }
0x265: {  	v1 =	vadd.f32 v9, v1;
	v7 =	vpop (erf)  }
0x266: {  	v9 =	vmul.f32 $1.442695020e+00, v4;
	_ =	sdelay $0x1  }
0x267: {  	(erf) = vpow2.f32 v9;
	_ =	sdelay $0x2  }
0x268: {  	v54 =	vld [tilespmem:s31+$0x18000]  }
0x269: {  	[tilespmem:s4+$0x8000] =	vst v7  }
0x26a: {  	v10 =	vld [tilespmem:s0+$0x18000]  }
0x26b: {  	v6 =	vmul.f32 v7, v6  }
0x26c: {  	v11 =	vpop (erf)  }
0x26d: {  	v6 =	vadd.f32 v6, v8;
	v55 =	vmul.f32 v11, v54  }
0x26e: {  	v56 =	vpop (erf)  }
0x26f: {  	v6 =	vadd.f32 v55, v6;
	v57 =	vmul.f32 v56, v10;
	_ =	sdelay $0x1  }
0x270: {  	v6 =	vadd.f32 v57, v6;
	_ =	sdelay $0x1  }
0x271: {  	v8 =	vand.u32 $0x7FFFFF, v6  }
0x272: {  	v8 =	vor.u32 $0x3F800000, v8  }
0x273: {  	v58 =	vadd.f32 $1.000000000e+00, v8;
	_ =	sdelay $0x1  }
0x274: {  	(erf) = vrcp.f32 v58;
	_ =	sdelay $0x7  }
0x275: {  	v8 =	vadd.f32 $-1.000000000e+00, v8  }
0x276: {  	v10 =	vpop (erf)  }
0x277: {  	v8 =	vmul.f32 v10, v8;
	_ =	sdelay $0x1  }
0x278: {  	v10 =	vmul.f32 v8, v8;
	_ =	sdelay $0x1  }
0x279: {  	v12 =	vmul.f32 $2.857142980e-01, v10;
	_ =	sdelay $0x1  }
0x27a: {  	v12 =	vadd.f32 $4.000000060e-01, v12;
	_ =	sdelay $0x1  }
0x27b: {  	v12 =	vmul.f32 v12, v10;
	_ =	sdelay $0x1  }
0x27c: {  	v12 =	vadd.f32 $6.666666860e-01, v12  }
0x27d: {  	[tilespmem:s31+$0x8000] =	vst v11  }
0x27e: {  	v2 =	vadd.f32 v7, v2;
	[tilespmem:s0+$0x8000] =	vst v56;
	v6 =	vshra.s32 v6, $0x17;
	v59 =	vmul.f32 v12, v10  }
0x27f: {  	v60 =	vadd.f32 v5, v4;
	v62 =	vld [tilespmem:$0x1C000];
	v61 =	vadd.s32 $0xFFFFFF81, v6  }
0x280: {  	v2 =	vadd.f32 v11, v2;
	v5 =	vcvt.s32.f32 v61;
	v7 =	vadd.f32 $2.000000000e+00, v59  }
0x281: {  	v4 =	vmul.f32 v60, v3;
	v63 =	vld [tilespmem:$0x1C080]  }
0x282: {  	v2 =	vadd.f32 v56, v2;
	v5 =	vmul.f32 $6.931471820e-01, v5;
	v7 =	vmul.f32 v7, v8  }
0x283: {  	v0 =	vadd.f32 v3, v0  }
0x284: {  	v1 =	vadd.f32 v4, v1;
	v2 =	vmul.f32 v62, v2;
	v3 =	vadd.f32 v7, v5;
	_ =	sdelay $0x1  }
0x285: {  	v1 =	vadd.f32 v63, v1;
	(erf) = vrcp.f32 v2;
	v0 =	vmul.f32 v3, v0;
	_ =	sdelay $0x1  }
0x286: {  	v0 =	vsub.f32 v1, v0;
	_ =	sdelay $0x1  }
0x287: {  	[tilespmem:$0x1C080] =	vst v0  }
0x288: {  	v0 =	vld [tilespmem:s29+$0x10000];
	_ =	sdelay $0x3  }
0x289: {  	v1 =	vpop (erf)  }
0x28a: {  	s4 =	simm.s32 $0x200;
	s0 =	simm.s32 $0x0;
	v0 =	vmul.f32 v1, v0  }
.LBB2_37:
0x28b: {  	p0 =	sne.s32 s4, $0xFE00;
	v1 =	vld [tilespmem:s0+$0x8000];
	_ =	sdelay $0x2  }
.Ltmp17:
0x28c: {  	(pc) =	sbr.rel @p0 .LBB2_37-.Ltmp17, $3  }
0x28d: {  	_ = 	snop  }
0x28e: {  	v1 =	vmul.f32 v1, v0;
	_ =	sdelay $0x1  }
0x28f: {  	[tilespmem:s0+$0x8000] =	vst v1;
	s0 =	sshra.s32 s4, $0x2;
	s4 =	sadd.s32 $0x200, s4  }
0x290: {  	v1 =	vld [tilespmem:s0+$0x8000];
	_ =	sdelay $0x4  }
0x291: {  	v0 =	vmul.f32 v1, v0;
	_ =	sdelay $0x1  }
0x292: {  	s4 =	simm.s32 $0x0;
	[tilespmem:s0+$0x8000] =	vst v0  }
0x293: {  	v0 =	vld [tilespmem:s4+$0x10];
	_ =	sdelay $0x3  }
0x294: {  	v1 =	vld [tilespmem:s4+$0x14000]  }
0x295: {  	s31 =	simm.s32 $0x80;
	v3 =	vld [tilespmem:s4+$0x4010];
	v2 =	vmul.f32 $1.442695020e+00, v0  }
0x296: {  	v4 =	vld [tilespmem:s31+$0x10]  }
0x297: {  	v5 =	vld [tilespmem:s31+$0x14000];
	(erf) = vpow2.f32 v2;
	_ =	sdelay $0x1  }
0x298: {  	v7 =	vld [tilespmem:s31+$0x4010]  }
0x299: {  	v0 =	vadd.f32 v1, v0  }
0x29a: {  	s0 =	simm.s32 $0x100;
	v6 =	vld [tilespmem:s4+$0x18000];
	v9 =	vmul.f32 $1.442695020e+00, v4;
	v2 =	vimm.f32 $0.0e+00  }
0x29b: {  	v1 =	vadd.f32 v5, v4;
	v4 =	vld [tilespmem:s0+$0x10];
	v0 =	vmul.f32 v0, v3;
	v3 =	vadd.f32 v3, v2  }
0x29c: {  	v5 =	vld [tilespmem:s0+$0x14000];
	(erf) = vpow2.f32 v9  }
0x29d: {  	v1 =	vmul.f32 v1, v7;
	v8 =	vadd.f32 v0, v2;
	v0 =	vadd.f32 v7, v3;
	v3 =	vld [tilespmem:s0+$0x4010];
	_ =	sdelay $0x1  }
0x29e: {  	s16 =	simm.s32 $0x600;
	v1 =	vadd.f32 v1, v8;
	v8 =	vimm.f32 $0.0e+00;
	v7 =	vpop (erf)  }
.LBB2_39:
0x29f: {  	s18 =	sshra.s32 s16, $0x2;
	p0 =	sne.s32 s16, $0xFE00;
	s16 =	sadd.s32 $0x200, s16;
	v9 =	vmul.f32 $1.442695020e+00, v4;
	v10 =	vmul.f32 v7, v6;
	v6 =	vld [tilespmem:s31+$0x18000];
	[tilespmem:s4+$0x8010] =	vst v7;
	v2 =	vadd.f32 v7, v2  }
.Ltmp18:
0x2a0: {  	s4 =	smov.u32 s31;
	s31 =	smov.u32 s0;
	v7 =	vadd.f32 v5, v4;
	v4 =	vld [tilespmem:s18+$0x10];
	(pc) =	sbr.rel @p0 .LBB2_39-.Ltmp18, $3  }
0x2a1: {  	s0 =	smov.u32 s18;
	v5 =	vld [tilespmem:s18+$0x14000];
	v0 =	vadd.f32 v3, v0;
	(erf) = vpow2.f32 v9;
	v8 =	vadd.f32 v10, v8  }
0x2a2: {  	v9 =	vmul.f32 v7, v3;
	v3 =	vld [tilespmem:s0+$0x4010];
	_ =	sdelay $0x1  }
0x2a3: {  	v1 =	vadd.f32 v9, v1;
	v7 =	vpop (erf)  }
0x2a4: {  	v9 =	vmul.f32 $1.442695020e+00, v4;
	_ =	sdelay $0x1  }
0x2a5: {  	(erf) = vpow2.f32 v9;
	_ =	sdelay $0x2  }
0x2a6: {  	v54 =	vld [tilespmem:s31+$0x18000]  }
0x2a7: {  	[tilespmem:s4+$0x8010] =	vst v7  }
0x2a8: {  	v10 =	vld [tilespmem:s0+$0x18000]  }
0x2a9: {  	v6 =	vmul.f32 v7, v6  }
0x2aa: {  	v11 =	vpop (erf)  }
0x2ab: {  	v6 =	vadd.f32 v6, v8;
	v55 =	vmul.f32 v11, v54  }
0x2ac: {  	v56 =	vpop (erf)  }
0x2ad: {  	v6 =	vadd.f32 v55, v6;
	v57 =	vmul.f32 v56, v10;
	_ =	sdelay $0x1  }
0x2ae: {  	v6 =	vadd.f32 v57, v6;
	_ =	sdelay $0x1  }
0x2af: {  	v8 =	vand.u32 $0x7FFFFF, v6  }
0x2b0: {  	v8 =	vor.u32 $0x3F800000, v8  }
0x2b1: {  	v58 =	vadd.f32 $1.000000000e+00, v8;
	_ =	sdelay $0x1  }
0x2b2: {  	(erf) = vrcp.f32 v58;
	_ =	sdelay $0x7  }
0x2b3: {  	v8 =	vadd.f32 $-1.000000000e+00, v8  }
0x2b4: {  	v10 =	vpop (erf)  }
0x2b5: {  	v8 =	vmul.f32 v10, v8;
	_ =	sdelay $0x1  }
0x2b6: {  	v10 =	vmul.f32 v8, v8;
	_ =	sdelay $0x1  }
0x2b7: {  	v12 =	vmul.f32 $2.857142980e-01, v10;
	_ =	sdelay $0x1  }
0x2b8: {  	v12 =	vadd.f32 $4.000000060e-01, v12;
	_ =	sdelay $0x1  }
0x2b9: {  	v12 =	vmul.f32 v12, v10;
	_ =	sdelay $0x1  }
0x2ba: {  	v12 =	vadd.f32 $6.666666860e-01, v12  }
0x2bb: {  	[tilespmem:s31+$0x8010] =	vst v11  }
0x2bc: {  	v2 =	vadd.f32 v7, v2;
	[tilespmem:s0+$0x8010] =	vst v56;
	v6 =	vshra.s32 v6, $0x17;
	v59 =	vmul.f32 v12, v10  }
0x2bd: {  	v60 =	vadd.f32 v5, v4;
	v62 =	vld [tilespmem:$0x1C010];
	v61 =	vadd.s32 $0xFFFFFF81, v6  }
0x2be: {  	v2 =	vadd.f32 v11, v2;
	v5 =	vcvt.s32.f32 v61;
	v7 =	vadd.f32 $2.000000000e+00, v59  }
0x2bf: {  	v4 =	vmul.f32 v60, v3;
	v63 =	vld [tilespmem:$0x1C090]  }
0x2c0: {  	v2 =	vadd.f32 v56, v2;
	v5 =	vmul.f32 $6.931471820e-01, v5;
	v7 =	vmul.f32 v7, v8  }
0x2c1: {  	v0 =	vadd.f32 v3, v0  }
0x2c2: {  	v1 =	vadd.f32 v4, v1;
	v2 =	vmul.f32 v62, v2;
	v3 =	vadd.f32 v7, v5;
	_ =	sdelay $0x1  }
0x2c3: {  	v1 =	vadd.f32 v63, v1;
	(erf) = vrcp.f32 v2;
	v0 =	vmul.f32 v3, v0;
	_ =	sdelay $0x1  }
0x2c4: {  	v0 =	vsub.f32 v1, v0;
	_ =	sdelay $0x1  }
0x2c5: {  	[tilespmem:$0x1C090] =	vst v0  }
0x2c6: {  	v0 =	vld [tilespmem:s29+$0x10010];
	_ =	sdelay $0x3  }
0x2c7: {  	v1 =	vpop (erf)  }
0x2c8: {  	s4 =	simm.s32 $0x200;
	s0 =	simm.s32 $0x0;
	v0 =	vmul.f32 v1, v0  }
.LBB2_41:
0x2c9: {  	p0 =	sne.s32 s4, $0xFE00;
	v1 =	vld [tilespmem:s0+$0x8010];
	_ =	sdelay $0x2  }
.Ltmp19:
0x2ca: {  	(pc) =	sbr.rel @p0 .LBB2_41-.Ltmp19, $3  }
0x2cb: {  	_ = 	snop  }
0x2cc: {  	v1 =	vmul.f32 v1, v0;
	_ =	sdelay $0x1  }
0x2cd: {  	[tilespmem:s0+$0x8010] =	vst v1;
	s0 =	sshra.s32 s4, $0x2;
	s4 =	sadd.s32 $0x200, s4  }
0x2ce: {  	v1 =	vld [tilespmem:s0+$0x8010];
	_ =	sdelay $0x4  }
0x2cf: {  	v0 =	vmul.f32 v1, v0;
	_ =	sdelay $0x1  }
0x2d0: {  	s4 =	simm.s32 $0x0;
	[tilespmem:s0+$0x8010] =	vst v0  }
0x2d1: {  	v0 =	vld [tilespmem:s4+$0x20];
	_ =	sdelay $0x3  }
0x2d2: {  	v1 =	vld [tilespmem:s4+$0x14000]  }
0x2d3: {  	s31 =	simm.s32 $0x80;
	v3 =	vld [tilespmem:s4+$0x4020];
	v2 =	vmul.f32 $1.442695020e+00, v0  }
0x2d4: {  	v4 =	vld [tilespmem:s31+$0x20]  }
0x2d5: {  	v5 =	vld [tilespmem:s31+$0x14000];
	(erf) = vpow2.f32 v2;
	_ =	sdelay $0x1  }
0x2d6: {  	v7 =	vld [tilespmem:s31+$0x4020]  }
0x2d7: {  	v0 =	vadd.f32 v1, v0  }
0x2d8: {  	s0 =	simm.s32 $0x100;
	v6 =	vld [tilespmem:s4+$0x18000];
	v9 =	vmul.f32 $1.442695020e+00, v4;
	v2 =	vimm.f32 $0.0e+00  }
0x2d9: {  	v1 =	vadd.f32 v5, v4;
	v4 =	vld [tilespmem:s0+$0x20];
	v0 =	vmul.f32 v0, v3;
	v3 =	vadd.f32 v3, v2  }
0x2da: {  	v5 =	vld [tilespmem:s0+$0x14000];
	(erf) = vpow2.f32 v9  }
0x2db: {  	v1 =	vmul.f32 v1, v7;
	v8 =	vadd.f32 v0, v2;
	v0 =	vadd.f32 v7, v3;
	v3 =	vld [tilespmem:s0+$0x4020];
	_ =	sdelay $0x1  }
0x2dc: {  	s16 =	simm.s32 $0x600;
	v1 =	vadd.f32 v1, v8;
	v8 =	vimm.f32 $0.0e+00;
	v7 =	vpop (erf)  }
.LBB2_43:
0x2dd: {  	s18 =	sshra.s32 s16, $0x2;
	p0 =	sne.s32 s16, $0xFE00;
	s16 =	sadd.s32 $0x200, s16;
	v9 =	vmul.f32 $1.442695020e+00, v4;
	v10 =	vmul.f32 v7, v6;
	v6 =	vld [tilespmem:s31+$0x18000];
	[tilespmem:s4+$0x8020] =	vst v7;
	v2 =	vadd.f32 v7, v2  }
.Ltmp20:
0x2de: {  	s4 =	smov.u32 s31;
	s31 =	smov.u32 s0;
	v7 =	vadd.f32 v5, v4;
	v4 =	vld [tilespmem:s18+$0x20];
	(pc) =	sbr.rel @p0 .LBB2_43-.Ltmp20, $3  }
0x2df: {  	s0 =	smov.u32 s18;
	v5 =	vld [tilespmem:s18+$0x14000];
	v0 =	vadd.f32 v3, v0;
	(erf) = vpow2.f32 v9;
	v8 =	vadd.f32 v10, v8  }
0x2e0: {  	v9 =	vmul.f32 v7, v3;
	v3 =	vld [tilespmem:s0+$0x4020];
	_ =	sdelay $0x1  }
0x2e1: {  	v1 =	vadd.f32 v9, v1;
	v7 =	vpop (erf)  }
0x2e2: {  	v9 =	vmul.f32 $1.442695020e+00, v4;
	_ =	sdelay $0x1  }
0x2e3: {  	(erf) = vpow2.f32 v9;
	_ =	sdelay $0x2  }
0x2e4: {  	v54 =	vld [tilespmem:s31+$0x18000]  }
0x2e5: {  	[tilespmem:s4+$0x8020] =	vst v7  }
0x2e6: {  	v10 =	vld [tilespmem:s0+$0x18000]  }
0x2e7: {  	v6 =	vmul.f32 v7, v6  }
0x2e8: {  	v11 =	vpop (erf)  }
0x2e9: {  	v6 =	vadd.f32 v6, v8;
	v55 =	vmul.f32 v11, v54  }
0x2ea: {  	v56 =	vpop (erf)  }
0x2eb: {  	v6 =	vadd.f32 v55, v6;
	v57 =	vmul.f32 v56, v10;
	_ =	sdelay $0x1  }
0x2ec: {  	v6 =	vadd.f32 v57, v6;
	_ =	sdelay $0x1  }
0x2ed: {  	v8 =	vand.u32 $0x7FFFFF, v6  }
0x2ee: {  	v8 =	vor.u32 $0x3F800000, v8  }
0x2ef: {  	v58 =	vadd.f32 $1.000000000e+00, v8;
	_ =	sdelay $0x1  }
0x2f0: {  	(erf) = vrcp.f32 v58;
	_ =	sdelay $0x7  }
0x2f1: {  	v8 =	vadd.f32 $-1.000000000e+00, v8  }
0x2f2: {  	v10 =	vpop (erf)  }
0x2f3: {  	v8 =	vmul.f32 v10, v8;
	_ =	sdelay $0x1  }
0x2f4: {  	v10 =	vmul.f32 v8, v8;
	_ =	sdelay $0x1  }
0x2f5: {  	v12 =	vmul.f32 $2.857142980e-01, v10;
	_ =	sdelay $0x1  }
0x2f6: {  	v12 =	vadd.f32 $4.000000060e-01, v12;
	_ =	sdelay $0x1  }
0x2f7: {  	v12 =	vmul.f32 v12, v10;
	_ =	sdelay $0x1  }
0x2f8: {  	v12 =	vadd.f32 $6.666666860e-01, v12  }
0x2f9: {  	[tilespmem:s31+$0x8020] =	vst v11  }
0x2fa: {  	v2 =	vadd.f32 v7, v2;
	[tilespmem:s0+$0x8020] =	vst v56;
	v6 =	vshra.s32 v6, $0x17;
	v59 =	vmul.f32 v12, v10  }
0x2fb: {  	v60 =	vadd.f32 v5, v4;
	v62 =	vld [tilespmem:$0x1C020];
	v61 =	vadd.s32 $0xFFFFFF81, v6  }
0x2fc: {  	v2 =	vadd.f32 v11, v2;
	v5 =	vcvt.s32.f32 v61;
	v7 =	vadd.f32 $2.000000000e+00, v59  }
0x2fd: {  	v4 =	vmul.f32 v60, v3;
	v63 =	vld [tilespmem:$0x1C0A0]  }
0x2fe: {  	v2 =	vadd.f32 v56, v2;
	v5 =	vmul.f32 $6.931471820e-01, v5;
	v7 =	vmul.f32 v7, v8  }
0x2ff: {  	v0 =	vadd.f32 v3, v0  }
0x300: {  	v1 =	vadd.f32 v4, v1;
	v2 =	vmul.f32 v62, v2;
	v3 =	vadd.f32 v7, v5;
	_ =	sdelay $0x1  }
0x301: {  	v1 =	vadd.f32 v63, v1;
	(erf) = vrcp.f32 v2;
	v0 =	vmul.f32 v3, v0;
	_ =	sdelay $0x1  }
0x302: {  	v0 =	vsub.f32 v1, v0;
	_ =	sdelay $0x1  }
0x303: {  	[tilespmem:$0x1C0A0] =	vst v0  }
0x304: {  	v0 =	vld [tilespmem:s29+$0x10020];
	_ =	sdelay $0x3  }
0x305: {  	v1 =	vpop (erf)  }
0x306: {  	s4 =	simm.s32 $0x200;
	s0 =	simm.s32 $0x0;
	v0 =	vmul.f32 v1, v0  }
.LBB2_45:
0x307: {  	p0 =	sne.s32 s4, $0xFE00;
	v1 =	vld [tilespmem:s0+$0x8020];
	_ =	sdelay $0x2  }
.Ltmp21:
0x308: {  	(pc) =	sbr.rel @p0 .LBB2_45-.Ltmp21, $3  }
0x309: {  	_ = 	snop  }
0x30a: {  	v1 =	vmul.f32 v1, v0;
	_ =	sdelay $0x1  }
0x30b: {  	[tilespmem:s0+$0x8020] =	vst v1;
	s0 =	sshra.s32 s4, $0x2;
	s4 =	sadd.s32 $0x200, s4  }
0x30c: {  	v1 =	vld [tilespmem:s0+$0x8020];
	_ =	sdelay $0x4  }
0x30d: {  	v0 =	vmul.f32 v1, v0;
	_ =	sdelay $0x1  }
0x30e: {  	s4 =	simm.s32 $0x0;
	[tilespmem:s0+$0x8020] =	vst v0  }
0x30f: {  	v0 =	vld [tilespmem:s4+$0x30];
	_ =	sdelay $0x3  }
0x310: {  	v1 =	vld [tilespmem:s4+$0x14000]  }
0x311: {  	s31 =	simm.s32 $0x80;
	v3 =	vld [tilespmem:s4+$0x4030];
	v2 =	vmul.f32 $1.442695020e+00, v0  }
0x312: {  	v4 =	vld [tilespmem:s31+$0x30]  }
0x313: {  	v5 =	vld [tilespmem:s31+$0x14000];
	(erf) = vpow2.f32 v2;
	_ =	sdelay $0x1  }
0x314: {  	v7 =	vld [tilespmem:s31+$0x4030]  }
0x315: {  	v0 =	vadd.f32 v1, v0  }
0x316: {  	s0 =	simm.s32 $0x100;
	v6 =	vld [tilespmem:s4+$0x18000];
	v9 =	vmul.f32 $1.442695020e+00, v4;
	v2 =	vimm.f32 $0.0e+00  }
0x317: {  	v1 =	vadd.f32 v5, v4;
	v4 =	vld [tilespmem:s0+$0x30];
	v0 =	vmul.f32 v0, v3;
	v3 =	vadd.f32 v3, v2  }
0x318: {  	v5 =	vld [tilespmem:s0+$0x14000];
	(erf) = vpow2.f32 v9  }
0x319: {  	v1 =	vmul.f32 v1, v7;
	v8 =	vadd.f32 v0, v2;
	v0 =	vadd.f32 v7, v3;
	v3 =	vld [tilespmem:s0+$0x4030];
	_ =	sdelay $0x1  }
0x31a: {  	s16 =	simm.s32 $0x600;
	v1 =	vadd.f32 v1, v8;
	v8 =	vimm.f32 $0.0e+00;
	v7 =	vpop (erf)  }
.LBB2_47:
0x31b: {  	s18 =	sshra.s32 s16, $0x2;
	p0 =	sne.s32 s16, $0xFE00;
	s16 =	sadd.s32 $0x200, s16;
	v9 =	vmul.f32 $1.442695020e+00, v4;
	v10 =	vmul.f32 v7, v6;
	v6 =	vld [tilespmem:s31+$0x18000];
	[tilespmem:s4+$0x8030] =	vst v7;
	v2 =	vadd.f32 v7, v2  }
.Ltmp22:
0x31c: {  	s4 =	smov.u32 s31;
	s31 =	smov.u32 s0;
	v7 =	vadd.f32 v5, v4;
	v4 =	vld [tilespmem:s18+$0x30];
	(pc) =	sbr.rel @p0 .LBB2_47-.Ltmp22, $3  }
0x31d: {  	s0 =	smov.u32 s18;
	v5 =	vld [tilespmem:s18+$0x14000];
	v0 =	vadd.f32 v3, v0;
	(erf) = vpow2.f32 v9;
	v8 =	vadd.f32 v10, v8  }
0x31e: {  	v9 =	vmul.f32 v7, v3;
	v3 =	vld [tilespmem:s0+$0x4030];
	_ =	sdelay $0x1  }
0x31f: {  	v1 =	vadd.f32 v9, v1;
	v7 =	vpop (erf)  }
0x320: {  	v9 =	vmul.f32 $1.442695020e+00, v4;
	_ =	sdelay $0x1  }
0x321: {  	(erf) = vpow2.f32 v9;
	_ =	sdelay $0x2  }
0x322: {  	v54 =	vld [tilespmem:s31+$0x18000]  }
0x323: {  	[tilespmem:s4+$0x8030] =	vst v7  }
0x324: {  	v10 =	vld [tilespmem:s0+$0x18000]  }
0x325: {  	v6 =	vmul.f32 v7, v6  }
0x326: {  	v11 =	vpop (erf)  }
0x327: {  	v6 =	vadd.f32 v6, v8;
	v55 =	vmul.f32 v11, v54  }
0x328: {  	v56 =	vpop (erf)  }
0x329: {  	v6 =	vadd.f32 v55, v6;
	v57 =	vmul.f32 v56, v10;
	_ =	sdelay $0x1  }
0x32a: {  	v6 =	vadd.f32 v57, v6;
	_ =	sdelay $0x1  }
0x32b: {  	v8 =	vand.u32 $0x7FFFFF, v6  }
0x32c: {  	v8 =	vor.u32 $0x3F800000, v8  }
0x32d: {  	v58 =	vadd.f32 $1.000000000e+00, v8;
	_ =	sdelay $0x1  }
0x32e: {  	(erf) = vrcp.f32 v58;
	_ =	sdelay $0x7  }
0x32f: {  	v8 =	vadd.f32 $-1.000000000e+00, v8  }
0x330: {  	v10 =	vpop (erf)  }
0x331: {  	v8 =	vmul.f32 v10, v8;
	_ =	sdelay $0x1  }
0x332: {  	v10 =	vmul.f32 v8, v8;
	_ =	sdelay $0x1  }
0x333: {  	v12 =	vmul.f32 $2.857142980e-01, v10;
	_ =	sdelay $0x1  }
0x334: {  	v12 =	vadd.f32 $4.000000060e-01, v12;
	_ =	sdelay $0x1  }
0x335: {  	v12 =	vmul.f32 v12, v10;
	_ =	sdelay $0x1  }
0x336: {  	v12 =	vadd.f32 $6.666666860e-01, v12  }
0x337: {  	[tilespmem:s31+$0x8030] =	vst v11  }
0x338: {  	v2 =	vadd.f32 v7, v2;
	[tilespmem:s0+$0x8030] =	vst v56;
	v6 =	vshra.s32 v6, $0x17;
	v59 =	vmul.f32 v12, v10  }
0x339: {  	v60 =	vadd.f32 v5, v4;
	v62 =	vld [tilespmem:$0x1C030];
	v61 =	vadd.s32 $0xFFFFFF81, v6  }
0x33a: {  	v2 =	vadd.f32 v11, v2;
	v5 =	vcvt.s32.f32 v61;
	v7 =	vadd.f32 $2.000000000e+00, v59  }
0x33b: {  	v4 =	vmul.f32 v60, v3;
	v63 =	vld [tilespmem:$0x1C0B0]  }
0x33c: {  	v2 =	vadd.f32 v56, v2;
	v5 =	vmul.f32 $6.931471820e-01, v5;
	v7 =	vmul.f32 v7, v8  }
0x33d: {  	v0 =	vadd.f32 v3, v0  }
0x33e: {  	v1 =	vadd.f32 v4, v1;
	v2 =	vmul.f32 v62, v2;
	v3 =	vadd.f32 v7, v5;
	_ =	sdelay $0x1  }
0x33f: {  	v1 =	vadd.f32 v63, v1;
	(erf) = vrcp.f32 v2;
	v0 =	vmul.f32 v3, v0;
	_ =	sdelay $0x1  }
0x340: {  	v0 =	vsub.f32 v1, v0;
	_ =	sdelay $0x1  }
0x341: {  	[tilespmem:$0x1C0B0] =	vst v0  }
0x342: {  	v0 =	vld [tilespmem:s29+$0x10030];
	_ =	sdelay $0x3  }
0x343: {  	v1 =	vpop (erf)  }
0x344: {  	s4 =	simm.s32 $0x200;
	s0 =	simm.s32 $0x0;
	v0 =	vmul.f32 v1, v0  }
.LBB2_49:
0x345: {  	p0 =	sne.s32 s4, $0xFE00;
	v1 =	vld [tilespmem:s0+$0x8030];
	_ =	sdelay $0x2  }
.Ltmp23:
0x346: {  	(pc) =	sbr.rel @p0 .LBB2_49-.Ltmp23, $3  }
0x347: {  	_ = 	snop  }
0x348: {  	v1 =	vmul.f32 v1, v0;
	_ =	sdelay $0x1  }
0x349: {  	[tilespmem:s0+$0x8030] =	vst v1;
	s0 =	sshra.s32 s4, $0x2;
	s4 =	sadd.s32 $0x200, s4  }
0x34a: {  	v1 =	vld [tilespmem:s0+$0x8030];
	_ =	sdelay $0x4  }
0x34b: {  	v0 =	vmul.f32 v1, v0;
	_ =	sdelay $0x1  }
0x34c: {  	s4 =	simm.s32 $0x0;
	[tilespmem:s0+$0x8030] =	vst v0  }
0x34d: {  	v0 =	vld [tilespmem:s4+$0x40];
	_ =	sdelay $0x3  }
0x34e: {  	v1 =	vld [tilespmem:s4+$0x14000]  }
0x34f: {  	s31 =	simm.s32 $0x80;
	v3 =	vld [tilespmem:s4+$0x4040];
	v2 =	vmul.f32 $1.442695020e+00, v0  }
0x350: {  	v4 =	vld [tilespmem:s31+$0x40]  }
0x351: {  	v5 =	vld [tilespmem:s31+$0x14000];
	(erf) = vpow2.f32 v2;
	_ =	sdelay $0x1  }
0x352: {  	v7 =	vld [tilespmem:s31+$0x4040]  }
0x353: {  	v0 =	vadd.f32 v1, v0  }
0x354: {  	s0 =	simm.s32 $0x100;
	v6 =	vld [tilespmem:s4+$0x18000];
	v9 =	vmul.f32 $1.442695020e+00, v4;
	v2 =	vimm.f32 $0.0e+00  }
0x355: {  	v1 =	vadd.f32 v5, v4;
	v4 =	vld [tilespmem:s0+$0x40];
	v0 =	vmul.f32 v0, v3;
	v3 =	vadd.f32 v3, v2  }
0x356: {  	v5 =	vld [tilespmem:s0+$0x14000];
	(erf) = vpow2.f32 v9  }
0x357: {  	v1 =	vmul.f32 v1, v7;
	v8 =	vadd.f32 v0, v2;
	v0 =	vadd.f32 v7, v3;
	v3 =	vld [tilespmem:s0+$0x4040];
	_ =	sdelay $0x1  }
0x358: {  	s16 =	simm.s32 $0x600;
	v1 =	vadd.f32 v1, v8;
	v8 =	vimm.f32 $0.0e+00;
	v7 =	vpop (erf)  }
.LBB2_51:
0x359: {  	s18 =	sshra.s32 s16, $0x2;
	p0 =	sne.s32 s16, $0xFE00;
	s16 =	sadd.s32 $0x200, s16;
	v9 =	vmul.f32 $1.442695020e+00, v4;
	v10 =	vmul.f32 v7, v6;
	v6 =	vld [tilespmem:s31+$0x18000];
	[tilespmem:s4+$0x8040] =	vst v7;
	v2 =	vadd.f32 v7, v2  }
.Ltmp24:
0x35a: {  	s4 =	smov.u32 s31;
	s31 =	smov.u32 s0;
	v7 =	vadd.f32 v5, v4;
	v4 =	vld [tilespmem:s18+$0x40];
	(pc) =	sbr.rel @p0 .LBB2_51-.Ltmp24, $3  }
0x35b: {  	s0 =	smov.u32 s18;
	v5 =	vld [tilespmem:s18+$0x14000];
	v0 =	vadd.f32 v3, v0;
	(erf) = vpow2.f32 v9;
	v8 =	vadd.f32 v10, v8  }
0x35c: {  	v9 =	vmul.f32 v7, v3;
	v3 =	vld [tilespmem:s0+$0x4040];
	_ =	sdelay $0x1  }
0x35d: {  	v1 =	vadd.f32 v9, v1;
	v7 =	vpop (erf)  }
0x35e: {  	v9 =	vmul.f32 $1.442695020e+00, v4;
	_ =	sdelay $0x1  }
0x35f: {  	(erf) = vpow2.f32 v9;
	_ =	sdelay $0x2  }
0x360: {  	v54 =	vld [tilespmem:s31+$0x18000]  }
0x361: {  	[tilespmem:s4+$0x8040] =	vst v7  }
0x362: {  	v10 =	vld [tilespmem:s0+$0x18000]  }
0x363: {  	v6 =	vmul.f32 v7, v6  }
0x364: {  	v11 =	vpop (erf)  }
0x365: {  	v6 =	vadd.f32 v6, v8;
	v55 =	vmul.f32 v11, v54  }
0x366: {  	v56 =	vpop (erf)  }
0x367: {  	v6 =	vadd.f32 v55, v6;
	v57 =	vmul.f32 v56, v10;
	_ =	sdelay $0x1  }
0x368: {  	v6 =	vadd.f32 v57, v6;
	_ =	sdelay $0x1  }
0x369: {  	v8 =	vand.u32 $0x7FFFFF, v6  }
0x36a: {  	v8 =	vor.u32 $0x3F800000, v8  }
0x36b: {  	v58 =	vadd.f32 $1.000000000e+00, v8;
	_ =	sdelay $0x1  }
0x36c: {  	(erf) = vrcp.f32 v58;
	_ =	sdelay $0x7  }
0x36d: {  	v8 =	vadd.f32 $-1.000000000e+00, v8  }
0x36e: {  	v10 =	vpop (erf)  }
0x36f: {  	v8 =	vmul.f32 v10, v8;
	_ =	sdelay $0x1  }
0x370: {  	v10 =	vmul.f32 v8, v8;
	_ =	sdelay $0x1  }
0x371: {  	v12 =	vmul.f32 $2.857142980e-01, v10;
	_ =	sdelay $0x1  }
0x372: {  	v12 =	vadd.f32 $4.000000060e-01, v12;
	_ =	sdelay $0x1  }
0x373: {  	v12 =	vmul.f32 v12, v10;
	_ =	sdelay $0x1  }
0x374: {  	v12 =	vadd.f32 $6.666666860e-01, v12  }
0x375: {  	[tilespmem:s31+$0x8040] =	vst v11  }
0x376: {  	v2 =	vadd.f32 v7, v2;
	[tilespmem:s0+$0x8040] =	vst v56;
	v6 =	vshra.s32 v6, $0x17;
	v59 =	vmul.f32 v12, v10  }
0x377: {  	v60 =	vadd.f32 v5, v4;
	v62 =	vld [tilespmem:$0x1C040];
	v61 =	vadd.s32 $0xFFFFFF81, v6  }
0x378: {  	v2 =	vadd.f32 v11, v2;
	v5 =	vcvt.s32.f32 v61;
	v7 =	vadd.f32 $2.000000000e+00, v59  }
0x379: {  	v4 =	vmul.f32 v60, v3;
	v63 =	vld [tilespmem:$0x1C0C0]  }
0x37a: {  	v2 =	vadd.f32 v56, v2;
	v5 =	vmul.f32 $6.931471820e-01, v5;
	v7 =	vmul.f32 v7, v8  }
0x37b: {  	v0 =	vadd.f32 v3, v0  }
0x37c: {  	v1 =	vadd.f32 v4, v1;
	v2 =	vmul.f32 v62, v2;
	v3 =	vadd.f32 v7, v5;
	_ =	sdelay $0x1  }
0x37d: {  	v1 =	vadd.f32 v63, v1;
	(erf) = vrcp.f32 v2;
	v0 =	vmul.f32 v3, v0;
	_ =	sdelay $0x1  }
0x37e: {  	v0 =	vsub.f32 v1, v0;
	_ =	sdelay $0x1  }
0x37f: {  	[tilespmem:$0x1C0C0] =	vst v0  }
0x380: {  	v0 =	vld [tilespmem:s30+$0x10000];
	_ =	sdelay $0x3  }
0x381: {  	v1 =	vpop (erf)  }
0x382: {  	s4 =	simm.s32 $0x200;
	s0 =	simm.s32 $0x0;
	v0 =	vmul.f32 v1, v0  }
.LBB2_53:
0x383: {  	p0 =	sne.s32 s4, $0xFE00;
	v1 =	vld [tilespmem:s0+$0x8040];
	_ =	sdelay $0x2  }
.Ltmp25:
0x384: {  	(pc) =	sbr.rel @p0 .LBB2_53-.Ltmp25, $3  }
0x385: {  	_ = 	snop  }
0x386: {  	v1 =	vmul.f32 v1, v0;
	_ =	sdelay $0x1  }
0x387: {  	[tilespmem:s0+$0x8040] =	vst v1;
	s0 =	sshra.s32 s4, $0x2;
	s4 =	sadd.s32 $0x200, s4  }
0x388: {  	v1 =	vld [tilespmem:s0+$0x8040];
	_ =	sdelay $0x4  }
0x389: {  	v0 =	vmul.f32 v1, v0;
	_ =	sdelay $0x1  }
0x38a: {  	s4 =	simm.s32 $0x0;
	[tilespmem:s0+$0x8040] =	vst v0  }
0x38b: {  	v0 =	vld [tilespmem:s4+$0x50];
	_ =	sdelay $0x3  }
0x38c: {  	v1 =	vld [tilespmem:s4+$0x14000]  }
0x38d: {  	s30 =	simm.s32 $0x80;
	v3 =	vld [tilespmem:s4+$0x4050];
	v2 =	vmul.f32 $1.442695020e+00, v0  }
0x38e: {  	v4 =	vld [tilespmem:s30+$0x50]  }
0x38f: {  	v5 =	vld [tilespmem:s30+$0x14000];
	(erf) = vpow2.f32 v2;
	_ =	sdelay $0x1  }
0x390: {  	v7 =	vld [tilespmem:s30+$0x4050]  }
0x391: {  	v0 =	vadd.f32 v1, v0  }
0x392: {  	s0 =	simm.s32 $0x100;
	v6 =	vld [tilespmem:s4+$0x18000];
	v9 =	vmul.f32 $1.442695020e+00, v4;
	v2 =	vimm.f32 $0.0e+00  }
0x393: {  	v1 =	vadd.f32 v5, v4;
	v4 =	vld [tilespmem:s0+$0x50];
	v0 =	vmul.f32 v0, v3;
	v3 =	vadd.f32 v3, v2  }
0x394: {  	v5 =	vld [tilespmem:s0+$0x14000];
	(erf) = vpow2.f32 v9  }
0x395: {  	v1 =	vmul.f32 v1, v7;
	v8 =	vadd.f32 v0, v2;
	v0 =	vadd.f32 v7, v3;
	v3 =	vld [tilespmem:s0+$0x4050];
	_ =	sdelay $0x1  }
0x396: {  	s16 =	simm.s32 $0x600;
	v1 =	vadd.f32 v1, v8;
	v8 =	vimm.f32 $0.0e+00;
	v7 =	vpop (erf)  }
.LBB2_55:
0x397: {  	s18 =	sshra.s32 s16, $0x2;
	p0 =	sne.s32 s16, $0xFE00;
	s16 =	sadd.s32 $0x200, s16;
	v9 =	vmul.f32 $1.442695020e+00, v4;
	v10 =	vmul.f32 v7, v6;
	v6 =	vld [tilespmem:s30+$0x18000];
	[tilespmem:s4+$0x8050] =	vst v7;
	v2 =	vadd.f32 v7, v2  }
.Ltmp26:
0x398: {  	s4 =	smov.u32 s30;
	s30 =	smov.u32 s0;
	v7 =	vadd.f32 v5, v4;
	v4 =	vld [tilespmem:s18+$0x50];
	(pc) =	sbr.rel @p0 .LBB2_55-.Ltmp26, $3  }
0x399: {  	s0 =	smov.u32 s18;
	v5 =	vld [tilespmem:s18+$0x14000];
	v0 =	vadd.f32 v3, v0;
	(erf) = vpow2.f32 v9;
	v8 =	vadd.f32 v10, v8  }
0x39a: {  	v9 =	vmul.f32 v7, v3;
	v3 =	vld [tilespmem:s0+$0x4050];
	_ =	sdelay $0x1  }
0x39b: {  	v1 =	vadd.f32 v9, v1;
	v7 =	vpop (erf)  }
0x39c: {  	v9 =	vmul.f32 $1.442695020e+00, v4;
	_ =	sdelay $0x1  }
0x39d: {  	(erf) = vpow2.f32 v9;
	_ =	sdelay $0x2  }
0x39e: {  	v54 =	vld [tilespmem:s30+$0x18000]  }
0x39f: {  	[tilespmem:s4+$0x8050] =	vst v7  }
0x3a0: {  	v10 =	vld [tilespmem:s0+$0x18000]  }
0x3a1: {  	v6 =	vmul.f32 v7, v6  }
0x3a2: {  	v11 =	vpop (erf)  }
0x3a3: {  	v6 =	vadd.f32 v6, v8;
	v55 =	vmul.f32 v11, v54  }
0x3a4: {  	v56 =	vpop (erf)  }
0x3a5: {  	v6 =	vadd.f32 v55, v6;
	v57 =	vmul.f32 v56, v10;
	_ =	sdelay $0x1  }
0x3a6: {  	v6 =	vadd.f32 v57, v6;
	_ =	sdelay $0x1  }
0x3a7: {  	v8 =	vand.u32 $0x7FFFFF, v6  }
0x3a8: {  	v8 =	vor.u32 $0x3F800000, v8  }
0x3a9: {  	v58 =	vadd.f32 $1.000000000e+00, v8;
	_ =	sdelay $0x1  }
0x3aa: {  	(erf) = vrcp.f32 v58;
	_ =	sdelay $0x7  }
0x3ab: {  	v8 =	vadd.f32 $-1.000000000e+00, v8  }
0x3ac: {  	v10 =	vpop (erf)  }
0x3ad: {  	v8 =	vmul.f32 v10, v8;
	_ =	sdelay $0x1  }
0x3ae: {  	v10 =	vmul.f32 v8, v8;
	_ =	sdelay $0x1  }
0x3af: {  	v12 =	vmul.f32 $2.857142980e-01, v10;
	_ =	sdelay $0x1  }
0x3b0: {  	v12 =	vadd.f32 $4.000000060e-01, v12;
	_ =	sdelay $0x1  }
0x3b1: {  	v12 =	vmul.f32 v12, v10;
	_ =	sdelay $0x1  }
0x3b2: {  	v12 =	vadd.f32 $6.666666860e-01, v12  }
0x3b3: {  	[tilespmem:s30+$0x8050] =	vst v11  }
0x3b4: {  	v2 =	vadd.f32 v7, v2;
	[tilespmem:s0+$0x8050] =	vst v56;
	v6 =	vshra.s32 v6, $0x17;
	v59 =	vmul.f32 v12, v10  }
0x3b5: {  	v60 =	vadd.f32 v5, v4;
	v62 =	vld [tilespmem:$0x1C050];
	v61 =	vadd.s32 $0xFFFFFF81, v6  }
0x3b6: {  	v2 =	vadd.f32 v11, v2;
	v5 =	vcvt.s32.f32 v61;
	v7 =	vadd.f32 $2.000000000e+00, v59  }
0x3b7: {  	v4 =	vmul.f32 v60, v3;
	v63 =	vld [tilespmem:$0x1C0D0]  }
0x3b8: {  	v2 =	vadd.f32 v56, v2;
	v5 =	vmul.f32 $6.931471820e-01, v5;
	v7 =	vmul.f32 v7, v8  }
0x3b9: {  	v0 =	vadd.f32 v3, v0  }
0x3ba: {  	v1 =	vadd.f32 v4, v1;
	v2 =	vmul.f32 v62, v2;
	v3 =	vadd.f32 v7, v5;
	_ =	sdelay $0x1  }
0x3bb: {  	v1 =	vadd.f32 v63, v1;
	(erf) = vrcp.f32 v2;
	v0 =	vmul.f32 v3, v0;
	_ =	sdelay $0x1  }
0x3bc: {  	v0 =	vsub.f32 v1, v0;
	_ =	sdelay $0x1  }
0x3bd: {  	[tilespmem:$0x1C0D0] =	vst v0  }
0x3be: {  	v0 =	vld [tilespmem:s29+$0x10050];
	_ =	sdelay $0x3  }
0x3bf: {  	v1 =	vpop (erf)  }
0x3c0: {  	s4 =	simm.s32 $0x200;
	s0 =	simm.s32 $0x0;
	v0 =	vmul.f32 v1, v0  }
.LBB2_57:
0x3c1: {  	p0 =	sne.s32 s4, $0xFE00;
	v1 =	vld [tilespmem:s0+$0x8050];
	_ =	sdelay $0x2  }
.Ltmp27:
0x3c2: {  	(pc) =	sbr.rel @p0 .LBB2_57-.Ltmp27, $3  }
0x3c3: {  	_ = 	snop  }
0x3c4: {  	v1 =	vmul.f32 v1, v0;
	_ =	sdelay $0x1  }
0x3c5: {  	[tilespmem:s0+$0x8050] =	vst v1;
	s0 =	sshra.s32 s4, $0x2;
	s4 =	sadd.s32 $0x200, s4  }
0x3c6: {  	v1 =	vld [tilespmem:s0+$0x8050];
	_ =	sdelay $0x4  }
0x3c7: {  	v0 =	vmul.f32 v1, v0;
	_ =	sdelay $0x1  }
0x3c8: {  	s4 =	simm.s32 $0x0;
	[tilespmem:s0+$0x8050] =	vst v0  }
0x3c9: {  	v0 =	vld [tilespmem:s4+$0x60];
	_ =	sdelay $0x3  }
0x3ca: {  	v1 =	vld [tilespmem:s4+$0x14000]  }
0x3cb: {  	s30 =	simm.s32 $0x80;
	v3 =	vld [tilespmem:s4+$0x4060];
	v2 =	vmul.f32 $1.442695020e+00, v0  }
0x3cc: {  	v4 =	vld [tilespmem:s30+$0x60]  }
0x3cd: {  	v5 =	vld [tilespmem:s30+$0x14000];
	(erf) = vpow2.f32 v2;
	_ =	sdelay $0x1  }
0x3ce: {  	v7 =	vld [tilespmem:s30+$0x4060]  }
0x3cf: {  	v0 =	vadd.f32 v1, v0  }
0x3d0: {  	s0 =	simm.s32 $0x100;
	v6 =	vld [tilespmem:s4+$0x18000];
	v9 =	vmul.f32 $1.442695020e+00, v4;
	v2 =	vimm.f32 $0.0e+00  }
0x3d1: {  	v1 =	vadd.f32 v5, v4;
	v4 =	vld [tilespmem:s0+$0x60];
	v0 =	vmul.f32 v0, v3;
	v3 =	vadd.f32 v3, v2  }
0x3d2: {  	v5 =	vld [tilespmem:s0+$0x14000];
	(erf) = vpow2.f32 v9  }
0x3d3: {  	v1 =	vmul.f32 v1, v7;
	v8 =	vadd.f32 v0, v2;
	v0 =	vadd.f32 v7, v3;
	v3 =	vld [tilespmem:s0+$0x4060];
	_ =	sdelay $0x1  }
0x3d4: {  	s16 =	simm.s32 $0x600;
	v1 =	vadd.f32 v1, v8;
	v8 =	vimm.f32 $0.0e+00;
	v7 =	vpop (erf)  }
.LBB2_59:
0x3d5: {  	s18 =	sshra.s32 s16, $0x2;
	p0 =	sne.s32 s16, $0xFE00;
	s16 =	sadd.s32 $0x200, s16;
	v9 =	vmul.f32 $1.442695020e+00, v4;
	v10 =	vmul.f32 v7, v6;
	v6 =	vld [tilespmem:s30+$0x18000];
	[tilespmem:s4+$0x8060] =	vst v7;
	v2 =	vadd.f32 v7, v2  }
.Ltmp28:
0x3d6: {  	s4 =	smov.u32 s30;
	s30 =	smov.u32 s0;
	v7 =	vadd.f32 v5, v4;
	v4 =	vld [tilespmem:s18+$0x60];
	(pc) =	sbr.rel @p0 .LBB2_59-.Ltmp28, $3  }
0x3d7: {  	s0 =	smov.u32 s18;
	v5 =	vld [tilespmem:s18+$0x14000];
	v0 =	vadd.f32 v3, v0;
	(erf) = vpow2.f32 v9;
	v8 =	vadd.f32 v10, v8  }
0x3d8: {  	v9 =	vmul.f32 v7, v3;
	v3 =	vld [tilespmem:s0+$0x4060];
	_ =	sdelay $0x1  }
0x3d9: {  	v1 =	vadd.f32 v9, v1;
	v7 =	vpop (erf)  }
0x3da: {  	v9 =	vmul.f32 $1.442695020e+00, v4;
	_ =	sdelay $0x1  }
0x3db: {  	(erf) = vpow2.f32 v9;
	_ =	sdelay $0x2  }
0x3dc: {  	v54 =	vld [tilespmem:s30+$0x18000]  }
0x3dd: {  	[tilespmem:s4+$0x8060] =	vst v7  }
0x3de: {  	v10 =	vld [tilespmem:s0+$0x18000]  }
0x3df: {  	v6 =	vmul.f32 v7, v6  }
0x3e0: {  	v11 =	vpop (erf)  }
0x3e1: {  	v6 =	vadd.f32 v6, v8;
	v55 =	vmul.f32 v11, v54  }
0x3e2: {  	v56 =	vpop (erf)  }
0x3e3: {  	v6 =	vadd.f32 v55, v6;
	v57 =	vmul.f32 v56, v10;
	_ =	sdelay $0x1  }
0x3e4: {  	v6 =	vadd.f32 v57, v6;
	_ =	sdelay $0x1  }
0x3e5: {  	v8 =	vand.u32 $0x7FFFFF, v6  }
0x3e6: {  	v8 =	vor.u32 $0x3F800000, v8  }
0x3e7: {  	v58 =	vadd.f32 $1.000000000e+00, v8;
	_ =	sdelay $0x1  }
0x3e8: {  	(erf) = vrcp.f32 v58;
	_ =	sdelay $0x7  }
0x3e9: {  	v8 =	vadd.f32 $-1.000000000e+00, v8  }
0x3ea: {  	v10 =	vpop (erf)  }
0x3eb: {  	v8 =	vmul.f32 v10, v8;
	_ =	sdelay $0x1  }
0x3ec: {  	v10 =	vmul.f32 v8, v8;
	_ =	sdelay $0x1  }
0x3ed: {  	v12 =	vmul.f32 $2.857142980e-01, v10;
	_ =	sdelay $0x1  }
0x3ee: {  	v12 =	vadd.f32 $4.000000060e-01, v12;
	_ =	sdelay $0x1  }
0x3ef: {  	v12 =	vmul.f32 v12, v10;
	_ =	sdelay $0x1  }
0x3f0: {  	v12 =	vadd.f32 $6.666666860e-01, v12  }
0x3f1: {  	[tilespmem:s30+$0x8060] =	vst v11  }
0x3f2: {  	v2 =	vadd.f32 v7, v2;
	[tilespmem:s0+$0x8060] =	vst v56;
	v6 =	vshra.s32 v6, $0x17;
	v59 =	vmul.f32 v12, v10  }
0x3f3: {  	v60 =	vadd.f32 v5, v4;
	v62 =	vld [tilespmem:$0x1C060];
	v61 =	vadd.s32 $0xFFFFFF81, v6  }
0x3f4: {  	v2 =	vadd.f32 v11, v2;
	v5 =	vcvt.s32.f32 v61;
	v7 =	vadd.f32 $2.000000000e+00, v59  }
0x3f5: {  	v4 =	vmul.f32 v60, v3;
	v63 =	vld [tilespmem:$0x1C0E0]  }
0x3f6: {  	v2 =	vadd.f32 v56, v2;
	v5 =	vmul.f32 $6.931471820e-01, v5;
	v7 =	vmul.f32 v7, v8  }
0x3f7: {  	v0 =	vadd.f32 v3, v0  }
0x3f8: {  	v1 =	vadd.f32 v4, v1;
	v2 =	vmul.f32 v62, v2;
	v3 =	vadd.f32 v7, v5;
	_ =	sdelay $0x1  }
0x3f9: {  	v1 =	vadd.f32 v63, v1;
	(erf) = vrcp.f32 v2;
	v0 =	vmul.f32 v3, v0;
	_ =	sdelay $0x1  }
0x3fa: {  	v0 =	vsub.f32 v1, v0;
	_ =	sdelay $0x1  }
0x3fb: {  	[tilespmem:$0x1C0E0] =	vst v0  }
0x3fc: {  	v0 =	vld [tilespmem:s29+$0x10060];
	_ =	sdelay $0x3  }
0x3fd: {  	v1 =	vpop (erf)  }
0x3fe: {  	s4 =	simm.s32 $0x200;
	s0 =	simm.s32 $0x0;
	v0 =	vmul.f32 v1, v0  }
.LBB2_61:
0x3ff: {  	p0 =	sne.s32 s4, $0xFE00;
	v1 =	vld [tilespmem:s0+$0x8060];
	_ =	sdelay $0x2  }
.Ltmp29:
0x400: {  	(pc) =	sbr.rel @p0 .LBB2_61-.Ltmp29, $3  }
0x401: {  	_ = 	snop  }
0x402: {  	v1 =	vmul.f32 v1, v0;
	_ =	sdelay $0x1  }
0x403: {  	[tilespmem:s0+$0x8060] =	vst v1;
	s0 =	sshra.s32 s4, $0x2;
	s4 =	sadd.s32 $0x200, s4  }
0x404: {  	v1 =	vld [tilespmem:s0+$0x8060];
	_ =	sdelay $0x4  }
0x405: {  	v0 =	vmul.f32 v1, v0;
	_ =	sdelay $0x1  }
0x406: {  	s4 =	simm.s32 $0x0;
	[tilespmem:s0+$0x8060] =	vst v0  }
0x407: {  	v0 =	vld [tilespmem:s4+$0x70];
	_ =	sdelay $0x3  }
0x408: {  	v1 =	vld [tilespmem:s4+$0x14000]  }
0x409: {  	s30 =	simm.s32 $0x80;
	v3 =	vld [tilespmem:s4+$0x4070];
	v2 =	vmul.f32 $1.442695020e+00, v0  }
0x40a: {  	v4 =	vld [tilespmem:s30+$0x70]  }
0x40b: {  	v5 =	vld [tilespmem:s30+$0x14000];
	(erf) = vpow2.f32 v2;
	_ =	sdelay $0x1  }
0x40c: {  	v7 =	vld [tilespmem:s30+$0x4070]  }
0x40d: {  	v0 =	vadd.f32 v1, v0  }
0x40e: {  	s0 =	simm.s32 $0x100;
	v6 =	vld [tilespmem:s4+$0x18000];
	v9 =	vmul.f32 $1.442695020e+00, v4;
	v2 =	vimm.f32 $0.0e+00  }
0x40f: {  	v1 =	vadd.f32 v5, v4;
	v4 =	vld [tilespmem:s0+$0x70];
	v0 =	vmul.f32 v0, v3;
	v3 =	vadd.f32 v3, v2  }
0x410: {  	v5 =	vld [tilespmem:s0+$0x14000];
	(erf) = vpow2.f32 v9  }
0x411: {  	v1 =	vmul.f32 v1, v7;
	v8 =	vadd.f32 v0, v2;
	v0 =	vadd.f32 v7, v3;
	v3 =	vld [tilespmem:s0+$0x4070];
	_ =	sdelay $0x1  }
0x412: {  	s16 =	simm.s32 $0x600;
	v1 =	vadd.f32 v1, v8;
	v8 =	vimm.f32 $0.0e+00;
	v7 =	vpop (erf)  }
.LBB2_63:
0x413: {  	s18 =	sshra.s32 s16, $0x2;
	p0 =	sne.s32 s16, $0xFE00;
	s16 =	sadd.s32 $0x200, s16;
	v9 =	vmul.f32 $1.442695020e+00, v4;
	v10 =	vmul.f32 v7, v6;
	v6 =	vld [tilespmem:s30+$0x18000];
	[tilespmem:s4+$0x8070] =	vst v7;
	v2 =	vadd.f32 v7, v2  }
.Ltmp30:
0x414: {  	s4 =	smov.u32 s30;
	s30 =	smov.u32 s0;
	v7 =	vadd.f32 v5, v4;
	v4 =	vld [tilespmem:s18+$0x70];
	(pc) =	sbr.rel @p0 .LBB2_63-.Ltmp30, $3  }
0x415: {  	s0 =	smov.u32 s18;
	v5 =	vld [tilespmem:s18+$0x14000];
	v0 =	vadd.f32 v3, v0;
	(erf) = vpow2.f32 v9;
	v8 =	vadd.f32 v10, v8  }
0x416: {  	v9 =	vmul.f32 v7, v3;
	v3 =	vld [tilespmem:s0+$0x4070];
	_ =	sdelay $0x1  }
0x417: {  	v1 =	vadd.f32 v9, v1;
	v7 =	vpop (erf)  }
0x418: {  	v9 =	vmul.f32 $1.442695020e+00, v4;
	_ =	sdelay $0x1  }
0x419: {  	(erf) = vpow2.f32 v9;
	_ =	sdelay $0x2  }
0x41a: {  	v54 =	vld [tilespmem:s30+$0x18000]  }
0x41b: {  	[tilespmem:s4+$0x8070] =	vst v7  }
0x41c: {  	v10 =	vld [tilespmem:s0+$0x18000]  }
0x41d: {  	v6 =	vmul.f32 v7, v6  }
0x41e: {  	v11 =	vpop (erf)  }
0x41f: {  	v6 =	vadd.f32 v6, v8;
	v55 =	vmul.f32 v11, v54  }
0x420: {  	v56 =	vpop (erf)  }
0x421: {  	v6 =	vadd.f32 v55, v6;
	v57 =	vmul.f32 v56, v10;
	_ =	sdelay $0x1  }
0x422: {  	v6 =	vadd.f32 v57, v6;
	_ =	sdelay $0x1  }
0x423: {  	v8 =	vand.u32 $0x7FFFFF, v6  }
0x424: {  	v8 =	vor.u32 $0x3F800000, v8  }
0x425: {  	v58 =	vadd.f32 $1.000000000e+00, v8;
	_ =	sdelay $0x1  }
0x426: {  	(erf) = vrcp.f32 v58;
	_ =	sdelay $0x7  }
0x427: {  	v8 =	vadd.f32 $-1.000000000e+00, v8  }
0x428: {  	v10 =	vpop (erf)  }
0x429: {  	v8 =	vmul.f32 v10, v8;
	_ =	sdelay $0x1  }
0x42a: {  	v10 =	vmul.f32 v8, v8;
	_ =	sdelay $0x1  }
0x42b: {  	v12 =	vmul.f32 $2.857142980e-01, v10;
	_ =	sdelay $0x1  }
0x42c: {  	v12 =	vadd.f32 $4.000000060e-01, v12;
	_ =	sdelay $0x1  }
0x42d: {  	v12 =	vmul.f32 v12, v10;
	_ =	sdelay $0x1  }
0x42e: {  	v12 =	vadd.f32 $6.666666860e-01, v12  }
0x42f: {  	[tilespmem:s30+$0x8070] =	vst v11  }
0x430: {  	v2 =	vadd.f32 v7, v2;
	[tilespmem:s0+$0x8070] =	vst v56;
	v6 =	vshra.s32 v6, $0x17;
	v59 =	vmul.f32 v12, v10  }
0x431: {  	v60 =	vadd.f32 v5, v4;
	v62 =	vld [tilespmem:$0x1C070];
	v61 =	vadd.s32 $0xFFFFFF81, v6  }
0x432: {  	v2 =	vadd.f32 v11, v2;
	v5 =	vcvt.s32.f32 v61;
	v7 =	vadd.f32 $2.000000000e+00, v59  }
0x433: {  	v4 =	vmul.f32 v60, v3;
	v63 =	vld [tilespmem:$0x1C0F0]  }
0x434: {  	v2 =	vadd.f32 v56, v2;
	v5 =	vmul.f32 $6.931471820e-01, v5;
	v7 =	vmul.f32 v7, v8  }
0x435: {  	v0 =	vadd.f32 v3, v0  }
0x436: {  	v1 =	vadd.f32 v4, v1;
	v2 =	vmul.f32 v62, v2;
	v3 =	vadd.f32 v7, v5;
	_ =	sdelay $0x1  }
0x437: {  	v1 =	vadd.f32 v63, v1;
	(erf) = vrcp.f32 v2;
	v0 =	vmul.f32 v3, v0;
	_ =	sdelay $0x1  }
0x438: {  	v0 =	vsub.f32 v1, v0;
	_ =	sdelay $0x1  }
0x439: {  	[tilespmem:$0x1C0F0] =	vst v0  }
0x43a: {  	v0 =	vld [tilespmem:s29+$0x10070];
	_ =	sdelay $0x3  }
0x43b: {  	v1 =	vpop (erf)  }
0x43c: {  	s4 =	simm.s32 $0x200;
	s0 =	simm.s32 $0x0;
	v0 =	vmul.f32 v1, v0  }
.LBB2_65:
0x43d: {  	p0 =	sne.s32 s4, $0xFE00;
	v1 =	vld [tilespmem:s0+$0x8070];
	_ =	sdelay $0x2  }
.Ltmp31:
0x43e: {  	(pc) =	sbr.rel @p0 .LBB2_65-.Ltmp31, $3  }
0x43f: {  	_ = 	snop  }
0x440: {  	v1 =	vmul.f32 v1, v0;
	_ =	sdelay $0x1  }
0x441: {  	[tilespmem:s0+$0x8070] =	vst v1;
	s0 =	sshra.s32 s4, $0x2;
	s4 =	sadd.s32 $0x200, s4  }
0x442: {  	v1 =	vld [tilespmem:s0+$0x8070];
	_ =	sdelay $0x4  }
0x443: {  	s26 =	sadd.s32 $0x1, s26;
	v0 =	vmul.f32 v1, v0  }
0x444: {  	p0 =	sne.s32 s26, $0x40  }
.Ltmp32:
0x445: {  	s31 =	sadd.s32 s3, s28;
	[tilespmem:s0+$0x8070] =	vst v0;
	(pc) =	sbr.rel @p0 .LBB2_34-.Ltmp32, $4  }
0x446: {  	[hbm4b:s31+s14] =	stream.strided.scatter [tilespmem:s15], [sflag:$0x1], $0x4000, s15, s14, $0x38;
	[tilespmem:$0x1C100] =	vst v63  }
0x447: {  	_ =	swait.ge [sflag:s17], $0x4000  }
0x448: {  	[sflag:s17] =	ssyncset.done $0x0  }
0x449: {  	[sflag:s17] =	ssyncadd.s32 $0xFFFFC000  }
0x44a: {  	v0 =	vld [tilespmem:$0x1C080];
	_ =	sdelay $0x1  }
0x44b: {  	v1 =	vld [tilespmem:$0x1C090];
	_ =	sdelay $0x1  }
0x44c: {  	v2 =	vld [tilespmem:$0x1C0A0]  }
0x44d: {  	v0 =	vadd.f32 $0.0e+00, v0  }
0x44e: {  	v3 =	vld [tilespmem:$0x1C0B0]  }
0x44f: {  	v0 =	vadd.f32 v1, v0  }
0x450: {  	v60 =	vld [tilespmem:$0x1C0C0]  }
0x451: {  	v0 =	vadd.f32 v2, v0  }
0x452: {  	v61 =	vld [tilespmem:$0x1C0D0]  }
0x453: {  	v0 =	vadd.f32 v3, v0  }
0x454: {  	v62 =	vld [tilespmem:$0x1C0E0]  }
0x455: {  	v0 =	vadd.f32 v60, v0  }
0x456: {  	v63 =	vld [tilespmem:$0x1C0F0]  }
0x457: {  	v0 =	vadd.f32 v61, v0;
	_ =	sdelay $0x1  }
0x458: {  	v0 =	vadd.f32 v62, v0;
	_ =	sdelay $0x1  }
0x459: {  	s24 =	sadd.s32 $0x1, s24;
	v0 =	vadd.f32 v63, v0  }
0x45a: {  	p0 =	sne.s32 s24, s13  }
.Ltmp33:
0x45b: {  	[tilespmem:$0x1C080] =	vst v0;
	(pc) =	sbr.rel @p0 .LBB2_1-.Ltmp33, $4  }
0x45c: {  	[hbm4b:s12+s5] =	stream.linear.scatter [tilespmem:s23], [sflag:$0x1], $0x10, $0x38;
	[tilespmem:$0x1C100] =	vst v63  }
0x45d: {  	_ =	swait.ge [sflag:s17], $0x10  }
0x45e: {  	[sflag:s17] =	ssyncset.done $0x0  }
0x45f: {  	[sflag:s17] =	ssyncadd.s32 $0xFFFFFFF0  }
0x460: {  	_ =	sfence.sel $0x180000  }
0x461: {  	[bflag:$0x0] =	sbarrier.arrive $0xFFFF  }
0x462: {  	_ =	strace $0x90000047  }
0x463: {  	s0 =	stileid.u32;
	[bflag:$0x2] =	sbarrier.arrive $0xFFFF  }
0x464: {  	p0 =	sne.s32 s0, $0x0;
	s0 =	rddreg [dreg:$0x4]  }
0x465: {  	s0 =	sadd.s32 @!p0 $0x100000, s0  }
0x466: {  	[sflag:s0] =	ssyncadd.tile.s32 @!p0 $0x1;
	_ =	shalt  }
.Lfunc_end2:
_tile_overlayer_lowered:
.L_overlay_start_2:
0x467: {  	(tag) =	ssettag $0x2  }
0x468: {  	s0 =	rddreg [dreg:$0x0];
	s2 =	stileid.u32  }
0x469: {  	s1 =	rddreg [dreg:$0x1];
	p0 =	sne.s32 s2, $0x0  }
0x46a: {  	s3 =	rddreg [dreg:$0x2];
	[bflag:$0x3] =	sbarrier.arrive $0xFFFF;
	s2 =	simm.s32 @!p0 $0x1C01  }
0x46b: {  	[timem:s3], [sflag:s2] =	dma.local @!p0 [hbm:s0], s1  }
0x46c: {  	s0 =	simm.s32 @!p0 $0x1  }
0x46d: {  	_ =	swait.ge @!p0 [sflag:s0], s1  }
0x46e: {  	s1 =	ssub.s32 @!p0 $0x0, s1;
	[sflag:s0] =	ssyncset.done @!p0 $0x0  }
0x46f: {  	[sflag:s0] =	ssyncadd.s32 @!p0 s1  }
0x470: {  	[bflag:$0x3] =	sbarrier.arrive $0xFFFF  }
0x471: {  	_ =	shalt  }

</sc_bundles>
